<compile_context>
chip_gen: v7x
topology: tpu7x:2x2x1
jax: 0.10.2.dev20260603
libtpu: 0.0.44.dev20260713+nightly
codegen_flags: <defaults>
</compile_context>

<pallas_src>
import functools

import jax
import jax.numpy as jnp
from jax import lax
from jax.experimental import pallas as pl
from jax.experimental.pallas import tpu as pltpu
from jax.experimental.pallas import tpu_sc as plsc

NC = 2
NS = 16
NW = NC * NS
N = 64 * 1024
C = 128
T = N // NW // C
D_OBS = 256
D_ACT = 16
D_AR = 128
D_OUT = D_OBS + D_ACT + 1
D_PAD = 384

_mesh = plsc.VectorSubcoreMesh(core_axis_name="c", subcore_axis_name="s")


@functools.partial(
    pl.kernel,
    mesh=_mesh,
    out_type=jax.ShapeDtypeStruct((N, D_PAD), jnp.float32),
    scratch_types=[
        pltpu.VMEM((T, C), jnp.int32),
        pltpu.VMEM((C, D_OBS), jnp.float32),
        pltpu.VMEM((C, D_OBS), jnp.float32),
        pltpu.VMEM((C, D_AR), jnp.float32),
        pltpu.VMEM((C, D_AR), jnp.float32),
        pltpu.SemaphoreType.DMA,
        pltpu.SemaphoreType.DMA,
        pltpu.SemaphoreType.DMA,
        pltpu.SemaphoreType.DMA,
    ],
)
def _gather_all(obs_hbm, ar_hbm, idx_hbm, out_hbm,
                idx_v, o0, o1, a0, a1, sg0, sg1, sw0, sw1):
    NB = 2
    obufs = (o0, o1)
    abufs = (a0, a1)
    gsem = (sg0, sg1)
    wsem = (sw0, sw1)
    wid = lax.axis_index("s") * NC + lax.axis_index("c")
    pltpu.sync_copy(idx_hbm.at[pl.ds(wid * T, T)], idx_v)

    gcp = {}
    wcp = [None] * NB

    def fire(t):
        b = t % NB
        cpo = pltpu.async_copy(obs_hbm.at[idx_v.at[t]], obufs[b], gsem[b])
        cpa = pltpu.async_copy(ar_hbm.at[idx_v.at[t]], abufs[b], gsem[b])
        gcp[t] = (cpo, cpa)

    fire(0)
    for t in range(T):
        b = t % NB
        tn = t + 1
        if tn < T:
            bn = tn % NB
            if wcp[bn] is not None:
                for w in wcp[bn]:
                    w.wait()
                wcp[bn] = None
            fire(tn)
        for cp in gcp.pop(t):
            cp.wait()
        row0 = wid * T * C + t * C
        wo = pltpu.async_copy(
            obufs[b], out_hbm.at[pl.ds(row0, C), pl.ds(0, D_OBS)], wsem[b])
        wa = pltpu.async_copy(
            abufs[b], out_hbm.at[pl.ds(row0, C), pl.ds(D_OBS, D_AR)], wsem[b])
        wcp[b] = (wo, wa)
    for ws in wcp:
        if ws is not None:
            for w in ws:
                w.wait()


def kernel(obs, actions, rewards, batch_indices):
    obs_f = obs.reshape(N, D_OBS)
    ar_f = jnp.concatenate(
        [actions.reshape(N, D_ACT), rewards.reshape(N, 1),
         jnp.zeros((N, D_AR - D_ACT - 1), jnp.float32)], axis=-1)
    idx = batch_indices.reshape(N // C, C)
    out = _gather_all(obs_f, ar_f, idx)
    return out[:, :D_OUT].reshape(64, 1024, D_OUT)

# --- scband reference (transcript-rebuilt; emitter-appended) ---
"""Pipeline reference for scband-abstract-buffer-19713899888829 (READ-ONLY COPY).

The authoritative reference and input builder live on the scoring server;
editing this copy changes nothing except your own understanding.
"""

import jax, jax.numpy as jnp
import numpy as np


def setup_inputs(seed: int = 0) -> dict:
    key = jax.random.key(seed)
    k1, k2, k3, k4 = jax.random.split(key, 4)
    obs = jax.random.normal(k1, (64, 1024, 256), dtype=jnp.float32)
    actions = jax.random.normal(k2, (64, 1024, 16), dtype=jnp.float32)
    rewards = jax.random.normal(k3, (64, 1024), dtype=jnp.float32)
    # index groups as produced by AbstractBuffer.batch_indices(batch_size=1024) after a permutation
    batch_indices = jax.random.randint(k4, (64, 1024), 0, 64 * 1024, dtype=jnp.int32)
    return {"obs": obs, "actions": actions, "rewards": rewards, "batch_indices": batch_indices}


def _flatten_leading(x):
    # AbstractBuffer.flatten_axes with batch_axes=(0, 1): moveaxis((0,1)->(0,1)) is identity,
    # then reshape merges the two leading axes.
    return x.reshape((x.shape[0] * x.shape[1],) + x.shape[2:])


def reference(obs, actions, rewards, batch_indices):
    # flatten_axes((0,1)) applied to every leaf of the buffer pytree
    obs_f = _flatten_leading(obs)        # [65536, 256]
    act_f = _flatten_leading(actions)    # [65536, 16]
    rew_f = _flatten_leading(rewards)    # [65536]
    # batches(): jax.tree.map(lambda x: jnp.take(x, indices, axis=0), flat_self)
    obs_b = jnp.take(obs_f, batch_indices, axis=0)   # [64, 1024, 256]
    act_b = jnp.take(act_f, batch_indices, axis=0)   # [64, 1024, 16]
    rew_b = jnp.take(rew_f, batch_indices, axis=0)   # [64, 1024]
    # pack leaves into one array so downstream harness gets a single output
    out = jnp.concatenate([obs_b, act_b, rew_b[..., None]], axis=-1)  # [64, 1024, 273]
    return out

if __name__ == "__main__":
    import jax
    _d = setup_inputs()
    print(jax.jit(kernel)(*tuple(_d.values())))

</pallas_src>

<mosaic_0001>
#map = affine_map<(d0, d1) -> (0, 0)>
module attributes {stable_mosaic.version = 14 : i64} {
  func.func @_gather_all(%arg0: i32, %arg1: i32, %arg2: memref<65536x256xf32, #tpu.memory_space<hbm>>, %arg3: memref<65536x128xf32, #tpu.memory_space<hbm>>, %arg4: memref<512x128xi32, #tpu.memory_space<hbm>>, %arg5: memref<65536x384xf32, #tpu.memory_space<hbm>>, %arg6: memref<16x128xi32, #tpu.memory_space<vmem>>, %arg7: memref<128x256xf32, #tpu.memory_space<vmem>>, %arg8: memref<128x256xf32, #tpu.memory_space<vmem>>, %arg9: memref<128x128xf32, #tpu.memory_space<vmem>>, %arg10: memref<128x128xf32, #tpu.memory_space<vmem>>, %arg11: memref<!tpu.dma_semaphore, #tpu.memory_space<semaphore_mem>>, %arg12: memref<!tpu.dma_semaphore, #tpu.memory_space<semaphore_mem>>, %arg13: memref<!tpu.dma_semaphore, #tpu.memory_space<semaphore_mem>>, %arg14: memref<!tpu.dma_semaphore, #tpu.memory_space<semaphore_mem>>) attributes {dimension_semantics = [#tpu.dimension_semantics<core_parallel>, #tpu.dimension_semantics<subcore_parallel>], iteration_bounds = array<i64: 2, 16>, scalar_prefetch = 0 : i64, scratch_operands = 9 : i64, tpu.core_type = #tpu.core_type<sc_vector_subcore>, window_params = [{transform_indices = #map}, {transform_indices = #map}, {transform_indices = #map}, {transform_indices = #map}]} {
    %mul3A = arith.constant 2 : i32
    %mul3A_0 = arith.muli %arg1, %mul3A : i32
    %add3A = arith.addi %mul3A_0, %arg0 : i32
    %mul3A_1 = arith.constant 16 : i32
    %mul3A_2 = arith.muli %add3A, %mul3A_1 : i32
    "tpu.region"() ({
      %run_scoped3A = tpu.sem_alloc : memref<!tpu.dma_semaphore, #tpu.memory_space<semaphore_mem>>
      %dma_start3A_801 = arith.constant 0 : i32
      %dma_start3A_802 = tpu.memref_slice %arg4[%mul3A_2, %dma_start3A_801] : memref<512x128xi32, #tpu.memory_space<hbm>> -> memref<16x128xi32, #tpu.memory_space<hbm>>
      %dma_start3A_803 = arith.constant 0 : i32
      %dma_start3A_804 = tpu.memref_slice %arg4[%mul3A_2, %dma_start3A_803] : memref<512x128xi32, #tpu.memory_space<hbm>> -> memref<16x128xi32, #tpu.memory_space<hbm>>
      tpu.enqueue_dma source(%dma_start3A_804 : memref<16x128xi32, #tpu.memory_space<hbm>>) target(%arg6 : memref<16x128xi32, #tpu.memory_space<vmem>>) target_semaphore(%run_scoped3A : memref<!tpu.dma_semaphore, #tpu.memory_space<semaphore_mem>>)
      %dma_wait3A_805 = arith.constant 0 : i32
      %dma_wait3A_806 = tpu.memref_slice %arg4[%mul3A_2, %dma_wait3A_805] : memref<512x128xi32, #tpu.memory_space<hbm>> -> memref<16x128xi32, #tpu.memory_space<hbm>>
      %dma_wait3A_807 = arith.constant 0 : i32
      %dma_wait3A_808 = tpu.memref_slice %arg4[%mul3A_2, %dma_wait3A_807] : memref<512x128xi32, #tpu.memory_space<hbm>> -> memref<16x128xi32, #tpu.memory_space<hbm>>
      tpu.wait_dma2 semaphore(%run_scoped3A : memref<!tpu.dma_semaphore, #tpu.memory_space<semaphore_mem>>) src(%dma_wait3A_808 : memref<16x128xi32, #tpu.memory_space<hbm>>) dst(%arg6 : memref<16x128xi32, #tpu.memory_space<vmem>>)
      tpu.yield
    }) : () -> ()
    %dma_start3A = arith.constant 0 : i32
    %dma_start3A_3 = arith.constant 0 : i32
    %dma_start3A_4 = tpu.memref_slice %arg6[%dma_start3A, %dma_start3A_3] : memref<16x128xi32, #tpu.memory_space<vmem>> -> memref<1x128xi32, #tpu.memory_space<vmem>>
    %dma_start3A_5 = tpu.memref_squeeze %dma_start3A_4 : memref<1x128xi32, #tpu.memory_space<vmem>> -> memref<128xi32, #tpu.memory_space<vmem>>
    %dma_start3A_6 = arith.constant 0 : i32
    %dma_start3A_7 = arith.constant 0 : i32
    %dma_start3A_8 = tpu.memref_slice %arg2[%dma_start3A_6, %dma_start3A_7] : memref<65536x256xf32, #tpu.memory_space<hbm>> -> memref<65536x256xf32, #tpu.memory_space<hbm>>
    tpu.enqueue_indirect_dma source(%dma_start3A_8 : memref<65536x256xf32, #tpu.memory_space<hbm>>) target(%arg7 : memref<128x256xf32, #tpu.memory_space<vmem>>) offsets(%dma_start3A_5 : memref<128xi32, #tpu.memory_space<vmem>>) semaphore(%arg11 : memref<!tpu.dma_semaphore, #tpu.memory_space<semaphore_mem>>)
    %dma_start3A_9 = arith.constant 0 : i32
    %dma_start3A_10 = arith.constant 0 : i32
    %dma_start3A_11 = tpu.memref_slice %arg6[%dma_start3A_9, %dma_start3A_10] : memref<16x128xi32, #tpu.memory_space<vmem>> -> memref<1x128xi32, #tpu.memory_space<vmem>>
    %dma_start3A_12 = tpu.memref_squeeze %dma_start3A_11 : memref<1x128xi32, #tpu.memory_space<vmem>> -> memref<128xi32, #tpu.memory_space<vmem>>
    %dma_start3A_13 = arith.constant 0 : i32
    %dma_start3A_14 = arith.constant 0 : i32
    %dma_start3A_15 = tpu.memref_slice %arg3[%dma_start3A_13, %dma_start3A_14] : memref<65536x128xf32, #tpu.memory_space<hbm>> -> memref<65536x128xf32, #tpu.memory_space<hbm>>
    tpu.enqueue_indirect_dma source(%dma_start3A_15 : memref<65536x128xf32, #tpu.memory_space<hbm>>) target(%arg9 : memref<128x128xf32, #tpu.memory_space<vmem>>) offsets(%dma_start3A_12 : memref<128xi32, #tpu.memory_space<vmem>>) semaphore(%arg11 : memref<!tpu.dma_semaphore, #tpu.memory_space<semaphore_mem>>)
    %dma_start3A_16 = arith.constant 1 : i32
    %dma_start3A_17 = arith.constant 0 : i32
    %dma_start3A_18 = tpu.memref_slice %arg6[%dma_start3A_16, %dma_start3A_17] : memref<16x128xi32, #tpu.memory_space<vmem>> -> memref<1x128xi32, #tpu.memory_space<vmem>>
    %dma_start3A_19 = tpu.memref_squeeze %dma_start3A_18 : memref<1x128xi32, #tpu.memory_space<vmem>> -> memref<128xi32, #tpu.memory_space<vmem>>
    %dma_start3A_20 = arith.constant 0 : i32
    %dma_start3A_21 = arith.constant 0 : i32
    %dma_start3A_22 = tpu.memref_slice %arg2[%dma_start3A_20, %dma_start3A_21] : memref<65536x256xf32, #tpu.memory_space<hbm>> -> memref<65536x256xf32, #tpu.memory_space<hbm>>
    tpu.enqueue_indirect_dma source(%dma_start3A_22 : memref<65536x256xf32, #tpu.memory_space<hbm>>) target(%arg8 : memref<128x256xf32, #tpu.memory_space<vmem>>) offsets(%dma_start3A_19 : memref<128xi32, #tpu.memory_space<vmem>>) semaphore(%arg12 : memref<!tpu.dma_semaphore, #tpu.memory_space<semaphore_mem>>)
    %dma_start3A_23 = arith.constant 1 : i32
    %dma_start3A_24 = arith.constant 0 : i32
    %dma_start3A_25 = tpu.memref_slice %arg6[%dma_start3A_23, %dma_start3A_24] : memref<16x128xi32, #tpu.memory_space<vmem>> -> memref<1x128xi32, #tpu.memory_space<vmem>>
    %dma_start3A_26 = tpu.memref_squeeze %dma_start3A_25 : memref<1x128xi32, #tpu.memory_space<vmem>> -> memref<128xi32, #tpu.memory_space<vmem>>
    %dma_start3A_27 = arith.constant 0 : i32
    %dma_start3A_28 = arith.constant 0 : i32
    %dma_start3A_29 = tpu.memref_slice %arg3[%dma_start3A_27, %dma_start3A_28] : memref<65536x128xf32, #tpu.memory_space<hbm>> -> memref<65536x128xf32, #tpu.memory_space<hbm>>
    tpu.enqueue_indirect_dma source(%dma_start3A_29 : memref<65536x128xf32, #tpu.memory_space<hbm>>) target(%arg10 : memref<128x128xf32, #tpu.memory_space<vmem>>) offsets(%dma_start3A_26 : memref<128xi32, #tpu.memory_space<vmem>>) semaphore(%arg12 : memref<!tpu.dma_semaphore, #tpu.memory_space<semaphore_mem>>)
    %dma_wait3A = arith.constant 0 : i32
    %dma_wait3A_30 = arith.constant 0 : i32
    %dma_wait3A_31 = tpu.memref_slice %arg6[%dma_wait3A, %dma_wait3A_30] : memref<16x128xi32, #tpu.memory_space<vmem>> -> memref<1x128xi32, #tpu.memory_space<vmem>>
    %dma_wait3A_32 = tpu.memref_squeeze %dma_wait3A_31 : memref<1x128xi32, #tpu.memory_space<vmem>> -> memref<128xi32, #tpu.memory_space<vmem>>
    %dma_wait3A_33 = arith.constant 0 : i32
    %dma_wait3A_34 = arith.constant 0 : i32
    %dma_wait3A_35 = tpu.memref_slice %arg2[%dma_wait3A_33, %dma_wait3A_34] : memref<65536x256xf32, #tpu.memory_space<hbm>> -> memref<65536x256xf32, #tpu.memory_space<hbm>>
    tpu.wait_indirect_dma semaphore(%arg11 : memref<!tpu.dma_semaphore, #tpu.memory_space<semaphore_mem>>) src(%dma_wait3A_35 : memref<65536x256xf32, #tpu.memory_space<hbm>>) dst(%arg7 : memref<128x256xf32, #tpu.memory_space<vmem>>)
    %dma_wait3A_36 = arith.constant 0 : i32
    %dma_wait3A_37 = arith.constant 0 : i32
    %dma_wait3A_38 = tpu.memref_slice %arg6[%dma_wait3A_36, %dma_wait3A_37] : memref<16x128xi32, #tpu.memory_space<vmem>> -> memref<1x128xi32, #tpu.memory_space<vmem>>
    %dma_wait3A_39 = tpu.memref_squeeze %dma_wait3A_38 : memref<1x128xi32, #tpu.memory_space<vmem>> -> memref<128xi32, #tpu.memory_space<vmem>>
    %dma_wait3A_40 = arith.constant 0 : i32
    %dma_wait3A_41 = arith.constant 0 : i32
    %dma_wait3A_42 = tpu.memref_slice %arg3[%dma_wait3A_40, %dma_wait3A_41] : memref<65536x128xf32, #tpu.memory_space<hbm>> -> memref<65536x128xf32, #tpu.memory_space<hbm>>
    tpu.wait_indirect_dma semaphore(%arg11 : memref<!tpu.dma_semaphore, #tpu.memory_space<semaphore_mem>>) src(%dma_wait3A_42 : memref<65536x128xf32, #tpu.memory_space<hbm>>) dst(%arg9 : memref<128x128xf32, #tpu.memory_space<vmem>>)
    %mul3A_43 = arith.constant 16 : i32
    %mul3A_44 = arith.muli %add3A, %mul3A_43 : i32
    %mul3A_45 = arith.constant 128 : i32
    %mul3A_46 = arith.muli %mul3A_44, %mul3A_45 : i32
    %add3A_47 = arith.constant 0 : i32
    %add3A_48 = arith.addi %mul3A_46, %add3A_47 : i32
    %dma_start3A_49 = arith.constant 0 : i32
    %dma_start3A_50 = tpu.memref_slice %arg5[%add3A_48, %dma_start3A_49] : memref<65536x384xf32, #tpu.memory_space<hbm>> -> memref<128x256xf32, #tpu.memory_space<hbm>>
    %dma_start3A_51 = arith.constant 0 : i32
    %dma_start3A_52 = tpu.memref_slice %arg5[%add3A_48, %dma_start3A_51] : memref<65536x384xf32, #tpu.memory_space<hbm>> -> memref<128x256xf32, #tpu.memory_space<hbm>>
    tpu.enqueue_dma source(%arg7 : memref<128x256xf32, #tpu.memory_space<vmem>>) target(%dma_start3A_52 : memref<128x256xf32, #tpu.memory_space<hbm>>) target_semaphore(%arg13 : memref<!tpu.dma_semaphore, #tpu.memory_space<semaphore_mem>>)
    %dma_start3A_53 = arith.constant 256 : i32
    %dma_start3A_54 = tpu.memref_slice %arg5[%add3A_48, %dma_start3A_53] : memref<65536x384xf32, #tpu.memory_space<hbm>> -> memref<128x128xf32, #tpu.memory_space<hbm>>
    %dma_start3A_55 = arith.constant 256 : i32
    %dma_start3A_56 = tpu.memref_slice %arg5[%add3A_48, %dma_start3A_55] : memref<65536x384xf32, #tpu.memory_space<hbm>> -> memref<128x128xf32, #tpu.memory_space<hbm>>
    tpu.enqueue_dma source(%arg9 : memref<128x128xf32, #tpu.memory_space<vmem>>) target(%dma_start3A_56 : memref<128x128xf32, #tpu.memory_space<hbm>>) target_semaphore(%arg13 : memref<!tpu.dma_semaphore, #tpu.memory_space<semaphore_mem>>)
    %dma_wait3A_57 = arith.constant 0 : i32
    %dma_wait3A_58 = tpu.memref_slice %arg5[%add3A_48, %dma_wait3A_57] : memref<65536x384xf32, #tpu.memory_space<hbm>> -> memref<128x256xf32, #tpu.memory_space<hbm>>
    %dma_wait3A_59 = arith.constant 0 : i32
    %dma_wait3A_60 = tpu.memref_slice %arg5[%add3A_48, %dma_wait3A_59] : memref<65536x384xf32, #tpu.memory_space<hbm>> -> memref<128x256xf32, #tpu.memory_space<hbm>>
    tpu.wait_dma2 semaphore(%arg13 : memref<!tpu.dma_semaphore, #tpu.memory_space<semaphore_mem>>) src(%arg7 : memref<128x256xf32, #tpu.memory_space<vmem>>) dst(%dma_wait3A_60 : memref<128x256xf32, #tpu.memory_space<hbm>>)
    %dma_wait3A_61 = arith.constant 256 : i32
    %dma_wait3A_62 = tpu.memref_slice %arg5[%add3A_48, %dma_wait3A_61] : memref<65536x384xf32, #tpu.memory_space<hbm>> -> memref<128x128xf32, #tpu.memory_space<hbm>>
    %dma_wait3A_63 = arith.constant 256 : i32
    %dma_wait3A_64 = tpu.memref_slice %arg5[%add3A_48, %dma_wait3A_63] : memref<65536x384xf32, #tpu.memory_space<hbm>> -> memref<128x128xf32, #tpu.memory_space<hbm>>
    tpu.wait_dma2 semaphore(%arg13 : memref<!tpu.dma_semaphore, #tpu.memory_space<semaphore_mem>>) src(%arg9 : memref<128x128xf32, #tpu.memory_space<vmem>>) dst(%dma_wait3A_64 : memref<128x128xf32, #tpu.memory_space<hbm>>)
    %dma_start3A_65 = arith.constant 2 : i32
    %dma_start3A_66 = arith.constant 0 : i32
    %dma_start3A_67 = tpu.memref_slice %arg6[%dma_start3A_65, %dma_start3A_66] : memref<16x128xi32, #tpu.memory_space<vmem>> -> memref<1x128xi32, #tpu.memory_space<vmem>>
    %dma_start3A_68 = tpu.memref_squeeze %dma_start3A_67 : memref<1x128xi32, #tpu.memory_space<vmem>> -> memref<128xi32, #tpu.memory_space<vmem>>
    %dma_start3A_69 = arith.constant 0 : i32
    %dma_start3A_70 = arith.constant 0 : i32
    %dma_start3A_71 = tpu.memref_slice %arg2[%dma_start3A_69, %dma_start3A_70] : memref<65536x256xf32, #tpu.memory_space<hbm>> -> memref<65536x256xf32, #tpu.memory_space<hbm>>
    tpu.enqueue_indirect_dma source(%dma_start3A_71 : memref<65536x256xf32, #tpu.memory_space<hbm>>) target(%arg7 : memref<128x256xf32, #tpu.memory_space<vmem>>) offsets(%dma_start3A_68 : memref<128xi32, #tpu.memory_space<vmem>>) semaphore(%arg11 : memref<!tpu.dma_semaphore, #tpu.memory_space<semaphore_mem>>)
    %dma_start3A_72 = arith.constant 2 : i32
    %dma_start3A_73 = arith.constant 0 : i32
    %dma_start3A_74 = tpu.memref_slice %arg6[%dma_start3A_72, %dma_start3A_73] : memref<16x128xi32, #tpu.memory_space<vmem>> -> memref<1x128xi32, #tpu.memory_space<vmem>>
    %dma_start3A_75 = tpu.memref_squeeze %dma_start3A_74 : memref<1x128xi32, #tpu.memory_space<vmem>> -> memref<128xi32, #tpu.memory_space<vmem>>
    %dma_start3A_76 = arith.constant 0 : i32
    %dma_start3A_77 = arith.constant 0 : i32
    %dma_start3A_78 = tpu.memref_slice %arg3[%dma_start3A_76, %dma_start3A_77] : memref<65536x128xf32, #tpu.memory_space<hbm>> -> memref<65536x128xf32, #tpu.memory_space<hbm>>
    tpu.enqueue_indirect_dma source(%dma_start3A_78 : memref<65536x128xf32, #tpu.memory_space<hbm>>) target(%arg9 : memref<128x128xf32, #tpu.memory_space<vmem>>) offsets(%dma_start3A_75 : memref<128xi32, #tpu.memory_space<vmem>>) semaphore(%arg11 : memref<!tpu.dma_semaphore, #tpu.memory_space<semaphore_mem>>)
    %dma_wait3A_79 = arith.constant 1 : i32
    %dma_wait3A_80 = arith.constant 0 : i32
    %dma_wait3A_81 = tpu.memref_slice %arg6[%dma_wait3A_79, %dma_wait3A_80] : memref<16x128xi32, #tpu.memory_space<vmem>> -> memref<1x128xi32, #tpu.memory_space<vmem>>
    %dma_wait3A_82 = tpu.memref_squeeze %dma_wait3A_81 : memref<1x128xi32, #tpu.memory_space<vmem>> -> memref<128xi32, #tpu.memory_space<vmem>>
    %dma_wait3A_83 = arith.constant 0 : i32
    %dma_wait3A_84 = arith.constant 0 : i32
    %dma_wait3A_85 = tpu.memref_slice %arg2[%dma_wait3A_83, %dma_wait3A_84] : memref<65536x256xf32, #tpu.memory_space<hbm>> -> memref<65536x256xf32, #tpu.memory_space<hbm>>
    tpu.wait_indirect_dma semaphore(%arg12 : memref<!tpu.dma_semaphore, #tpu.memory_space<semaphore_mem>>) src(%dma_wait3A_85 : memref<65536x256xf32, #tpu.memory_space<hbm>>) dst(%arg8 : memref<128x256xf32, #tpu.memory_space<vmem>>)
    %dma_wait3A_86 = arith.constant 1 : i32
    %dma_wait3A_87 = arith.constant 0 : i32
    %dma_wait3A_88 = tpu.memref_slice %arg6[%dma_wait3A_86, %dma_wait3A_87] : memref<16x128xi32, #tpu.memory_space<vmem>> -> memref<1x128xi32, #tpu.memory_space<vmem>>
    %dma_wait3A_89 = tpu.memref_squeeze %dma_wait3A_88 : memref<1x128xi32, #tpu.memory_space<vmem>> -> memref<128xi32, #tpu.memory_space<vmem>>
    %dma_wait3A_90 = arith.constant 0 : i32
    %dma_wait3A_91 = arith.constant 0 : i32
    %dma_wait3A_92 = tpu.memref_slice %arg3[%dma_wait3A_90, %dma_wait3A_91] : memref<65536x128xf32, #tpu.memory_space<hbm>> -> memref<65536x128xf32, #tpu.memory_space<hbm>>
    tpu.wait_indirect_dma semaphore(%arg12 : memref<!tpu.dma_semaphore, #tpu.memory_space<semaphore_mem>>) src(%dma_wait3A_92 : memref<65536x128xf32, #tpu.memory_space<hbm>>) dst(%arg10 : memref<128x128xf32, #tpu.memory_space<vmem>>)
    %mul3A_93 = arith.constant 16 : i32
    %mul3A_94 = arith.muli %add3A, %mul3A_93 : i32
    %mul3A_95 = arith.constant 128 : i32
    %mul3A_96 = arith.muli %mul3A_94, %mul3A_95 : i32
    %add3A_97 = arith.constant 128 : i32
    %add3A_98 = arith.addi %mul3A_96, %add3A_97 : i32
    %dma_start3A_99 = arith.constant 0 : i32
    %dma_start3A_100 = tpu.memref_slice %arg5[%add3A_98, %dma_start3A_99] : memref<65536x384xf32, #tpu.memory_space<hbm>> -> memref<128x256xf32, #tpu.memory_space<hbm>>
    %dma_start3A_101 = arith.constant 0 : i32
    %dma_start3A_102 = tpu.memref_slice %arg5[%add3A_98, %dma_start3A_101] : memref<65536x384xf32, #tpu.memory_space<hbm>> -> memref<128x256xf32, #tpu.memory_space<hbm>>
    tpu.enqueue_dma source(%arg8 : memref<128x256xf32, #tpu.memory_space<vmem>>) target(%dma_start3A_102 : memref<128x256xf32, #tpu.memory_space<hbm>>) target_semaphore(%arg14 : memref<!tpu.dma_semaphore, #tpu.memory_space<semaphore_mem>>)
    %dma_start3A_103 = arith.constant 256 : i32
    %dma_start3A_104 = tpu.memref_slice %arg5[%add3A_98, %dma_start3A_103] : memref<65536x384xf32, #tpu.memory_space<hbm>> -> memref<128x128xf32, #tpu.memory_space<hbm>>
    %dma_start3A_105 = arith.constant 256 : i32
    %dma_start3A_106 = tpu.memref_slice %arg5[%add3A_98, %dma_start3A_105] : memref<65536x384xf32, #tpu.memory_space<hbm>> -> memref<128x128xf32, #tpu.memory_space<hbm>>
    tpu.enqueue_dma source(%arg10 : memref<128x128xf32, #tpu.memory_space<vmem>>) target(%dma_start3A_106 : memref<128x128xf32, #tpu.memory_space<hbm>>) target_semaphore(%arg14 : memref<!tpu.dma_semaphore, #tpu.memory_space<semaphore_mem>>)
    %dma_wait3A_107 = arith.constant 0 : i32
    %dma_wait3A_108 = tpu.memref_slice %arg5[%add3A_98, %dma_wait3A_107] : memref<65536x384xf32, #tpu.memory_space<hbm>> -> memref<128x256xf32, #tpu.memory_space<hbm>>
    %dma_wait3A_109 = arith.constant 0 : i32
    %dma_wait3A_110 = tpu.memref_slice %arg5[%add3A_98, %dma_wait3A_109] : memref<65536x384xf32, #tpu.memory_space<hbm>> -> memref<128x256xf32, #tpu.memory_space<hbm>>
    tpu.wait_dma2 semaphore(%arg14 : memref<!tpu.dma_semaphore, #tpu.memory_space<semaphore_mem>>) src(%arg8 : memref<128x256xf32, #tpu.memory_space<vmem>>) dst(%dma_wait3A_110 : memref<128x256xf32, #tpu.memory_space<hbm>>)
    %dma_wait3A_111 = arith.constant 256 : i32
    %dma_wait3A_112 = tpu.memref_slice %arg5[%add3A_98, %dma_wait3A_111] : memref<65536x384xf32, #tpu.memory_space<hbm>> -> memref<128x128xf32, #tpu.memory_space<hbm>>
    %dma_wait3A_113 = arith.constant 256 : i32
    %dma_wait3A_114 = tpu.memref_slice %arg5[%add3A_98, %dma_wait3A_113] : memref<65536x384xf32, #tpu.memory_space<hbm>> -> memref<128x128xf32, #tpu.memory_space<hbm>>
    tpu.wait_dma2 semaphore(%arg14 : memref<!tpu.dma_semaphore, #tpu.memory_space<semaphore_mem>>) src(%arg10 : memref<128x128xf32, #tpu.memory_space<vmem>>) dst(%dma_wait3A_114 : memref<128x128xf32, #tpu.memory_space<hbm>>)
    %dma_start3A_115 = arith.constant 3 : i32
    %dma_start3A_116 = arith.constant 0 : i32
    %dma_start3A_117 = tpu.memref_slice %arg6[%dma_start3A_115, %dma_start3A_116] : memref<16x128xi32, #tpu.memory_space<vmem>> -> memref<1x128xi32, #tpu.memory_space<vmem>>
    %dma_start3A_118 = tpu.memref_squeeze %dma_start3A_117 : memref<1x128xi32, #tpu.memory_space<vmem>> -> memref<128xi32, #tpu.memory_space<vmem>>
    %dma_start3A_119 = arith.constant 0 : i32
    %dma_start3A_120 = arith.constant 0 : i32
    %dma_start3A_121 = tpu.memref_slice %arg2[%dma_start3A_119, %dma_start3A_120] : memref<65536x256xf32, #tpu.memory_space<hbm>> -> memref<65536x256xf32, #tpu.memory_space<hbm>>
    tpu.enqueue_indirect_dma source(%dma_start3A_121 : memref<65536x256xf32, #tpu.memory_space<hbm>>) target(%arg8 : memref<128x256xf32, #tpu.memory_space<vmem>>) offsets(%dma_start3A_118 : memref<128xi32, #tpu.memory_space<vmem>>) semaphore(%arg12 : memref<!tpu.dma_semaphore, #tpu.memory_space<semaphore_mem>>)
    %dma_start3A_122 = arith.constant 3 : i32
    %dma_start3A_123 = arith.constant 0 : i32
    %dma_start3A_124 = tpu.memref_slice %arg6[%dma_start3A_122, %dma_start3A_123] : memref<16x128xi32, #tpu.memory_space<vmem>> -> memref<1x128xi32, #tpu.memory_space<vmem>>
    %dma_start3A_125 = tpu.memref_squeeze %dma_start3A_124 : memref<1x128xi32, #tpu.memory_space<vmem>> -> memref<128xi32, #tpu.memory_space<vmem>>
    %dma_start3A_126 = arith.constant 0 : i32
    %dma_start3A_127 = arith.constant 0 : i32
    %dma_start3A_128 = tpu.memref_slice %arg3[%dma_start3A_126, %dma_start3A_127] : memref<65536x128xf32, #tpu.memory_space<hbm>> -> memref<65536x128xf32, #tpu.memory_space<hbm>>
    tpu.enqueue_indirect_dma source(%dma_start3A_128 : memref<65536x128xf32, #tpu.memory_space<hbm>>) target(%arg10 : memref<128x128xf32, #tpu.memory_space<vmem>>) offsets(%dma_start3A_125 : memref<128xi32, #tpu.memory_space<vmem>>) semaphore(%arg12 : memref<!tpu.dma_semaphore, #tpu.memory_space<semaphore_mem>>)
    %dma_wait3A_129 = arith.constant 2 : i32
    %dma_wait3A_130 = arith.constant 0 : i32
    %dma_wait3A_131 = tpu.memref_slice %arg6[%dma_wait3A_129, %dma_wait3A_130] : memref<16x128xi32, #tpu.memory_space<vmem>> -> memref<1x128xi32, #tpu.memory_space<vmem>>
    %dma_wait3A_132 = tpu.memref_squeeze %dma_wait3A_131 : memref<1x128xi32, #tpu.memory_space<vmem>> -> memref<128xi32, #tpu.memory_space<vmem>>
    %dma_wait3A_133 = arith.constant 0 : i32
    %dma_wait3A_134 = arith.constant 0 : i32
    %dma_wait3A_135 = tpu.memref_slice %arg2[%dma_wait3A_133, %dma_wait3A_134] : memref<65536x256xf32, #tpu.memory_space<hbm>> -> memref<65536x256xf32, #tpu.memory_space<hbm>>
    tpu.wait_indirect_dma semaphore(%arg11 : memref<!tpu.dma_semaphore, #tpu.memory_space<semaphore_mem>>) src(%dma_wait3A_135 : memref<65536x256xf32, #tpu.memory_space<hbm>>) dst(%arg7 : memref<128x256xf32, #tpu.memory_space<vmem>>)
    %dma_wait3A_136 = arith.constant 2 : i32
    %dma_wait3A_137 = arith.constant 0 : i32
    %dma_wait3A_138 = tpu.memref_slice %arg6[%dma_wait3A_136, %dma_wait3A_137] : memref<16x128xi32, #tpu.memory_space<vmem>> -> memref<1x128xi32, #tpu.memory_space<vmem>>
    %dma_wait3A_139 = tpu.memref_squeeze %dma_wait3A_138 : memref<1x128xi32, #tpu.memory_space<vmem>> -> memref<128xi32, #tpu.memory_space<vmem>>
    %dma_wait3A_140 = arith.constant 0 : i32
    %dma_wait3A_141 = arith.constant 0 : i32
    %dma_wait3A_142 = tpu.memref_slice %arg3[%dma_wait3A_140, %dma_wait3A_141] : memref<65536x128xf32, #tpu.memory_space<hbm>> -> memref<65536x128xf32, #tpu.memory_space<hbm>>
    tpu.wait_indirect_dma semaphore(%arg11 : memref<!tpu.dma_semaphore, #tpu.memory_space<semaphore_mem>>) src(%dma_wait3A_142 : memref<65536x128xf32, #tpu.memory_space<hbm>>) dst(%arg9 : memref<128x128xf32, #tpu.memory_space<vmem>>)
    %mul3A_143 = arith.constant 16 : i32
    %mul3A_144 = arith.muli %add3A, %mul3A_143 : i32
    %mul3A_145 = arith.constant 128 : i32
    %mul3A_146 = arith.muli %mul3A_144, %mul3A_145 : i32
    %add3A_147 = arith.constant 256 : i32
    %add3A_148 = arith.addi %mul3A_146, %add3A_147 : i32
    %dma_start3A_149 = arith.constant 0 : i32
    %dma_start3A_150 = tpu.memref_slice %arg5[%add3A_148, %dma_start3A_149] : memref<65536x384xf32, #tpu.memory_space<hbm>> -> memref<128x256xf32, #tpu.memory_space<hbm>>
    %dma_start3A_151 = arith.constant 0 : i32
    %dma_start3A_152 = tpu.memref_slice %arg5[%add3A_148, %dma_start3A_151] : memref<65536x384xf32, #tpu.memory_space<hbm>> -> memref<128x256xf32, #tpu.memory_space<hbm>>
    tpu.enqueue_dma source(%arg7 : memref<128x256xf32, #tpu.memory_space<vmem>>) target(%dma_start3A_152 : memref<128x256xf32, #tpu.memory_space<hbm>>) target_semaphore(%arg13 : memref<!tpu.dma_semaphore, #tpu.memory_space<semaphore_mem>>)
    %dma_start3A_153 = arith.constant 256 : i32
    %dma_start3A_154 = tpu.memref_slice %arg5[%add3A_148, %dma_start3A_153] : memref<65536x384xf32, #tpu.memory_space<hbm>> -> memref<128x128xf32, #tpu.memory_space<hbm>>
    %dma_start3A_155 = arith.constant 256 : i32
    %dma_start3A_156 = tpu.memref_slice %arg5[%add3A_148, %dma_start3A_155] : memref<65536x384xf32, #tpu.memory_space<hbm>> -> memref<128x128xf32, #tpu.memory_space<hbm>>
    tpu.enqueue_dma source(%arg9 : memref<128x128xf32, #tpu.memory_space<vmem>>) target(%dma_start3A_156 : memref<128x128xf32, #tpu.memory_space<hbm>>) target_semaphore(%arg13 : memref<!tpu.dma_semaphore, #tpu.memory_space<semaphore_mem>>)
    %dma_wait3A_157 = arith.constant 0 : i32
    %dma_wait3A_158 = tpu.memref_slice %arg5[%add3A_148, %dma_wait3A_157] : memref<65536x384xf32, #tpu.memory_space<hbm>> -> memref<128x256xf32, #tpu.memory_space<hbm>>
    %dma_wait3A_159 = arith.constant 0 : i32
    %dma_wait3A_160 = tpu.memref_slice %arg5[%add3A_148, %dma_wait3A_159] : memref<65536x384xf32, #tpu.memory_space<hbm>> -> memref<128x256xf32, #tpu.memory_space<hbm>>
    tpu.wait_dma2 semaphore(%arg13 : memref<!tpu.dma_semaphore, #tpu.memory_space<semaphore_mem>>) src(%arg7 : memref<128x256xf32, #tpu.memory_space<vmem>>) dst(%dma_wait3A_160 : memref<128x256xf32, #tpu.memory_space<hbm>>)
    %dma_wait3A_161 = arith.constant 256 : i32
    %dma_wait3A_162 = tpu.memref_slice %arg5[%add3A_148, %dma_wait3A_161] : memref<65536x384xf32, #tpu.memory_space<hbm>> -> memref<128x128xf32, #tpu.memory_space<hbm>>
    %dma_wait3A_163 = arith.constant 256 : i32
    %dma_wait3A_164 = tpu.memref_slice %arg5[%add3A_148, %dma_wait3A_163] : memref<65536x384xf32, #tpu.memory_space<hbm>> -> memref<128x128xf32, #tpu.memory_space<hbm>>
    tpu.wait_dma2 semaphore(%arg13 : memref<!tpu.dma_semaphore, #tpu.memory_space<semaphore_mem>>) src(%arg9 : memref<128x128xf32, #tpu.memory_space<vmem>>) dst(%dma_wait3A_164 : memref<128x128xf32, #tpu.memory_space<hbm>>)
    %dma_start3A_165 = arith.constant 4 : i32
    %dma_start3A_166 = arith.constant 0 : i32
    %dma_start3A_167 = tpu.memref_slice %arg6[%dma_start3A_165, %dma_start3A_166] : memref<16x128xi32, #tpu.memory_space<vmem>> -> memref<1x128xi32, #tpu.memory_space<vmem>>
    %dma_start3A_168 = tpu.memref_squeeze %dma_start3A_167 : memref<1x128xi32, #tpu.memory_space<vmem>> -> memref<128xi32, #tpu.memory_space<vmem>>
    %dma_start3A_169 = arith.constant 0 : i32
    %dma_start3A_170 = arith.constant 0 : i32
    %dma_start3A_171 = tpu.memref_slice %arg2[%dma_start3A_169, %dma_start3A_170] : memref<65536x256xf32, #tpu.memory_space<hbm>> -> memref<65536x256xf32, #tpu.memory_space<hbm>>
    tpu.enqueue_indirect_dma source(%dma_start3A_171 : memref<65536x256xf32, #tpu.memory_space<hbm>>) target(%arg7 : memref<128x256xf32, #tpu.memory_space<vmem>>) offsets(%dma_start3A_168 : memref<128xi32, #tpu.memory_space<vmem>>) semaphore(%arg11 : memref<!tpu.dma_semaphore, #tpu.memory_space<semaphore_mem>>)
    %dma_start3A_172 = arith.constant 4 : i32
    %dma_start3A_173 = arith.constant 0 : i32
    %dma_start3A_174 = tpu.memref_slice %arg6[%dma_start3A_172, %dma_start3A_173] : memref<16x128xi32, #tpu.memory_space<vmem>> -> memref<1x128xi32, #tpu.memory_space<vmem>>
    %dma_start3A_175 = tpu.memref_squeeze %dma_start3A_174 : memref<1x128xi32, #tpu.memory_space<vmem>> -> memref<128xi32, #tpu.memory_space<vmem>>
    %dma_start3A_176 = arith.constant 0 : i32
    %dma_start3A_177 = arith.constant 0 : i32
    %dma_start3A_178 = tpu.memref_slice %arg3[%dma_start3A_176, %dma_start3A_177] : memref<65536x128xf32, #tpu.memory_space<hbm>> -> memref<65536x128xf32, #tpu.memory_space<hbm>>
    tpu.enqueue_indirect_dma source(%dma_start3A_178 : memref<65536x128xf32, #tpu.memory_space<hbm>>) target(%arg9 : memref<128x128xf32, #tpu.memory_space<vmem>>) offsets(%dma_start3A_175 : memref<128xi32, #tpu.memory_space<vmem>>) semaphore(%arg11 : memref<!tpu.dma_semaphore, #tpu.memory_space<semaphore_mem>>)
    %dma_wait3A_179 = arith.constant 3 : i32
    %dma_wait3A_180 = arith.constant 0 : i32
    %dma_wait3A_181 = tpu.memref_slice %arg6[%dma_wait3A_179, %dma_wait3A_180] : memref<16x128xi32, #tpu.memory_space<vmem>> -> memref<1x128xi32, #tpu.memory_space<vmem>>
    %dma_wait3A_182 = tpu.memref_squeeze %dma_wait3A_181 : memref<1x128xi32, #tpu.memory_space<vmem>> -> memref<128xi32, #tpu.memory_space<vmem>>
    %dma_wait3A_183 = arith.constant 0 : i32
    %dma_wait3A_184 = arith.constant 0 : i32
    %dma_wait3A_185 = tpu.memref_slice %arg2[%dma_wait3A_183, %dma_wait3A_184] : memref<65536x256xf32, #tpu.memory_space<hbm>> -> memref<65536x256xf32, #tpu.memory_space<hbm>>
    tpu.wait_indirect_dma semaphore(%arg12 : memref<!tpu.dma_semaphore, #tpu.memory_space<semaphore_mem>>) src(%dma_wait3A_185 : memref<65536x256xf32, #tpu.memory_space<hbm>>) dst(%arg8 : memref<128x256xf32, #tpu.memory_space<vmem>>)
    %dma_wait3A_186 = arith.constant 3 : i32
    %dma_wait3A_187 = arith.constant 0 : i32
    %dma_wait3A_188 = tpu.memref_slice %arg6[%dma_wait3A_186, %dma_wait3A_187] : memref<16x128xi32, #tpu.memory_space<vmem>> -> memref<1x128xi32, #tpu.memory_space<vmem>>
    %dma_wait3A_189 = tpu.memref_squeeze %dma_wait3A_188 : memref<1x128xi32, #tpu.memory_space<vmem>> -> memref<128xi32, #tpu.memory_space<vmem>>
    %dma_wait3A_190 = arith.constant 0 : i32
    %dma_wait3A_191 = arith.constant 0 : i32
    %dma_wait3A_192 = tpu.memref_slice %arg3[%dma_wait3A_190, %dma_wait3A_191] : memref<65536x128xf32, #tpu.memory_space<hbm>> -> memref<65536x128xf32, #tpu.memory_space<hbm>>
    tpu.wait_indirect_dma semaphore(%arg12 : memref<!tpu.dma_semaphore, #tpu.memory_space<semaphore_mem>>) src(%dma_wait3A_192 : memref<65536x128xf32, #tpu.memory_space<hbm>>) dst(%arg10 : memref<128x128xf32, #tpu.memory_space<vmem>>)
    %mul3A_193 = arith.constant 16 : i32
    %mul3A_194 = arith.muli %add3A, %mul3A_193 : i32
    %mul3A_195 = arith.constant 128 : i32
    %mul3A_196 = arith.muli %mul3A_194, %mul3A_195 : i32
    %add3A_197 = arith.constant 384 : i32
    %add3A_198 = arith.addi %mul3A_196, %add3A_197 : i32
    %dma_start3A_199 = arith.constant 0 : i32
    %dma_start3A_200 = tpu.memref_slice %arg5[%add3A_198, %dma_start3A_199] : memref<65536x384xf32, #tpu.memory_space<hbm>> -> memref<128x256xf32, #tpu.memory_space<hbm>>
    %dma_start3A_201 = arith.constant 0 : i32
    %dma_start3A_202 = tpu.memref_slice %arg5[%add3A_198, %dma_start3A_201] : memref<65536x384xf32, #tpu.memory_space<hbm>> -> memref<128x256xf32, #tpu.memory_space<hbm>>
    tpu.enqueue_dma source(%arg8 : memref<128x256xf32, #tpu.memory_space<vmem>>) target(%dma_start3A_202 : memref<128x256xf32, #tpu.memory_space<hbm>>) target_semaphore(%arg14 : memref<!tpu.dma_semaphore, #tpu.memory_space<semaphore_mem>>)
    %dma_start3A_203 = arith.constant 256 : i32
    %dma_start3A_204 = tpu.memref_slice %arg5[%add3A_198, %dma_start3A_203] : memref<65536x384xf32, #tpu.memory_space<hbm>> -> memref<128x128xf32, #tpu.memory_space<hbm>>
    %dma_start3A_205 = arith.constant 256 : i32
    %dma_start3A_206 = tpu.memref_slice %arg5[%add3A_198, %dma_start3A_205] : memref<65536x384xf32, #tpu.memory_space<hbm>> -> memref<128x128xf32, #tpu.memory_space<hbm>>
    tpu.enqueue_dma source(%arg10 : memref<128x128xf32, #tpu.memory_space<vmem>>) target(%dma_start3A_206 : memref<128x128xf32, #tpu.memory_space<hbm>>) target_semaphore(%arg14 : memref<!tpu.dma_semaphore, #tpu.memory_space<semaphore_mem>>)
    %dma_wait3A_207 = arith.constant 0 : i32
    %dma_wait3A_208 = tpu.memref_slice %arg5[%add3A_198, %dma_wait3A_207] : memref<65536x384xf32, #tpu.memory_space<hbm>> -> memref<128x256xf32, #tpu.memory_space<hbm>>
    %dma_wait3A_209 = arith.constant 0 : i32
    %dma_wait3A_210 = tpu.memref_slice %arg5[%add3A_198, %dma_wait3A_209] : memref<65536x384xf32, #tpu.memory_space<hbm>> -> memref<128x256xf32, #tpu.memory_space<hbm>>
    tpu.wait_dma2 semaphore(%arg14 : memref<!tpu.dma_semaphore, #tpu.memory_space<semaphore_mem>>) src(%arg8 : memref<128x256xf32, #tpu.memory_space<vmem>>) dst(%dma_wait3A_210 : memref<128x256xf32, #tpu.memory_space<hbm>>)
    %dma_wait3A_211 = arith.constant 256 : i32
    %dma_wait3A_212 = tpu.memref_slice %arg5[%add3A_198, %dma_wait3A_211] : memref<65536x384xf32, #tpu.memory_space<hbm>> -> memref<128x128xf32, #tpu.memory_space<hbm>>
    %dma_wait3A_213 = arith.constant 256 : i32
    %dma_wait3A_214 = tpu.memref_slice %arg5[%add3A_198, %dma_wait3A_213] : memref<65536x384xf32, #tpu.memory_space<hbm>> -> memref<128x128xf32, #tpu.memory_space<hbm>>
    tpu.wait_dma2 semaphore(%arg14 : memref<!tpu.dma_semaphore, #tpu.memory_space<semaphore_mem>>) src(%arg10 : memref<128x128xf32, #tpu.memory_space<vmem>>) dst(%dma_wait3A_214 : memref<128x128xf32, #tpu.memory_space<hbm>>)
    %dma_start3A_215 = arith.constant 5 : i32
    %dma_start3A_216 = arith.constant 0 : i32
    %dma_start3A_217 = tpu.memref_slice %arg6[%dma_start3A_215, %dma_start3A_216] : memref<16x128xi32, #tpu.memory_space<vmem>> -> memref<1x128xi32, #tpu.memory_space<vmem>>
    %dma_start3A_218 = tpu.memref_squeeze %dma_start3A_217 : memref<1x128xi32, #tpu.memory_space<vmem>> -> memref<128xi32, #tpu.memory_space<vmem>>
    %dma_start3A_219 = arith.constant 0 : i32
    %dma_start3A_220 = arith.constant 0 : i32
    %dma_start3A_221 = tpu.memref_slice %arg2[%dma_start3A_219, %dma_start3A_220] : memref<65536x256xf32, #tpu.memory_space<hbm>> -> memref<65536x256xf32, #tpu.memory_space<hbm>>
    tpu.enqueue_indirect_dma source(%dma_start3A_221 : memref<65536x256xf32, #tpu.memory_space<hbm>>) target(%arg8 : memref<128x256xf32, #tpu.memory_space<vmem>>) offsets(%dma_start3A_218 : memref<128xi32, #tpu.memory_space<vmem>>) semaphore(%arg12 : memref<!tpu.dma_semaphore, #tpu.memory_space<semaphore_mem>>)
    %dma_start3A_222 = arith.constant 5 : i32
    %dma_start3A_223 = arith.constant 0 : i32
    %dma_start3A_224 = tpu.memref_slice %arg6[%dma_start3A_222, %dma_start3A_223] : memref<16x128xi32, #tpu.memory_space<vmem>> -> memref<1x128xi32, #tpu.memory_space<vmem>>
    %dma_start3A_225 = tpu.memref_squeeze %dma_start3A_224 : memref<1x128xi32, #tpu.memory_space<vmem>> -> memref<128xi32, #tpu.memory_space<vmem>>
    %dma_start3A_226 = arith.constant 0 : i32
    %dma_start3A_227 = arith.constant 0 : i32
    %dma_start3A_228 = tpu.memref_slice %arg3[%dma_start3A_226, %dma_start3A_227] : memref<65536x128xf32, #tpu.memory_space<hbm>> -> memref<65536x128xf32, #tpu.memory_space<hbm>>
    tpu.enqueue_indirect_dma source(%dma_start3A_228 : memref<65536x128xf32, #tpu.memory_space<hbm>>) target(%arg10 : memref<128x128xf32, #tpu.memory_space<vmem>>) offsets(%dma_start3A_225 : memref<128xi32, #tpu.memory_space<vmem>>) semaphore(%arg12 : memref<!tpu.dma_semaphore, #tpu.memory_space<semaphore_mem>>)
    %dma_wait3A_229 = arith.constant 4 : i32
    %dma_wait3A_230 = arith.constant 0 : i32
    %dma_wait3A_231 = tpu.memref_slice %arg6[%dma_wait3A_229, %dma_wait3A_230] : memref<16x128xi32, #tpu.memory_space<vmem>> -> memref<1x128xi32, #tpu.memory_space<vmem>>
    %dma_wait3A_232 = tpu.memref_squeeze %dma_wait3A_231 : memref<1x128xi32, #tpu.memory_space<vmem>> -> memref<128xi32, #tpu.memory_space<vmem>>
    %dma_wait3A_233 = arith.constant 0 : i32
    %dma_wait3A_234 = arith.constant 0 : i32
    %dma_wait3A_235 = tpu.memref_slice %arg2[%dma_wait3A_233, %dma_wait3A_234] : memref<65536x256xf32, #tpu.memory_space<hbm>> -> memref<65536x256xf32, #tpu.memory_space<hbm>>
    tpu.wait_indirect_dma semaphore(%arg11 : memref<!tpu.dma_semaphore, #tpu.memory_space<semaphore_mem>>) src(%dma_wait3A_235 : memref<65536x256xf32, #tpu.memory_space<hbm>>) dst(%arg7 : memref<128x256xf32, #tpu.memory_space<vmem>>)
    %dma_wait3A_236 = arith.constant 4 : i32
    %dma_wait3A_237 = arith.constant 0 : i32
    %dma_wait3A_238 = tpu.memref_slice %arg6[%dma_wait3A_236, %dma_wait3A_237] : memref<16x128xi32, #tpu.memory_space<vmem>> -> memref<1x128xi32, #tpu.memory_space<vmem>>
    %dma_wait3A_239 = tpu.memref_squeeze %dma_wait3A_238 : memref<1x128xi32, #tpu.memory_space<vmem>> -> memref<128xi32, #tpu.memory_space<vmem>>
    %dma_wait3A_240 = arith.constant 0 : i32
    %dma_wait3A_241 = arith.constant 0 : i32
    %dma_wait3A_242 = tpu.memref_slice %arg3[%dma_wait3A_240, %dma_wait3A_241] : memref<65536x128xf32, #tpu.memory_space<hbm>> -> memref<65536x128xf32, #tpu.memory_space<hbm>>
    tpu.wait_indirect_dma semaphore(%arg11 : memref<!tpu.dma_semaphore, #tpu.memory_space<semaphore_mem>>) src(%dma_wait3A_242 : memref<65536x128xf32, #tpu.memory_space<hbm>>) dst(%arg9 : memref<128x128xf32, #tpu.memory_space<vmem>>)
    %mul3A_243 = arith.constant 16 : i32
    %mul3A_244 = arith.muli %add3A, %mul3A_243 : i32
    %mul3A_245 = arith.constant 128 : i32
    %mul3A_246 = arith.muli %mul3A_244, %mul3A_245 : i32
    %add3A_247 = arith.constant 512 : i32
    %add3A_248 = arith.addi %mul3A_246, %add3A_247 : i32
    %dma_start3A_249 = arith.constant 0 : i32
    %dma_start3A_250 = tpu.memref_slice %arg5[%add3A_248, %dma_start3A_249] : memref<65536x384xf32, #tpu.memory_space<hbm>> -> memref<128x256xf32, #tpu.memory_space<hbm>>
    %dma_start3A_251 = arith.constant 0 : i32
    %dma_start3A_252 = tpu.memref_slice %arg5[%add3A_248, %dma_start3A_251] : memref<65536x384xf32, #tpu.memory_space<hbm>> -> memref<128x256xf32, #tpu.memory_space<hbm>>
    tpu.enqueue_dma source(%arg7 : memref<128x256xf32, #tpu.memory_space<vmem>>) target(%dma_start3A_252 : memref<128x256xf32, #tpu.memory_space<hbm>>) target_semaphore(%arg13 : memref<!tpu.dma_semaphore, #tpu.memory_space<semaphore_mem>>)
    %dma_start3A_253 = arith.constant 256 : i32
    %dma_start3A_254 = tpu.memref_slice %arg5[%add3A_248, %dma_start3A_253] : memref<65536x384xf32, #tpu.memory_space<hbm>> -> memref<128x128xf32, #tpu.memory_space<hbm>>
    %dma_start3A_255 = arith.constant 256 : i32
    %dma_start3A_256 = tpu.memref_slice %arg5[%add3A_248, %dma_start3A_255] : memref<65536x384xf32, #tpu.memory_space<hbm>> -> memref<128x128xf32, #tpu.memory_space<hbm>>
    tpu.enqueue_dma source(%arg9 : memref<128x128xf32, #tpu.memory_space<vmem>>) target(%dma_start3A_256 : memref<128x128xf32, #tpu.memory_space<hbm>>) target_semaphore(%arg13 : memref<!tpu.dma_semaphore, #tpu.memory_space<semaphore_mem>>)
    %dma_wait3A_257 = arith.constant 0 : i32
    %dma_wait3A_258 = tpu.memref_slice %arg5[%add3A_248, %dma_wait3A_257] : memref<65536x384xf32, #tpu.memory_space<hbm>> -> memref<128x256xf32, #tpu.memory_space<hbm>>
    %dma_wait3A_259 = arith.constant 0 : i32
    %dma_wait3A_260 = tpu.memref_slice %arg5[%add3A_248, %dma_wait3A_259] : memref<65536x384xf32, #tpu.memory_space<hbm>> -> memref<128x256xf32, #tpu.memory_space<hbm>>
    tpu.wait_dma2 semaphore(%arg13 : memref<!tpu.dma_semaphore, #tpu.memory_space<semaphore_mem>>) src(%arg7 : memref<128x256xf32, #tpu.memory_space<vmem>>) dst(%dma_wait3A_260 : memref<128x256xf32, #tpu.memory_space<hbm>>)
    %dma_wait3A_261 = arith.constant 256 : i32
    %dma_wait3A_262 = tpu.memref_slice %arg5[%add3A_248, %dma_wait3A_261] : memref<65536x384xf32, #tpu.memory_space<hbm>> -> memref<128x128xf32, #tpu.memory_space<hbm>>
    %dma_wait3A_263 = arith.constant 256 : i32
    %dma_wait3A_264 = tpu.memref_slice %arg5[%add3A_248, %dma_wait3A_263] : memref<65536x384xf32, #tpu.memory_space<hbm>> -> memref<128x128xf32, #tpu.memory_space<hbm>>
    tpu.wait_dma2 semaphore(%arg13 : memref<!tpu.dma_semaphore, #tpu.memory_space<semaphore_mem>>) src(%arg9 : memref<128x128xf32, #tpu.memory_space<vmem>>) dst(%dma_wait3A_264 : memref<128x128xf32, #tpu.memory_space<hbm>>)
    %dma_start3A_265 = arith.constant 6 : i32
    %dma_start3A_266 = arith.constant 0 : i32
    %dma_start3A_267 = tpu.memref_slice %arg6[%dma_start3A_265, %dma_start3A_266] : memref<16x128xi32, #tpu.memory_space<vmem>> -> memref<1x128xi32, #tpu.memory_space<vmem>>
    %dma_start3A_268 = tpu.memref_squeeze %dma_start3A_267 : memref<1x128xi32, #tpu.memory_space<vmem>> -> memref<128xi32, #tpu.memory_space<vmem>>
    %dma_start3A_269 = arith.constant 0 : i32
    %dma_start3A_270 = arith.constant 0 : i32
    %dma_start3A_271 = tpu.memref_slice %arg2[%dma_start3A_269, %dma_start3A_270] : memref<65536x256xf32, #tpu.memory_space<hbm>> -> memref<65536x256xf32, #tpu.memory_space<hbm>>
    tpu.enqueue_indirect_dma source(%dma_start3A_271 : memref<65536x256xf32, #tpu.memory_space<hbm>>) target(%arg7 : memref<128x256xf32, #tpu.memory_space<vmem>>) offsets(%dma_start3A_268 : memref<128xi32, #tpu.memory_space<vmem>>) semaphore(%arg11 : memref<!tpu.dma_semaphore, #tpu.memory_space<semaphore_mem>>)
    %dma_start3A_272 = arith.constant 6 : i32
    %dma_start3A_273 = arith.constant 0 : i32
    %dma_start3A_274 = tpu.memref_slice %arg6[%dma_start3A_272, %dma_start3A_273] : memref<16x128xi32, #tpu.memory_space<vmem>> -> memref<1x128xi32, #tpu.memory_space<vmem>>
    %dma_start3A_275 = tpu.memref_squeeze %dma_start3A_274 : memref<1x128xi32, #tpu.memory_space<vmem>> -> memref<128xi32, #tpu.memory_space<vmem>>
    %dma_start3A_276 = arith.constant 0 : i32
    %dma_start3A_277 = arith.constant 0 : i32
    %dma_start3A_278 = tpu.memref_slice %arg3[%dma_start3A_276, %dma_start3A_277] : memref<65536x128xf32, #tpu.memory_space<hbm>> -> memref<65536x128xf32, #tpu.memory_space<hbm>>
    tpu.enqueue_indirect_dma source(%dma_start3A_278 : memref<65536x128xf32, #tpu.memory_space<hbm>>) target(%arg9 : memref<128x128xf32, #tpu.memory_space<vmem>>) offsets(%dma_start3A_275 : memref<128xi32, #tpu.memory_space<vmem>>) semaphore(%arg11 : memref<!tpu.dma_semaphore, #tpu.memory_space<semaphore_mem>>)
    %dma_wait3A_279 = arith.constant 5 : i32
    %dma_wait3A_280 = arith.constant 0 : i32
    %dma_wait3A_281 = tpu.memref_slice %arg6[%dma_wait3A_279, %dma_wait3A_280] : memref<16x128xi32, #tpu.memory_space<vmem>> -> memref<1x128xi32, #tpu.memory_space<vmem>>
    %dma_wait3A_282 = tpu.memref_squeeze %dma_wait3A_281 : memref<1x128xi32, #tpu.memory_space<vmem>> -> memref<128xi32, #tpu.memory_space<vmem>>
    %dma_wait3A_283 = arith.constant 0 : i32
    %dma_wait3A_284 = arith.constant 0 : i32
    %dma_wait3A_285 = tpu.memref_slice %arg2[%dma_wait3A_283, %dma_wait3A_284] : memref<65536x256xf32, #tpu.memory_space<hbm>> -> memref<65536x256xf32, #tpu.memory_space<hbm>>
    tpu.wait_indirect_dma semaphore(%arg12 : memref<!tpu.dma_semaphore, #tpu.memory_space<semaphore_mem>>) src(%dma_wait3A_285 : memref<65536x256xf32, #tpu.memory_space<hbm>>) dst(%arg8 : memref<128x256xf32, #tpu.memory_space<vmem>>)
    %dma_wait3A_286 = arith.constant 5 : i32
    %dma_wait3A_287 = arith.constant 0 : i32
    %dma_wait3A_288 = tpu.memref_slice %arg6[%dma_wait3A_286, %dma_wait3A_287] : memref<16x128xi32, #tpu.memory_space<vmem>> -> memref<1x128xi32, #tpu.memory_space<vmem>>
    %dma_wait3A_289 = tpu.memref_squeeze %dma_wait3A_288 : memref<1x128xi32, #tpu.memory_space<vmem>> -> memref<128xi32, #tpu.memory_space<vmem>>
    %dma_wait3A_290 = arith.constant 0 : i32
    %dma_wait3A_291 = arith.constant 0 : i32
    %dma_wait3A_292 = tpu.memref_slice %arg3[%dma_wait3A_290, %dma_wait3A_291] : memref<65536x128xf32, #tpu.memory_space<hbm>> -> memref<65536x128xf32, #tpu.memory_space<hbm>>
    tpu.wait_indirect_dma semaphore(%arg12 : memref<!tpu.dma_semaphore, #tpu.memory_space<semaphore_mem>>) src(%dma_wait3A_292 : memref<65536x128xf32, #tpu.memory_space<hbm>>) dst(%arg10 : memref<128x128xf32, #tpu.memory_space<vmem>>)
    %mul3A_293 = arith.constant 16 : i32
    %mul3A_294 = arith.muli %add3A, %mul3A_293 : i32
    %mul3A_295 = arith.constant 128 : i32
    %mul3A_296 = arith.muli %mul3A_294, %mul3A_295 : i32
    %add3A_297 = arith.constant 640 : i32
    %add3A_298 = arith.addi %mul3A_296, %add3A_297 : i32
    %dma_start3A_299 = arith.constant 0 : i32
    %dma_start3A_300 = tpu.memref_slice %arg5[%add3A_298, %dma_start3A_299] : memref<65536x384xf32, #tpu.memory_space<hbm>> -> memref<128x256xf32, #tpu.memory_space<hbm>>
    %dma_start3A_301 = arith.constant 0 : i32
    %dma_start3A_302 = tpu.memref_slice %arg5[%add3A_298, %dma_start3A_301] : memref<65536x384xf32, #tpu.memory_space<hbm>> -> memref<128x256xf32, #tpu.memory_space<hbm>>
    tpu.enqueue_dma source(%arg8 : memref<128x256xf32, #tpu.memory_space<vmem>>) target(%dma_start3A_302 : memref<128x256xf32, #tpu.memory_space<hbm>>) target_semaphore(%arg14 : memref<!tpu.dma_semaphore, #tpu.memory_space<semaphore_mem>>)
    %dma_start3A_303 = arith.constant 256 : i32
    %dma_start3A_304 = tpu.memref_slice %arg5[%add3A_298, %dma_start3A_303] : memref<65536x384xf32, #tpu.memory_space<hbm>> -> memref<128x128xf32, #tpu.memory_space<hbm>>
    %dma_start3A_305 = arith.constant 256 : i32
    %dma_start3A_306 = tpu.memref_slice %arg5[%add3A_298, %dma_start3A_305] : memref<65536x384xf32, #tpu.memory_space<hbm>> -> memref<128x128xf32, #tpu.memory_space<hbm>>
    tpu.enqueue_dma source(%arg10 : memref<128x128xf32, #tpu.memory_space<vmem>>) target(%dma_start3A_306 : memref<128x128xf32, #tpu.memory_space<hbm>>) target_semaphore(%arg14 : memref<!tpu.dma_semaphore, #tpu.memory_space<semaphore_mem>>)
    %dma_wait3A_307 = arith.constant 0 : i32
    %dma_wait3A_308 = tpu.memref_slice %arg5[%add3A_298, %dma_wait3A_307] : memref<65536x384xf32, #tpu.memory_space<hbm>> -> memref<128x256xf32, #tpu.memory_space<hbm>>
    %dma_wait3A_309 = arith.constant 0 : i32
    %dma_wait3A_310 = tpu.memref_slice %arg5[%add3A_298, %dma_wait3A_309] : memref<65536x384xf32, #tpu.memory_space<hbm>> -> memref<128x256xf32, #tpu.memory_space<hbm>>
    tpu.wait_dma2 semaphore(%arg14 : memref<!tpu.dma_semaphore, #tpu.memory_space<semaphore_mem>>) src(%arg8 : memref<128x256xf32, #tpu.memory_space<vmem>>) dst(%dma_wait3A_310 : memref<128x256xf32, #tpu.memory_space<hbm>>)
    %dma_wait3A_311 = arith.constant 256 : i32
    %dma_wait3A_312 = tpu.memref_slice %arg5[%add3A_298, %dma_wait3A_311] : memref<65536x384xf32, #tpu.memory_space<hbm>> -> memref<128x128xf32, #tpu.memory_space<hbm>>
    %dma_wait3A_313 = arith.constant 256 : i32
    %dma_wait3A_314 = tpu.memref_slice %arg5[%add3A_298, %dma_wait3A_313] : memref<65536x384xf32, #tpu.memory_space<hbm>> -> memref<128x128xf32, #tpu.memory_space<hbm>>
    tpu.wait_dma2 semaphore(%arg14 : memref<!tpu.dma_semaphore, #tpu.memory_space<semaphore_mem>>) src(%arg10 : memref<128x128xf32, #tpu.memory_space<vmem>>) dst(%dma_wait3A_314 : memref<128x128xf32, #tpu.memory_space<hbm>>)
    %dma_start3A_315 = arith.constant 7 : i32
    %dma_start3A_316 = arith.constant 0 : i32
    %dma_start3A_317 = tpu.memref_slice %arg6[%dma_start3A_315, %dma_start3A_316] : memref<16x128xi32, #tpu.memory_space<vmem>> -> memref<1x128xi32, #tpu.memory_space<vmem>>
    %dma_start3A_318 = tpu.memref_squeeze %dma_start3A_317 : memref<1x128xi32, #tpu.memory_space<vmem>> -> memref<128xi32, #tpu.memory_space<vmem>>
    %dma_start3A_319 = arith.constant 0 : i32
    %dma_start3A_320 = arith.constant 0 : i32
    %dma_start3A_321 = tpu.memref_slice %arg2[%dma_start3A_319, %dma_start3A_320] : memref<65536x256xf32, #tpu.memory_space<hbm>> -> memref<65536x256xf32, #tpu.memory_space<hbm>>
    tpu.enqueue_indirect_dma source(%dma_start3A_321 : memref<65536x256xf32, #tpu.memory_space<hbm>>) target(%arg8 : memref<128x256xf32, #tpu.memory_space<vmem>>) offsets(%dma_start3A_318 : memref<128xi32, #tpu.memory_space<vmem>>) semaphore(%arg12 : memref<!tpu.dma_semaphore, #tpu.memory_space<semaphore_mem>>)
    %dma_start3A_322 = arith.constant 7 : i32
    %dma_start3A_323 = arith.constant 0 : i32
    %dma_start3A_324 = tpu.memref_slice %arg6[%dma_start3A_322, %dma_start3A_323] : memref<16x128xi32, #tpu.memory_space<vmem>> -> memref<1x128xi32, #tpu.memory_space<vmem>>
    %dma_start3A_325 = tpu.memref_squeeze %dma_start3A_324 : memref<1x128xi32, #tpu.memory_space<vmem>> -> memref<128xi32, #tpu.memory_space<vmem>>
    %dma_start3A_326 = arith.constant 0 : i32
    %dma_start3A_327 = arith.constant 0 : i32
    %dma_start3A_328 = tpu.memref_slice %arg3[%dma_start3A_326, %dma_start3A_327] : memref<65536x128xf32, #tpu.memory_space<hbm>> -> memref<65536x128xf32, #tpu.memory_space<hbm>>
    tpu.enqueue_indirect_dma source(%dma_start3A_328 : memref<65536x128xf32, #tpu.memory_space<hbm>>) target(%arg10 : memref<128x128xf32, #tpu.memory_space<vmem>>) offsets(%dma_start3A_325 : memref<128xi32, #tpu.memory_space<vmem>>) semaphore(%arg12 : memref<!tpu.dma_semaphore, #tpu.memory_space<semaphore_mem>>)
    %dma_wait3A_329 = arith.constant 6 : i32
    %dma_wait3A_330 = arith.constant 0 : i32
    %dma_wait3A_331 = tpu.memref_slice %arg6[%dma_wait3A_329, %dma_wait3A_330] : memref<16x128xi32, #tpu.memory_space<vmem>> -> memref<1x128xi32, #tpu.memory_space<vmem>>
    %dma_wait3A_332 = tpu.memref_squeeze %dma_wait3A_331 : memref<1x128xi32, #tpu.memory_space<vmem>> -> memref<128xi32, #tpu.memory_space<vmem>>
    %dma_wait3A_333 = arith.constant 0 : i32
    %dma_wait3A_334 = arith.constant 0 : i32
    %dma_wait3A_335 = tpu.memref_slice %arg2[%dma_wait3A_333, %dma_wait3A_334] : memref<65536x256xf32, #tpu.memory_space<hbm>> -> memref<65536x256xf32, #tpu.memory_space<hbm>>
    tpu.wait_indirect_dma semaphore(%arg11 : memref<!tpu.dma_semaphore, #tpu.memory_space<semaphore_mem>>) src(%dma_wait3A_335 : memref<65536x256xf32, #tpu.memory_space<hbm>>) dst(%arg7 : memref<128x256xf32, #tpu.memory_space<vmem>>)
    %dma_wait3A_336 = arith.constant 6 : i32
    %dma_wait3A_337 = arith.constant 0 : i32
    %dma_wait3A_338 = tpu.memref_slice %arg6[%dma_wait3A_336, %dma_wait3A_337] : memref<16x128xi32, #tpu.memory_space<vmem>> -> memref<1x128xi32, #tpu.memory_space<vmem>>
    %dma_wait3A_339 = tpu.memref_squeeze %dma_wait3A_338 : memref<1x128xi32, #tpu.memory_space<vmem>> -> memref<128xi32, #tpu.memory_space<vmem>>
    %dma_wait3A_340 = arith.constant 0 : i32
    %dma_wait3A_341 = arith.constant 0 : i32
    %dma_wait3A_342 = tpu.memref_slice %arg3[%dma_wait3A_340, %dma_wait3A_341] : memref<65536x128xf32, #tpu.memory_space<hbm>> -> memref<65536x128xf32, #tpu.memory_space<hbm>>
    tpu.wait_indirect_dma semaphore(%arg11 : memref<!tpu.dma_semaphore, #tpu.memory_space<semaphore_mem>>) src(%dma_wait3A_342 : memref<65536x128xf32, #tpu.memory_space<hbm>>) dst(%arg9 : memref<128x128xf32, #tpu.memory_space<vmem>>)
    %mul3A_343 = arith.constant 16 : i32
    %mul3A_344 = arith.muli %add3A, %mul3A_343 : i32
    %mul3A_345 = arith.constant 128 : i32
    %mul3A_346 = arith.muli %mul3A_344, %mul3A_345 : i32
    %add3A_347 = arith.constant 768 : i32
    %add3A_348 = arith.addi %mul3A_346, %add3A_347 : i32
    %dma_start3A_349 = arith.constant 0 : i32
    %dma_start3A_350 = tpu.memref_slice %arg5[%add3A_348, %dma_start3A_349] : memref<65536x384xf32, #tpu.memory_space<hbm>> -> memref<128x256xf32, #tpu.memory_space<hbm>>
    %dma_start3A_351 = arith.constant 0 : i32
    %dma_start3A_352 = tpu.memref_slice %arg5[%add3A_348, %dma_start3A_351] : memref<65536x384xf32, #tpu.memory_space<hbm>> -> memref<128x256xf32, #tpu.memory_space<hbm>>
    tpu.enqueue_dma source(%arg7 : memref<128x256xf32, #tpu.memory_space<vmem>>) target(%dma_start3A_352 : memref<128x256xf32, #tpu.memory_space<hbm>>) target_semaphore(%arg13 : memref<!tpu.dma_semaphore, #tpu.memory_space<semaphore_mem>>)
    %dma_start3A_353 = arith.constant 256 : i32
    %dma_start3A_354 = tpu.memref_slice %arg5[%add3A_348, %dma_start3A_353] : memref<65536x384xf32, #tpu.memory_space<hbm>> -> memref<128x128xf32, #tpu.memory_space<hbm>>
    %dma_start3A_355 = arith.constant 256 : i32
    %dma_start3A_356 = tpu.memref_slice %arg5[%add3A_348, %dma_start3A_355] : memref<65536x384xf32, #tpu.memory_space<hbm>> -> memref<128x128xf32, #tpu.memory_space<hbm>>
    tpu.enqueue_dma source(%arg9 : memref<128x128xf32, #tpu.memory_space<vmem>>) target(%dma_start3A_356 : memref<128x128xf32, #tpu.memory_space<hbm>>) target_semaphore(%arg13 : memref<!tpu.dma_semaphore, #tpu.memory_space<semaphore_mem>>)
    %dma_wait3A_357 = arith.constant 0 : i32
    %dma_wait3A_358 = tpu.memref_slice %arg5[%add3A_348, %dma_wait3A_357] : memref<65536x384xf32, #tpu.memory_space<hbm>> -> memref<128x256xf32, #tpu.memory_space<hbm>>
    %dma_wait3A_359 = arith.constant 0 : i32
    %dma_wait3A_360 = tpu.memref_slice %arg5[%add3A_348, %dma_wait3A_359] : memref<65536x384xf32, #tpu.memory_space<hbm>> -> memref<128x256xf32, #tpu.memory_space<hbm>>
    tpu.wait_dma2 semaphore(%arg13 : memref<!tpu.dma_semaphore, #tpu.memory_space<semaphore_mem>>) src(%arg7 : memref<128x256xf32, #tpu.memory_space<vmem>>) dst(%dma_wait3A_360 : memref<128x256xf32, #tpu.memory_space<hbm>>)
    %dma_wait3A_361 = arith.constant 256 : i32
    %dma_wait3A_362 = tpu.memref_slice %arg5[%add3A_348, %dma_wait3A_361] : memref<65536x384xf32, #tpu.memory_space<hbm>> -> memref<128x128xf32, #tpu.memory_space<hbm>>
    %dma_wait3A_363 = arith.constant 256 : i32
    %dma_wait3A_364 = tpu.memref_slice %arg5[%add3A_348, %dma_wait3A_363] : memref<65536x384xf32, #tpu.memory_space<hbm>> -> memref<128x128xf32, #tpu.memory_space<hbm>>
    tpu.wait_dma2 semaphore(%arg13 : memref<!tpu.dma_semaphore, #tpu.memory_space<semaphore_mem>>) src(%arg9 : memref<128x128xf32, #tpu.memory_space<vmem>>) dst(%dma_wait3A_364 : memref<128x128xf32, #tpu.memory_space<hbm>>)
    %dma_start3A_365 = arith.constant 8 : i32
    %dma_start3A_366 = arith.constant 0 : i32
    %dma_start3A_367 = tpu.memref_slice %arg6[%dma_start3A_365, %dma_start3A_366] : memref<16x128xi32, #tpu.memory_space<vmem>> -> memref<1x128xi32, #tpu.memory_space<vmem>>
    %dma_start3A_368 = tpu.memref_squeeze %dma_start3A_367 : memref<1x128xi32, #tpu.memory_space<vmem>> -> memref<128xi32, #tpu.memory_space<vmem>>
    %dma_start3A_369 = arith.constant 0 : i32
    %dma_start3A_370 = arith.constant 0 : i32
    %dma_start3A_371 = tpu.memref_slice %arg2[%dma_start3A_369, %dma_start3A_370] : memref<65536x256xf32, #tpu.memory_space<hbm>> -> memref<65536x256xf32, #tpu.memory_space<hbm>>
    tpu.enqueue_indirect_dma source(%dma_start3A_371 : memref<65536x256xf32, #tpu.memory_space<hbm>>) target(%arg7 : memref<128x256xf32, #tpu.memory_space<vmem>>) offsets(%dma_start3A_368 : memref<128xi32, #tpu.memory_space<vmem>>) semaphore(%arg11 : memref<!tpu.dma_semaphore, #tpu.memory_space<semaphore_mem>>)
    %dma_start3A_372 = arith.constant 8 : i32
    %dma_start3A_373 = arith.constant 0 : i32
    %dma_start3A_374 = tpu.memref_slice %arg6[%dma_start3A_372, %dma_start3A_373] : memref<16x128xi32, #tpu.memory_space<vmem>> -> memref<1x128xi32, #tpu.memory_space<vmem>>
    %dma_start3A_375 = tpu.memref_squeeze %dma_start3A_374 : memref<1x128xi32, #tpu.memory_space<vmem>> -> memref<128xi32, #tpu.memory_space<vmem>>
    %dma_start3A_376 = arith.constant 0 : i32
    %dma_start3A_377 = arith.constant 0 : i32
    %dma_start3A_378 = tpu.memref_slice %arg3[%dma_start3A_376, %dma_start3A_377] : memref<65536x128xf32, #tpu.memory_space<hbm>> -> memref<65536x128xf32, #tpu.memory_space<hbm>>
    tpu.enqueue_indirect_dma source(%dma_start3A_378 : memref<65536x128xf32, #tpu.memory_space<hbm>>) target(%arg9 : memref<128x128xf32, #tpu.memory_space<vmem>>) offsets(%dma_start3A_375 : memref<128xi32, #tpu.memory_space<vmem>>) semaphore(%arg11 : memref<!tpu.dma_semaphore, #tpu.memory_space<semaphore_mem>>)
    %dma_wait3A_379 = arith.constant 7 : i32
    %dma_wait3A_380 = arith.constant 0 : i32
    %dma_wait3A_381 = tpu.memref_slice %arg6[%dma_wait3A_379, %dma_wait3A_380] : memref<16x128xi32, #tpu.memory_space<vmem>> -> memref<1x128xi32, #tpu.memory_space<vmem>>
    %dma_wait3A_382 = tpu.memref_squeeze %dma_wait3A_381 : memref<1x128xi32, #tpu.memory_space<vmem>> -> memref<128xi32, #tpu.memory_space<vmem>>
    %dma_wait3A_383 = arith.constant 0 : i32
    %dma_wait3A_384 = arith.constant 0 : i32
    %dma_wait3A_385 = tpu.memref_slice %arg2[%dma_wait3A_383, %dma_wait3A_384] : memref<65536x256xf32, #tpu.memory_space<hbm>> -> memref<65536x256xf32, #tpu.memory_space<hbm>>
    tpu.wait_indirect_dma semaphore(%arg12 : memref<!tpu.dma_semaphore, #tpu.memory_space<semaphore_mem>>) src(%dma_wait3A_385 : memref<65536x256xf32, #tpu.memory_space<hbm>>) dst(%arg8 : memref<128x256xf32, #tpu.memory_space<vmem>>)
    %dma_wait3A_386 = arith.constant 7 : i32
    %dma_wait3A_387 = arith.constant 0 : i32
    %dma_wait3A_388 = tpu.memref_slice %arg6[%dma_wait3A_386, %dma_wait3A_387] : memref<16x128xi32, #tpu.memory_space<vmem>> -> memref<1x128xi32, #tpu.memory_space<vmem>>
    %dma_wait3A_389 = tpu.memref_squeeze %dma_wait3A_388 : memref<1x128xi32, #tpu.memory_space<vmem>> -> memref<128xi32, #tpu.memory_space<vmem>>
    %dma_wait3A_390 = arith.constant 0 : i32
    %dma_wait3A_391 = arith.constant 0 : i32
    %dma_wait3A_392 = tpu.memref_slice %arg3[%dma_wait3A_390, %dma_wait3A_391] : memref<65536x128xf32, #tpu.memory_space<hbm>> -> memref<65536x128xf32, #tpu.memory_space<hbm>>
    tpu.wait_indirect_dma semaphore(%arg12 : memref<!tpu.dma_semaphore, #tpu.memory_space<semaphore_mem>>) src(%dma_wait3A_392 : memref<65536x128xf32, #tpu.memory_space<hbm>>) dst(%arg10 : memref<128x128xf32, #tpu.memory_space<vmem>>)
    %mul3A_393 = arith.constant 16 : i32
    %mul3A_394 = arith.muli %add3A, %mul3A_393 : i32
    %mul3A_395 = arith.constant 128 : i32
    %mul3A_396 = arith.muli %mul3A_394, %mul3A_395 : i32
    %add3A_397 = arith.constant 896 : i32
    %add3A_398 = arith.addi %mul3A_396, %add3A_397 : i32
    %dma_start3A_399 = arith.constant 0 : i32
    %dma_start3A_400 = tpu.memref_slice %arg5[%add3A_398, %dma_start3A_399] : memref<65536x384xf32, #tpu.memory_space<hbm>> -> memref<128x256xf32, #tpu.memory_space<hbm>>
    %dma_start3A_401 = arith.constant 0 : i32
    %dma_start3A_402 = tpu.memref_slice %arg5[%add3A_398, %dma_start3A_401] : memref<65536x384xf32, #tpu.memory_space<hbm>> -> memref<128x256xf32, #tpu.memory_space<hbm>>
    tpu.enqueue_dma source(%arg8 : memref<128x256xf32, #tpu.memory_space<vmem>>) target(%dma_start3A_402 : memref<128x256xf32, #tpu.memory_space<hbm>>) target_semaphore(%arg14 : memref<!tpu.dma_semaphore, #tpu.memory_space<semaphore_mem>>)
    %dma_start3A_403 = arith.constant 256 : i32
    %dma_start3A_404 = tpu.memref_slice %arg5[%add3A_398, %dma_start3A_403] : memref<65536x384xf32, #tpu.memory_space<hbm>> -> memref<128x128xf32, #tpu.memory_space<hbm>>
    %dma_start3A_405 = arith.constant 256 : i32
    %dma_start3A_406 = tpu.memref_slice %arg5[%add3A_398, %dma_start3A_405] : memref<65536x384xf32, #tpu.memory_space<hbm>> -> memref<128x128xf32, #tpu.memory_space<hbm>>
    tpu.enqueue_dma source(%arg10 : memref<128x128xf32, #tpu.memory_space<vmem>>) target(%dma_start3A_406 : memref<128x128xf32, #tpu.memory_space<hbm>>) target_semaphore(%arg14 : memref<!tpu.dma_semaphore, #tpu.memory_space<semaphore_mem>>)
    %dma_wait3A_407 = arith.constant 0 : i32
    %dma_wait3A_408 = tpu.memref_slice %arg5[%add3A_398, %dma_wait3A_407] : memref<65536x384xf32, #tpu.memory_space<hbm>> -> memref<128x256xf32, #tpu.memory_space<hbm>>
    %dma_wait3A_409 = arith.constant 0 : i32
    %dma_wait3A_410 = tpu.memref_slice %arg5[%add3A_398, %dma_wait3A_409] : memref<65536x384xf32, #tpu.memory_space<hbm>> -> memref<128x256xf32, #tpu.memory_space<hbm>>
    tpu.wait_dma2 semaphore(%arg14 : memref<!tpu.dma_semaphore, #tpu.memory_space<semaphore_mem>>) src(%arg8 : memref<128x256xf32, #tpu.memory_space<vmem>>) dst(%dma_wait3A_410 : memref<128x256xf32, #tpu.memory_space<hbm>>)
    %dma_wait3A_411 = arith.constant 256 : i32
    %dma_wait3A_412 = tpu.memref_slice %arg5[%add3A_398, %dma_wait3A_411] : memref<65536x384xf32, #tpu.memory_space<hbm>> -> memref<128x128xf32, #tpu.memory_space<hbm>>
    %dma_wait3A_413 = arith.constant 256 : i32
    %dma_wait3A_414 = tpu.memref_slice %arg5[%add3A_398, %dma_wait3A_413] : memref<65536x384xf32, #tpu.memory_space<hbm>> -> memref<128x128xf32, #tpu.memory_space<hbm>>
    tpu.wait_dma2 semaphore(%arg14 : memref<!tpu.dma_semaphore, #tpu.memory_space<semaphore_mem>>) src(%arg10 : memref<128x128xf32, #tpu.memory_space<vmem>>) dst(%dma_wait3A_414 : memref<128x128xf32, #tpu.memory_space<hbm>>)
    %dma_start3A_415 = arith.constant 9 : i32
    %dma_start3A_416 = arith.constant 0 : i32
    %dma_start3A_417 = tpu.memref_slice %arg6[%dma_start3A_415, %dma_start3A_416] : memref<16x128xi32, #tpu.memory_space<vmem>> -> memref<1x128xi32, #tpu.memory_space<vmem>>
    %dma_start3A_418 = tpu.memref_squeeze %dma_start3A_417 : memref<1x128xi32, #tpu.memory_space<vmem>> -> memref<128xi32, #tpu.memory_space<vmem>>
    %dma_start3A_419 = arith.constant 0 : i32
    %dma_start3A_420 = arith.constant 0 : i32
    %dma_start3A_421 = tpu.memref_slice %arg2[%dma_start3A_419, %dma_start3A_420] : memref<65536x256xf32, #tpu.memory_space<hbm>> -> memref<65536x256xf32, #tpu.memory_space<hbm>>
    tpu.enqueue_indirect_dma source(%dma_start3A_421 : memref<65536x256xf32, #tpu.memory_space<hbm>>) target(%arg8 : memref<128x256xf32, #tpu.memory_space<vmem>>) offsets(%dma_start3A_418 : memref<128xi32, #tpu.memory_space<vmem>>) semaphore(%arg12 : memref<!tpu.dma_semaphore, #tpu.memory_space<semaphore_mem>>)
    %dma_start3A_422 = arith.constant 9 : i32
    %dma_start3A_423 = arith.constant 0 : i32
    %dma_start3A_424 = tpu.memref_slice %arg6[%dma_start3A_422, %dma_start3A_423] : memref<16x128xi32, #tpu.memory_space<vmem>> -> memref<1x128xi32, #tpu.memory_space<vmem>>
    %dma_start3A_425 = tpu.memref_squeeze %dma_start3A_424 : memref<1x128xi32, #tpu.memory_space<vmem>> -> memref<128xi32, #tpu.memory_space<vmem>>
    %dma_start3A_426 = arith.constant 0 : i32
    %dma_start3A_427 = arith.constant 0 : i32
    %dma_start3A_428 = tpu.memref_slice %arg3[%dma_start3A_426, %dma_start3A_427] : memref<65536x128xf32, #tpu.memory_space<hbm>> -> memref<65536x128xf32, #tpu.memory_space<hbm>>
    tpu.enqueue_indirect_dma source(%dma_start3A_428 : memref<65536x128xf32, #tpu.memory_space<hbm>>) target(%arg10 : memref<128x128xf32, #tpu.memory_space<vmem>>) offsets(%dma_start3A_425 : memref<128xi32, #tpu.memory_space<vmem>>) semaphore(%arg12 : memref<!tpu.dma_semaphore, #tpu.memory_space<semaphore_mem>>)
    %dma_wait3A_429 = arith.constant 8 : i32
    %dma_wait3A_430 = arith.constant 0 : i32
    %dma_wait3A_431 = tpu.memref_slice %arg6[%dma_wait3A_429, %dma_wait3A_430] : memref<16x128xi32, #tpu.memory_space<vmem>> -> memref<1x128xi32, #tpu.memory_space<vmem>>
    %dma_wait3A_432 = tpu.memref_squeeze %dma_wait3A_431 : memref<1x128xi32, #tpu.memory_space<vmem>> -> memref<128xi32, #tpu.memory_space<vmem>>
    %dma_wait3A_433 = arith.constant 0 : i32
    %dma_wait3A_434 = arith.constant 0 : i32
    %dma_wait3A_435 = tpu.memref_slice %arg2[%dma_wait3A_433, %dma_wait3A_434] : memref<65536x256xf32, #tpu.memory_space<hbm>> -> memref<65536x256xf32, #tpu.memory_space<hbm>>
    tpu.wait_indirect_dma semaphore(%arg11 : memref<!tpu.dma_semaphore, #tpu.memory_space<semaphore_mem>>) src(%dma_wait3A_435 : memref<65536x256xf32, #tpu.memory_space<hbm>>) dst(%arg7 : memref<128x256xf32, #tpu.memory_space<vmem>>)
    %dma_wait3A_436 = arith.constant 8 : i32
    %dma_wait3A_437 = arith.constant 0 : i32
    %dma_wait3A_438 = tpu.memref_slice %arg6[%dma_wait3A_436, %dma_wait3A_437] : memref<16x128xi32, #tpu.memory_space<vmem>> -> memref<1x128xi32, #tpu.memory_space<vmem>>
    %dma_wait3A_439 = tpu.memref_squeeze %dma_wait3A_438 : memref<1x128xi32, #tpu.memory_space<vmem>> -> memref<128xi32, #tpu.memory_space<vmem>>
    %dma_wait3A_440 = arith.constant 0 : i32
    %dma_wait3A_441 = arith.constant 0 : i32
    %dma_wait3A_442 = tpu.memref_slice %arg3[%dma_wait3A_440, %dma_wait3A_441] : memref<65536x128xf32, #tpu.memory_space<hbm>> -> memref<65536x128xf32, #tpu.memory_space<hbm>>
    tpu.wait_indirect_dma semaphore(%arg11 : memref<!tpu.dma_semaphore, #tpu.memory_space<semaphore_mem>>) src(%dma_wait3A_442 : memref<65536x128xf32, #tpu.memory_space<hbm>>) dst(%arg9 : memref<128x128xf32, #tpu.memory_space<vmem>>)
    %mul3A_443 = arith.constant 16 : i32
    %mul3A_444 = arith.muli %add3A, %mul3A_443 : i32
    %mul3A_445 = arith.constant 128 : i32
    %mul3A_446 = arith.muli %mul3A_444, %mul3A_445 : i32
    %add3A_447 = arith.constant 1024 : i32
    %add3A_448 = arith.addi %mul3A_446, %add3A_447 : i32
    %dma_start3A_449 = arith.constant 0 : i32
    %dma_start3A_450 = tpu.memref_slice %arg5[%add3A_448, %dma_start3A_449] : memref<65536x384xf32, #tpu.memory_space<hbm>> -> memref<128x256xf32, #tpu.memory_space<hbm>>
    %dma_start3A_451 = arith.constant 0 : i32
    %dma_start3A_452 = tpu.memref_slice %arg5[%add3A_448, %dma_start3A_451] : memref<65536x384xf32, #tpu.memory_space<hbm>> -> memref<128x256xf32, #tpu.memory_space<hbm>>
    tpu.enqueue_dma source(%arg7 : memref<128x256xf32, #tpu.memory_space<vmem>>) target(%dma_start3A_452 : memref<128x256xf32, #tpu.memory_space<hbm>>) target_semaphore(%arg13 : memref<!tpu.dma_semaphore, #tpu.memory_space<semaphore_mem>>)
    %dma_start3A_453 = arith.constant 256 : i32
    %dma_start3A_454 = tpu.memref_slice %arg5[%add3A_448, %dma_start3A_453] : memref<65536x384xf32, #tpu.memory_space<hbm>> -> memref<128x128xf32, #tpu.memory_space<hbm>>
    %dma_start3A_455 = arith.constant 256 : i32
    %dma_start3A_456 = tpu.memref_slice %arg5[%add3A_448, %dma_start3A_455] : memref<65536x384xf32, #tpu.memory_space<hbm>> -> memref<128x128xf32, #tpu.memory_space<hbm>>
    tpu.enqueue_dma source(%arg9 : memref<128x128xf32, #tpu.memory_space<vmem>>) target(%dma_start3A_456 : memref<128x128xf32, #tpu.memory_space<hbm>>) target_semaphore(%arg13 : memref<!tpu.dma_semaphore, #tpu.memory_space<semaphore_mem>>)
    %dma_wait3A_457 = arith.constant 0 : i32
    %dma_wait3A_458 = tpu.memref_slice %arg5[%add3A_448, %dma_wait3A_457] : memref<65536x384xf32, #tpu.memory_space<hbm>> -> memref<128x256xf32, #tpu.memory_space<hbm>>
    %dma_wait3A_459 = arith.constant 0 : i32
    %dma_wait3A_460 = tpu.memref_slice %arg5[%add3A_448, %dma_wait3A_459] : memref<65536x384xf32, #tpu.memory_space<hbm>> -> memref<128x256xf32, #tpu.memory_space<hbm>>
    tpu.wait_dma2 semaphore(%arg13 : memref<!tpu.dma_semaphore, #tpu.memory_space<semaphore_mem>>) src(%arg7 : memref<128x256xf32, #tpu.memory_space<vmem>>) dst(%dma_wait3A_460 : memref<128x256xf32, #tpu.memory_space<hbm>>)
    %dma_wait3A_461 = arith.constant 256 : i32
    %dma_wait3A_462 = tpu.memref_slice %arg5[%add3A_448, %dma_wait3A_461] : memref<65536x384xf32, #tpu.memory_space<hbm>> -> memref<128x128xf32, #tpu.memory_space<hbm>>
    %dma_wait3A_463 = arith.constant 256 : i32
    %dma_wait3A_464 = tpu.memref_slice %arg5[%add3A_448, %dma_wait3A_463] : memref<65536x384xf32, #tpu.memory_space<hbm>> -> memref<128x128xf32, #tpu.memory_space<hbm>>
    tpu.wait_dma2 semaphore(%arg13 : memref<!tpu.dma_semaphore, #tpu.memory_space<semaphore_mem>>) src(%arg9 : memref<128x128xf32, #tpu.memory_space<vmem>>) dst(%dma_wait3A_464 : memref<128x128xf32, #tpu.memory_space<hbm>>)
    %dma_start3A_465 = arith.constant 10 : i32
    %dma_start3A_466 = arith.constant 0 : i32
    %dma_start3A_467 = tpu.memref_slice %arg6[%dma_start3A_465, %dma_start3A_466] : memref<16x128xi32, #tpu.memory_space<vmem>> -> memref<1x128xi32, #tpu.memory_space<vmem>>
    %dma_start3A_468 = tpu.memref_squeeze %dma_start3A_467 : memref<1x128xi32, #tpu.memory_space<vmem>> -> memref<128xi32, #tpu.memory_space<vmem>>
    %dma_start3A_469 = arith.constant 0 : i32
    %dma_start3A_470 = arith.constant 0 : i32
    %dma_start3A_471 = tpu.memref_slice %arg2[%dma_start3A_469, %dma_start3A_470] : memref<65536x256xf32, #tpu.memory_space<hbm>> -> memref<65536x256xf32, #tpu.memory_space<hbm>>
    tpu.enqueue_indirect_dma source(%dma_start3A_471 : memref<65536x256xf32, #tpu.memory_space<hbm>>) target(%arg7 : memref<128x256xf32, #tpu.memory_space<vmem>>) offsets(%dma_start3A_468 : memref<128xi32, #tpu.memory_space<vmem>>) semaphore(%arg11 : memref<!tpu.dma_semaphore, #tpu.memory_space<semaphore_mem>>)
    %dma_start3A_472 = arith.constant 10 : i32
    %dma_start3A_473 = arith.constant 0 : i32
    %dma_start3A_474 = tpu.memref_slice %arg6[%dma_start3A_472, %dma_start3A_473] : memref<16x128xi32, #tpu.memory_space<vmem>> -> memref<1x128xi32, #tpu.memory_space<vmem>>
    %dma_start3A_475 = tpu.memref_squeeze %dma_start3A_474 : memref<1x128xi32, #tpu.memory_space<vmem>> -> memref<128xi32, #tpu.memory_space<vmem>>
    %dma_start3A_476 = arith.constant 0 : i32
    %dma_start3A_477 = arith.constant 0 : i32
    %dma_start3A_478 = tpu.memref_slice %arg3[%dma_start3A_476, %dma_start3A_477] : memref<65536x128xf32, #tpu.memory_space<hbm>> -> memref<65536x128xf32, #tpu.memory_space<hbm>>
    tpu.enqueue_indirect_dma source(%dma_start3A_478 : memref<65536x128xf32, #tpu.memory_space<hbm>>) target(%arg9 : memref<128x128xf32, #tpu.memory_space<vmem>>) offsets(%dma_start3A_475 : memref<128xi32, #tpu.memory_space<vmem>>) semaphore(%arg11 : memref<!tpu.dma_semaphore, #tpu.memory_space<semaphore_mem>>)
    %dma_wait3A_479 = arith.constant 9 : i32
    %dma_wait3A_480 = arith.constant 0 : i32
    %dma_wait3A_481 = tpu.memref_slice %arg6[%dma_wait3A_479, %dma_wait3A_480] : memref<16x128xi32, #tpu.memory_space<vmem>> -> memref<1x128xi32, #tpu.memory_space<vmem>>
    %dma_wait3A_482 = tpu.memref_squeeze %dma_wait3A_481 : memref<1x128xi32, #tpu.memory_space<vmem>> -> memref<128xi32, #tpu.memory_space<vmem>>
    %dma_wait3A_483 = arith.constant 0 : i32
    %dma_wait3A_484 = arith.constant 0 : i32
    %dma_wait3A_485 = tpu.memref_slice %arg2[%dma_wait3A_483, %dma_wait3A_484] : memref<65536x256xf32, #tpu.memory_space<hbm>> -> memref<65536x256xf32, #tpu.memory_space<hbm>>
    tpu.wait_indirect_dma semaphore(%arg12 : memref<!tpu.dma_semaphore, #tpu.memory_space<semaphore_mem>>) src(%dma_wait3A_485 : memref<65536x256xf32, #tpu.memory_space<hbm>>) dst(%arg8 : memref<128x256xf32, #tpu.memory_space<vmem>>)
    %dma_wait3A_486 = arith.constant 9 : i32
    %dma_wait3A_487 = arith.constant 0 : i32
    %dma_wait3A_488 = tpu.memref_slice %arg6[%dma_wait3A_486, %dma_wait3A_487] : memref<16x128xi32, #tpu.memory_space<vmem>> -> memref<1x128xi32, #tpu.memory_space<vmem>>
    %dma_wait3A_489 = tpu.memref_squeeze %dma_wait3A_488 : memref<1x128xi32, #tpu.memory_space<vmem>> -> memref<128xi32, #tpu.memory_space<vmem>>
    %dma_wait3A_490 = arith.constant 0 : i32
    %dma_wait3A_491 = arith.constant 0 : i32
    %dma_wait3A_492 = tpu.memref_slice %arg3[%dma_wait3A_490, %dma_wait3A_491] : memref<65536x128xf32, #tpu.memory_space<hbm>> -> memref<65536x128xf32, #tpu.memory_space<hbm>>
    tpu.wait_indirect_dma semaphore(%arg12 : memref<!tpu.dma_semaphore, #tpu.memory_space<semaphore_mem>>) src(%dma_wait3A_492 : memref<65536x128xf32, #tpu.memory_space<hbm>>) dst(%arg10 : memref<128x128xf32, #tpu.memory_space<vmem>>)
    %mul3A_493 = arith.constant 16 : i32
    %mul3A_494 = arith.muli %add3A, %mul3A_493 : i32
    %mul3A_495 = arith.constant 128 : i32
    %mul3A_496 = arith.muli %mul3A_494, %mul3A_495 : i32
    %add3A_497 = arith.constant 1152 : i32
    %add3A_498 = arith.addi %mul3A_496, %add3A_497 : i32
    %dma_start3A_499 = arith.constant 0 : i32
    %dma_start3A_500 = tpu.memref_slice %arg5[%add3A_498, %dma_start3A_499] : memref<65536x384xf32, #tpu.memory_space<hbm>> -> memref<128x256xf32, #tpu.memory_space<hbm>>
    %dma_start3A_501 = arith.constant 0 : i32
    %dma_start3A_502 = tpu.memref_slice %arg5[%add3A_498, %dma_start3A_501] : memref<65536x384xf32, #tpu.memory_space<hbm>> -> memref<128x256xf32, #tpu.memory_space<hbm>>
    tpu.enqueue_dma source(%arg8 : memref<128x256xf32, #tpu.memory_space<vmem>>) target(%dma_start3A_502 : memref<128x256xf32, #tpu.memory_space<hbm>>) target_semaphore(%arg14 : memref<!tpu.dma_semaphore, #tpu.memory_space<semaphore_mem>>)
    %dma_start3A_503 = arith.constant 256 : i32
    %dma_start3A_504 = tpu.memref_slice %arg5[%add3A_498, %dma_start3A_503] : memref<65536x384xf32, #tpu.memory_space<hbm>> -> memref<128x128xf32, #tpu.memory_space<hbm>>
    %dma_start3A_505 = arith.constant 256 : i32
    %dma_start3A_506 = tpu.memref_slice %arg5[%add3A_498, %dma_start3A_505] : memref<65536x384xf32, #tpu.memory_space<hbm>> -> memref<128x128xf32, #tpu.memory_space<hbm>>
    tpu.enqueue_dma source(%arg10 : memref<128x128xf32, #tpu.memory_space<vmem>>) target(%dma_start3A_506 : memref<128x128xf32, #tpu.memory_space<hbm>>) target_semaphore(%arg14 : memref<!tpu.dma_semaphore, #tpu.memory_space<semaphore_mem>>)
    %dma_wait3A_507 = arith.constant 0 : i32
    %dma_wait3A_508 = tpu.memref_slice %arg5[%add3A_498, %dma_wait3A_507] : memref<65536x384xf32, #tpu.memory_space<hbm>> -> memref<128x256xf32, #tpu.memory_space<hbm>>
    %dma_wait3A_509 = arith.constant 0 : i32
    %dma_wait3A_510 = tpu.memref_slice %arg5[%add3A_498, %dma_wait3A_509] : memref<65536x384xf32, #tpu.memory_space<hbm>> -> memref<128x256xf32, #tpu.memory_space<hbm>>
    tpu.wait_dma2 semaphore(%arg14 : memref<!tpu.dma_semaphore, #tpu.memory_space<semaphore_mem>>) src(%arg8 : memref<128x256xf32, #tpu.memory_space<vmem>>) dst(%dma_wait3A_510 : memref<128x256xf32, #tpu.memory_space<hbm>>)
    %dma_wait3A_511 = arith.constant 256 : i32
    %dma_wait3A_512 = tpu.memref_slice %arg5[%add3A_498, %dma_wait3A_511] : memref<65536x384xf32, #tpu.memory_space<hbm>> -> memref<128x128xf32, #tpu.memory_space<hbm>>
    %dma_wait3A_513 = arith.constant 256 : i32
    %dma_wait3A_514 = tpu.memref_slice %arg5[%add3A_498, %dma_wait3A_513] : memref<65536x384xf32, #tpu.memory_space<hbm>> -> memref<128x128xf32, #tpu.memory_space<hbm>>
    tpu.wait_dma2 semaphore(%arg14 : memref<!tpu.dma_semaphore, #tpu.memory_space<semaphore_mem>>) src(%arg10 : memref<128x128xf32, #tpu.memory_space<vmem>>) dst(%dma_wait3A_514 : memref<128x128xf32, #tpu.memory_space<hbm>>)
    %dma_start3A_515 = arith.constant 11 : i32
    %dma_start3A_516 = arith.constant 0 : i32
    %dma_start3A_517 = tpu.memref_slice %arg6[%dma_start3A_515, %dma_start3A_516] : memref<16x128xi32, #tpu.memory_space<vmem>> -> memref<1x128xi32, #tpu.memory_space<vmem>>
    %dma_start3A_518 = tpu.memref_squeeze %dma_start3A_517 : memref<1x128xi32, #tpu.memory_space<vmem>> -> memref<128xi32, #tpu.memory_space<vmem>>
    %dma_start3A_519 = arith.constant 0 : i32
    %dma_start3A_520 = arith.constant 0 : i32
    %dma_start3A_521 = tpu.memref_slice %arg2[%dma_start3A_519, %dma_start3A_520] : memref<65536x256xf32, #tpu.memory_space<hbm>> -> memref<65536x256xf32, #tpu.memory_space<hbm>>
    tpu.enqueue_indirect_dma source(%dma_start3A_521 : memref<65536x256xf32, #tpu.memory_space<hbm>>) target(%arg8 : memref<128x256xf32, #tpu.memory_space<vmem>>) offsets(%dma_start3A_518 : memref<128xi32, #tpu.memory_space<vmem>>) semaphore(%arg12 : memref<!tpu.dma_semaphore, #tpu.memory_space<semaphore_mem>>)
    %dma_start3A_522 = arith.constant 11 : i32
    %dma_start3A_523 = arith.constant 0 : i32
    %dma_start3A_524 = tpu.memref_slice %arg6[%dma_start3A_522, %dma_start3A_523] : memref<16x128xi32, #tpu.memory_space<vmem>> -> memref<1x128xi32, #tpu.memory_space<vmem>>
    %dma_start3A_525 = tpu.memref_squeeze %dma_start3A_524 : memref<1x128xi32, #tpu.memory_space<vmem>> -> memref<128xi32, #tpu.memory_space<vmem>>
    %dma_start3A_526 = arith.constant 0 : i32
    %dma_start3A_527 = arith.constant 0 : i32
    %dma_start3A_528 = tpu.memref_slice %arg3[%dma_start3A_526, %dma_start3A_527] : memref<65536x128xf32, #tpu.memory_space<hbm>> -> memref<65536x128xf32, #tpu.memory_space<hbm>>
    tpu.enqueue_indirect_dma source(%dma_start3A_528 : memref<65536x128xf32, #tpu.memory_space<hbm>>) target(%arg10 : memref<128x128xf32, #tpu.memory_space<vmem>>) offsets(%dma_start3A_525 : memref<128xi32, #tpu.memory_space<vmem>>) semaphore(%arg12 : memref<!tpu.dma_semaphore, #tpu.memory_space<semaphore_mem>>)
    %dma_wait3A_529 = arith.constant 10 : i32
    %dma_wait3A_530 = arith.constant 0 : i32
    %dma_wait3A_531 = tpu.memref_slice %arg6[%dma_wait3A_529, %dma_wait3A_530] : memref<16x128xi32, #tpu.memory_space<vmem>> -> memref<1x128xi32, #tpu.memory_space<vmem>>
    %dma_wait3A_532 = tpu.memref_squeeze %dma_wait3A_531 : memref<1x128xi32, #tpu.memory_space<vmem>> -> memref<128xi32, #tpu.memory_space<vmem>>
    %dma_wait3A_533 = arith.constant 0 : i32
    %dma_wait3A_534 = arith.constant 0 : i32
    %dma_wait3A_535 = tpu.memref_slice %arg2[%dma_wait3A_533, %dma_wait3A_534] : memref<65536x256xf32, #tpu.memory_space<hbm>> -> memref<65536x256xf32, #tpu.memory_space<hbm>>
    tpu.wait_indirect_dma semaphore(%arg11 : memref<!tpu.dma_semaphore, #tpu.memory_space<semaphore_mem>>) src(%dma_wait3A_535 : memref<65536x256xf32, #tpu.memory_space<hbm>>) dst(%arg7 : memref<128x256xf32, #tpu.memory_space<vmem>>)
    %dma_wait3A_536 = arith.constant 10 : i32
    %dma_wait3A_537 = arith.constant 0 : i32
    %dma_wait3A_538 = tpu.memref_slice %arg6[%dma_wait3A_536, %dma_wait3A_537] : memref<16x128xi32, #tpu.memory_space<vmem>> -> memref<1x128xi32, #tpu.memory_space<vmem>>
    %dma_wait3A_539 = tpu.memref_squeeze %dma_wait3A_538 : memref<1x128xi32, #tpu.memory_space<vmem>> -> memref<128xi32, #tpu.memory_space<vmem>>
    %dma_wait3A_540 = arith.constant 0 : i32
    %dma_wait3A_541 = arith.constant 0 : i32
    %dma_wait3A_542 = tpu.memref_slice %arg3[%dma_wait3A_540, %dma_wait3A_541] : memref<65536x128xf32, #tpu.memory_space<hbm>> -> memref<65536x128xf32, #tpu.memory_space<hbm>>
    tpu.wait_indirect_dma semaphore(%arg11 : memref<!tpu.dma_semaphore, #tpu.memory_space<semaphore_mem>>) src(%dma_wait3A_542 : memref<65536x128xf32, #tpu.memory_space<hbm>>) dst(%arg9 : memref<128x128xf32, #tpu.memory_space<vmem>>)
    %mul3A_543 = arith.constant 16 : i32
    %mul3A_544 = arith.muli %add3A, %mul3A_543 : i32
    %mul3A_545 = arith.constant 128 : i32
    %mul3A_546 = arith.muli %mul3A_544, %mul3A_545 : i32
    %add3A_547 = arith.constant 1280 : i32
    %add3A_548 = arith.addi %mul3A_546, %add3A_547 : i32
    %dma_start3A_549 = arith.constant 0 : i32
    %dma_start3A_550 = tpu.memref_slice %arg5[%add3A_548, %dma_start3A_549] : memref<65536x384xf32, #tpu.memory_space<hbm>> -> memref<128x256xf32, #tpu.memory_space<hbm>>
    %dma_start3A_551 = arith.constant 0 : i32
    %dma_start3A_552 = tpu.memref_slice %arg5[%add3A_548, %dma_start3A_551] : memref<65536x384xf32, #tpu.memory_space<hbm>> -> memref<128x256xf32, #tpu.memory_space<hbm>>
    tpu.enqueue_dma source(%arg7 : memref<128x256xf32, #tpu.memory_space<vmem>>) target(%dma_start3A_552 : memref<128x256xf32, #tpu.memory_space<hbm>>) target_semaphore(%arg13 : memref<!tpu.dma_semaphore, #tpu.memory_space<semaphore_mem>>)
    %dma_start3A_553 = arith.constant 256 : i32
    %dma_start3A_554 = tpu.memref_slice %arg5[%add3A_548, %dma_start3A_553] : memref<65536x384xf32, #tpu.memory_space<hbm>> -> memref<128x128xf32, #tpu.memory_space<hbm>>
    %dma_start3A_555 = arith.constant 256 : i32
    %dma_start3A_556 = tpu.memref_slice %arg5[%add3A_548, %dma_start3A_555] : memref<65536x384xf32, #tpu.memory_space<hbm>> -> memref<128x128xf32, #tpu.memory_space<hbm>>
    tpu.enqueue_dma source(%arg9 : memref<128x128xf32, #tpu.memory_space<vmem>>) target(%dma_start3A_556 : memref<128x128xf32, #tpu.memory_space<hbm>>) target_semaphore(%arg13 : memref<!tpu.dma_semaphore, #tpu.memory_space<semaphore_mem>>)
    %dma_wait3A_557 = arith.constant 0 : i32
    %dma_wait3A_558 = tpu.memref_slice %arg5[%add3A_548, %dma_wait3A_557] : memref<65536x384xf32, #tpu.memory_space<hbm>> -> memref<128x256xf32, #tpu.memory_space<hbm>>
    %dma_wait3A_559 = arith.constant 0 : i32
    %dma_wait3A_560 = tpu.memref_slice %arg5[%add3A_548, %dma_wait3A_559] : memref<65536x384xf32, #tpu.memory_space<hbm>> -> memref<128x256xf32, #tpu.memory_space<hbm>>
    tpu.wait_dma2 semaphore(%arg13 : memref<!tpu.dma_semaphore, #tpu.memory_space<semaphore_mem>>) src(%arg7 : memref<128x256xf32, #tpu.memory_space<vmem>>) dst(%dma_wait3A_560 : memref<128x256xf32, #tpu.memory_space<hbm>>)
    %dma_wait3A_561 = arith.constant 256 : i32
    %dma_wait3A_562 = tpu.memref_slice %arg5[%add3A_548, %dma_wait3A_561] : memref<65536x384xf32, #tpu.memory_space<hbm>> -> memref<128x128xf32, #tpu.memory_space<hbm>>
    %dma_wait3A_563 = arith.constant 256 : i32
    %dma_wait3A_564 = tpu.memref_slice %arg5[%add3A_548, %dma_wait3A_563] : memref<65536x384xf32, #tpu.memory_space<hbm>> -> memref<128x128xf32, #tpu.memory_space<hbm>>
    tpu.wait_dma2 semaphore(%arg13 : memref<!tpu.dma_semaphore, #tpu.memory_space<semaphore_mem>>) src(%arg9 : memref<128x128xf32, #tpu.memory_space<vmem>>) dst(%dma_wait3A_564 : memref<128x128xf32, #tpu.memory_space<hbm>>)
    %dma_start3A_565 = arith.constant 12 : i32
    %dma_start3A_566 = arith.constant 0 : i32
    %dma_start3A_567 = tpu.memref_slice %arg6[%dma_start3A_565, %dma_start3A_566] : memref<16x128xi32, #tpu.memory_space<vmem>> -> memref<1x128xi32, #tpu.memory_space<vmem>>
    %dma_start3A_568 = tpu.memref_squeeze %dma_start3A_567 : memref<1x128xi32, #tpu.memory_space<vmem>> -> memref<128xi32, #tpu.memory_space<vmem>>
    %dma_start3A_569 = arith.constant 0 : i32
    %dma_start3A_570 = arith.constant 0 : i32
    %dma_start3A_571 = tpu.memref_slice %arg2[%dma_start3A_569, %dma_start3A_570] : memref<65536x256xf32, #tpu.memory_space<hbm>> -> memref<65536x256xf32, #tpu.memory_space<hbm>>
    tpu.enqueue_indirect_dma source(%dma_start3A_571 : memref<65536x256xf32, #tpu.memory_space<hbm>>) target(%arg7 : memref<128x256xf32, #tpu.memory_space<vmem>>) offsets(%dma_start3A_568 : memref<128xi32, #tpu.memory_space<vmem>>) semaphore(%arg11 : memref<!tpu.dma_semaphore, #tpu.memory_space<semaphore_mem>>)
    %dma_start3A_572 = arith.constant 12 : i32
    %dma_start3A_573 = arith.constant 0 : i32
    %dma_start3A_574 = tpu.memref_slice %arg6[%dma_start3A_572, %dma_start3A_573] : memref<16x128xi32, #tpu.memory_space<vmem>> -> memref<1x128xi32, #tpu.memory_space<vmem>>
    %dma_start3A_575 = tpu.memref_squeeze %dma_start3A_574 : memref<1x128xi32, #tpu.memory_space<vmem>> -> memref<128xi32, #tpu.memory_space<vmem>>
    %dma_start3A_576 = arith.constant 0 : i32
    %dma_start3A_577 = arith.constant 0 : i32
    %dma_start3A_578 = tpu.memref_slice %arg3[%dma_start3A_576, %dma_start3A_577] : memref<65536x128xf32, #tpu.memory_space<hbm>> -> memref<65536x128xf32, #tpu.memory_space<hbm>>
    tpu.enqueue_indirect_dma source(%dma_start3A_578 : memref<65536x128xf32, #tpu.memory_space<hbm>>) target(%arg9 : memref<128x128xf32, #tpu.memory_space<vmem>>) offsets(%dma_start3A_575 : memref<128xi32, #tpu.memory_space<vmem>>) semaphore(%arg11 : memref<!tpu.dma_semaphore, #tpu.memory_space<semaphore_mem>>)
    %dma_wait3A_579 = arith.constant 11 : i32
    %dma_wait3A_580 = arith.constant 0 : i32
    %dma_wait3A_581 = tpu.memref_slice %arg6[%dma_wait3A_579, %dma_wait3A_580] : memref<16x128xi32, #tpu.memory_space<vmem>> -> memref<1x128xi32, #tpu.memory_space<vmem>>
    %dma_wait3A_582 = tpu.memref_squeeze %dma_wait3A_581 : memref<1x128xi32, #tpu.memory_space<vmem>> -> memref<128xi32, #tpu.memory_space<vmem>>
    %dma_wait3A_583 = arith.constant 0 : i32
    %dma_wait3A_584 = arith.constant 0 : i32
    %dma_wait3A_585 = tpu.memref_slice %arg2[%dma_wait3A_583, %dma_wait3A_584] : memref<65536x256xf32, #tpu.memory_space<hbm>> -> memref<65536x256xf32, #tpu.memory_space<hbm>>
    tpu.wait_indirect_dma semaphore(%arg12 : memref<!tpu.dma_semaphore, #tpu.memory_space<semaphore_mem>>) src(%dma_wait3A_585 : memref<65536x256xf32, #tpu.memory_space<hbm>>) dst(%arg8 : memref<128x256xf32, #tpu.memory_space<vmem>>)
    %dma_wait3A_586 = arith.constant 11 : i32
    %dma_wait3A_587 = arith.constant 0 : i32
    %dma_wait3A_588 = tpu.memref_slice %arg6[%dma_wait3A_586, %dma_wait3A_587] : memref<16x128xi32, #tpu.memory_space<vmem>> -> memref<1x128xi32, #tpu.memory_space<vmem>>
    %dma_wait3A_589 = tpu.memref_squeeze %dma_wait3A_588 : memref<1x128xi32, #tpu.memory_space<vmem>> -> memref<128xi32, #tpu.memory_space<vmem>>
    %dma_wait3A_590 = arith.constant 0 : i32
    %dma_wait3A_591 = arith.constant 0 : i32
    %dma_wait3A_592 = tpu.memref_slice %arg3[%dma_wait3A_590, %dma_wait3A_591] : memref<65536x128xf32, #tpu.memory_space<hbm>> -> memref<65536x128xf32, #tpu.memory_space<hbm>>
    tpu.wait_indirect_dma semaphore(%arg12 : memref<!tpu.dma_semaphore, #tpu.memory_space<semaphore_mem>>) src(%dma_wait3A_592 : memref<65536x128xf32, #tpu.memory_space<hbm>>) dst(%arg10 : memref<128x128xf32, #tpu.memory_space<vmem>>)
    %mul3A_593 = arith.constant 16 : i32
    %mul3A_594 = arith.muli %add3A, %mul3A_593 : i32
    %mul3A_595 = arith.constant 128 : i32
    %mul3A_596 = arith.muli %mul3A_594, %mul3A_595 : i32
    %add3A_597 = arith.constant 1408 : i32
    %add3A_598 = arith.addi %mul3A_596, %add3A_597 : i32
    %dma_start3A_599 = arith.constant 0 : i32
    %dma_start3A_600 = tpu.memref_slice %arg5[%add3A_598, %dma_start3A_599] : memref<65536x384xf32, #tpu.memory_space<hbm>> -> memref<128x256xf32, #tpu.memory_space<hbm>>
    %dma_start3A_601 = arith.constant 0 : i32
    %dma_start3A_602 = tpu.memref_slice %arg5[%add3A_598, %dma_start3A_601] : memref<65536x384xf32, #tpu.memory_space<hbm>> -> memref<128x256xf32, #tpu.memory_space<hbm>>
    tpu.enqueue_dma source(%arg8 : memref<128x256xf32, #tpu.memory_space<vmem>>) target(%dma_start3A_602 : memref<128x256xf32, #tpu.memory_space<hbm>>) target_semaphore(%arg14 : memref<!tpu.dma_semaphore, #tpu.memory_space<semaphore_mem>>)
    %dma_start3A_603 = arith.constant 256 : i32
    %dma_start3A_604 = tpu.memref_slice %arg5[%add3A_598, %dma_start3A_603] : memref<65536x384xf32, #tpu.memory_space<hbm>> -> memref<128x128xf32, #tpu.memory_space<hbm>>
    %dma_start3A_605 = arith.constant 256 : i32
    %dma_start3A_606 = tpu.memref_slice %arg5[%add3A_598, %dma_start3A_605] : memref<65536x384xf32, #tpu.memory_space<hbm>> -> memref<128x128xf32, #tpu.memory_space<hbm>>
    tpu.enqueue_dma source(%arg10 : memref<128x128xf32, #tpu.memory_space<vmem>>) target(%dma_start3A_606 : memref<128x128xf32, #tpu.memory_space<hbm>>) target_semaphore(%arg14 : memref<!tpu.dma_semaphore, #tpu.memory_space<semaphore_mem>>)
    %dma_wait3A_607 = arith.constant 0 : i32
    %dma_wait3A_608 = tpu.memref_slice %arg5[%add3A_598, %dma_wait3A_607] : memref<65536x384xf32, #tpu.memory_space<hbm>> -> memref<128x256xf32, #tpu.memory_space<hbm>>
    %dma_wait3A_609 = arith.constant 0 : i32
    %dma_wait3A_610 = tpu.memref_slice %arg5[%add3A_598, %dma_wait3A_609] : memref<65536x384xf32, #tpu.memory_space<hbm>> -> memref<128x256xf32, #tpu.memory_space<hbm>>
    tpu.wait_dma2 semaphore(%arg14 : memref<!tpu.dma_semaphore, #tpu.memory_space<semaphore_mem>>) src(%arg8 : memref<128x256xf32, #tpu.memory_space<vmem>>) dst(%dma_wait3A_610 : memref<128x256xf32, #tpu.memory_space<hbm>>)
    %dma_wait3A_611 = arith.constant 256 : i32
    %dma_wait3A_612 = tpu.memref_slice %arg5[%add3A_598, %dma_wait3A_611] : memref<65536x384xf32, #tpu.memory_space<hbm>> -> memref<128x128xf32, #tpu.memory_space<hbm>>
    %dma_wait3A_613 = arith.constant 256 : i32
    %dma_wait3A_614 = tpu.memref_slice %arg5[%add3A_598, %dma_wait3A_613] : memref<65536x384xf32, #tpu.memory_space<hbm>> -> memref<128x128xf32, #tpu.memory_space<hbm>>
    tpu.wait_dma2 semaphore(%arg14 : memref<!tpu.dma_semaphore, #tpu.memory_space<semaphore_mem>>) src(%arg10 : memref<128x128xf32, #tpu.memory_space<vmem>>) dst(%dma_wait3A_614 : memref<128x128xf32, #tpu.memory_space<hbm>>)
    %dma_start3A_615 = arith.constant 13 : i32
    %dma_start3A_616 = arith.constant 0 : i32
    %dma_start3A_617 = tpu.memref_slice %arg6[%dma_start3A_615, %dma_start3A_616] : memref<16x128xi32, #tpu.memory_space<vmem>> -> memref<1x128xi32, #tpu.memory_space<vmem>>
    %dma_start3A_618 = tpu.memref_squeeze %dma_start3A_617 : memref<1x128xi32, #tpu.memory_space<vmem>> -> memref<128xi32, #tpu.memory_space<vmem>>
    %dma_start3A_619 = arith.constant 0 : i32
    %dma_start3A_620 = arith.constant 0 : i32
    %dma_start3A_621 = tpu.memref_slice %arg2[%dma_start3A_619, %dma_start3A_620] : memref<65536x256xf32, #tpu.memory_space<hbm>> -> memref<65536x256xf32, #tpu.memory_space<hbm>>
    tpu.enqueue_indirect_dma source(%dma_start3A_621 : memref<65536x256xf32, #tpu.memory_space<hbm>>) target(%arg8 : memref<128x256xf32, #tpu.memory_space<vmem>>) offsets(%dma_start3A_618 : memref<128xi32, #tpu.memory_space<vmem>>) semaphore(%arg12 : memref<!tpu.dma_semaphore, #tpu.memory_space<semaphore_mem>>)
    %dma_start3A_622 = arith.constant 13 : i32
    %dma_start3A_623 = arith.constant 0 : i32
    %dma_start3A_624 = tpu.memref_slice %arg6[%dma_start3A_622, %dma_start3A_623] : memref<16x128xi32, #tpu.memory_space<vmem>> -> memref<1x128xi32, #tpu.memory_space<vmem>>
    %dma_start3A_625 = tpu.memref_squeeze %dma_start3A_624 : memref<1x128xi32, #tpu.memory_space<vmem>> -> memref<128xi32, #tpu.memory_space<vmem>>
    %dma_start3A_626 = arith.constant 0 : i32
    %dma_start3A_627 = arith.constant 0 : i32
    %dma_start3A_628 = tpu.memref_slice %arg3[%dma_start3A_626, %dma_start3A_627] : memref<65536x128xf32, #tpu.memory_space<hbm>> -> memref<65536x128xf32, #tpu.memory_space<hbm>>
    tpu.enqueue_indirect_dma source(%dma_start3A_628 : memref<65536x128xf32, #tpu.memory_space<hbm>>) target(%arg10 : memref<128x128xf32, #tpu.memory_space<vmem>>) offsets(%dma_start3A_625 : memref<128xi32, #tpu.memory_space<vmem>>) semaphore(%arg12 : memref<!tpu.dma_semaphore, #tpu.memory_space<semaphore_mem>>)
    %dma_wait3A_629 = arith.constant 12 : i32
    %dma_wait3A_630 = arith.constant 0 : i32
    %dma_wait3A_631 = tpu.memref_slice %arg6[%dma_wait3A_629, %dma_wait3A_630] : memref<16x128xi32, #tpu.memory_space<vmem>> -> memref<1x128xi32, #tpu.memory_space<vmem>>
    %dma_wait3A_632 = tpu.memref_squeeze %dma_wait3A_631 : memref<1x128xi32, #tpu.memory_space<vmem>> -> memref<128xi32, #tpu.memory_space<vmem>>
    %dma_wait3A_633 = arith.constant 0 : i32
    %dma_wait3A_634 = arith.constant 0 : i32
    %dma_wait3A_635 = tpu.memref_slice %arg2[%dma_wait3A_633, %dma_wait3A_634] : memref<65536x256xf32, #tpu.memory_space<hbm>> -> memref<65536x256xf32, #tpu.memory_space<hbm>>
    tpu.wait_indirect_dma semaphore(%arg11 : memref<!tpu.dma_semaphore, #tpu.memory_space<semaphore_mem>>) src(%dma_wait3A_635 : memref<65536x256xf32, #tpu.memory_space<hbm>>) dst(%arg7 : memref<128x256xf32, #tpu.memory_space<vmem>>)
    %dma_wait3A_636 = arith.constant 12 : i32
    %dma_wait3A_637 = arith.constant 0 : i32
    %dma_wait3A_638 = tpu.memref_slice %arg6[%dma_wait3A_636, %dma_wait3A_637] : memref<16x128xi32, #tpu.memory_space<vmem>> -> memref<1x128xi32, #tpu.memory_space<vmem>>
    %dma_wait3A_639 = tpu.memref_squeeze %dma_wait3A_638 : memref<1x128xi32, #tpu.memory_space<vmem>> -> memref<128xi32, #tpu.memory_space<vmem>>
    %dma_wait3A_640 = arith.constant 0 : i32
    %dma_wait3A_641 = arith.constant 0 : i32
    %dma_wait3A_642 = tpu.memref_slice %arg3[%dma_wait3A_640, %dma_wait3A_641] : memref<65536x128xf32, #tpu.memory_space<hbm>> -> memref<65536x128xf32, #tpu.memory_space<hbm>>
    tpu.wait_indirect_dma semaphore(%arg11 : memref<!tpu.dma_semaphore, #tpu.memory_space<semaphore_mem>>) src(%dma_wait3A_642 : memref<65536x128xf32, #tpu.memory_space<hbm>>) dst(%arg9 : memref<128x128xf32, #tpu.memory_space<vmem>>)
    %mul3A_643 = arith.constant 16 : i32
    %mul3A_644 = arith.muli %add3A, %mul3A_643 : i32
    %mul3A_645 = arith.constant 128 : i32
    %mul3A_646 = arith.muli %mul3A_644, %mul3A_645 : i32
    %add3A_647 = arith.constant 1536 : i32
    %add3A_648 = arith.addi %mul3A_646, %add3A_647 : i32
    %dma_start3A_649 = arith.constant 0 : i32
    %dma_start3A_650 = tpu.memref_slice %arg5[%add3A_648, %dma_start3A_649] : memref<65536x384xf32, #tpu.memory_space<hbm>> -> memref<128x256xf32, #tpu.memory_space<hbm>>
    %dma_start3A_651 = arith.constant 0 : i32
    %dma_start3A_652 = tpu.memref_slice %arg5[%add3A_648, %dma_start3A_651] : memref<65536x384xf32, #tpu.memory_space<hbm>> -> memref<128x256xf32, #tpu.memory_space<hbm>>
    tpu.enqueue_dma source(%arg7 : memref<128x256xf32, #tpu.memory_space<vmem>>) target(%dma_start3A_652 : memref<128x256xf32, #tpu.memory_space<hbm>>) target_semaphore(%arg13 : memref<!tpu.dma_semaphore, #tpu.memory_space<semaphore_mem>>)
    %dma_start3A_653 = arith.constant 256 : i32
    %dma_start3A_654 = tpu.memref_slice %arg5[%add3A_648, %dma_start3A_653] : memref<65536x384xf32, #tpu.memory_space<hbm>> -> memref<128x128xf32, #tpu.memory_space<hbm>>
    %dma_start3A_655 = arith.constant 256 : i32
    %dma_start3A_656 = tpu.memref_slice %arg5[%add3A_648, %dma_start3A_655] : memref<65536x384xf32, #tpu.memory_space<hbm>> -> memref<128x128xf32, #tpu.memory_space<hbm>>
    tpu.enqueue_dma source(%arg9 : memref<128x128xf32, #tpu.memory_space<vmem>>) target(%dma_start3A_656 : memref<128x128xf32, #tpu.memory_space<hbm>>) target_semaphore(%arg13 : memref<!tpu.dma_semaphore, #tpu.memory_space<semaphore_mem>>)
    %dma_wait3A_657 = arith.constant 0 : i32
    %dma_wait3A_658 = tpu.memref_slice %arg5[%add3A_648, %dma_wait3A_657] : memref<65536x384xf32, #tpu.memory_space<hbm>> -> memref<128x256xf32, #tpu.memory_space<hbm>>
    %dma_wait3A_659 = arith.constant 0 : i32
    %dma_wait3A_660 = tpu.memref_slice %arg5[%add3A_648, %dma_wait3A_659] : memref<65536x384xf32, #tpu.memory_space<hbm>> -> memref<128x256xf32, #tpu.memory_space<hbm>>
    tpu.wait_dma2 semaphore(%arg13 : memref<!tpu.dma_semaphore, #tpu.memory_space<semaphore_mem>>) src(%arg7 : memref<128x256xf32, #tpu.memory_space<vmem>>) dst(%dma_wait3A_660 : memref<128x256xf32, #tpu.memory_space<hbm>>)
    %dma_wait3A_661 = arith.constant 256 : i32
    %dma_wait3A_662 = tpu.memref_slice %arg5[%add3A_648, %dma_wait3A_661] : memref<65536x384xf32, #tpu.memory_space<hbm>> -> memref<128x128xf32, #tpu.memory_space<hbm>>
    %dma_wait3A_663 = arith.constant 256 : i32
    %dma_wait3A_664 = tpu.memref_slice %arg5[%add3A_648, %dma_wait3A_663] : memref<65536x384xf32, #tpu.memory_space<hbm>> -> memref<128x128xf32, #tpu.memory_space<hbm>>
    tpu.wait_dma2 semaphore(%arg13 : memref<!tpu.dma_semaphore, #tpu.memory_space<semaphore_mem>>) src(%arg9 : memref<128x128xf32, #tpu.memory_space<vmem>>) dst(%dma_wait3A_664 : memref<128x128xf32, #tpu.memory_space<hbm>>)
    %dma_start3A_665 = arith.constant 14 : i32
    %dma_start3A_666 = arith.constant 0 : i32
    %dma_start3A_667 = tpu.memref_slice %arg6[%dma_start3A_665, %dma_start3A_666] : memref<16x128xi32, #tpu.memory_space<vmem>> -> memref<1x128xi32, #tpu.memory_space<vmem>>
    %dma_start3A_668 = tpu.memref_squeeze %dma_start3A_667 : memref<1x128xi32, #tpu.memory_space<vmem>> -> memref<128xi32, #tpu.memory_space<vmem>>
    %dma_start3A_669 = arith.constant 0 : i32
    %dma_start3A_670 = arith.constant 0 : i32
    %dma_start3A_671 = tpu.memref_slice %arg2[%dma_start3A_669, %dma_start3A_670] : memref<65536x256xf32, #tpu.memory_space<hbm>> -> memref<65536x256xf32, #tpu.memory_space<hbm>>
    tpu.enqueue_indirect_dma source(%dma_start3A_671 : memref<65536x256xf32, #tpu.memory_space<hbm>>) target(%arg7 : memref<128x256xf32, #tpu.memory_space<vmem>>) offsets(%dma_start3A_668 : memref<128xi32, #tpu.memory_space<vmem>>) semaphore(%arg11 : memref<!tpu.dma_semaphore, #tpu.memory_space<semaphore_mem>>)
    %dma_start3A_672 = arith.constant 14 : i32
    %dma_start3A_673 = arith.constant 0 : i32
    %dma_start3A_674 = tpu.memref_slice %arg6[%dma_start3A_672, %dma_start3A_673] : memref<16x128xi32, #tpu.memory_space<vmem>> -> memref<1x128xi32, #tpu.memory_space<vmem>>
    %dma_start3A_675 = tpu.memref_squeeze %dma_start3A_674 : memref<1x128xi32, #tpu.memory_space<vmem>> -> memref<128xi32, #tpu.memory_space<vmem>>
    %dma_start3A_676 = arith.constant 0 : i32
    %dma_start3A_677 = arith.constant 0 : i32
    %dma_start3A_678 = tpu.memref_slice %arg3[%dma_start3A_676, %dma_start3A_677] : memref<65536x128xf32, #tpu.memory_space<hbm>> -> memref<65536x128xf32, #tpu.memory_space<hbm>>
    tpu.enqueue_indirect_dma source(%dma_start3A_678 : memref<65536x128xf32, #tpu.memory_space<hbm>>) target(%arg9 : memref<128x128xf32, #tpu.memory_space<vmem>>) offsets(%dma_start3A_675 : memref<128xi32, #tpu.memory_space<vmem>>) semaphore(%arg11 : memref<!tpu.dma_semaphore, #tpu.memory_space<semaphore_mem>>)
    %dma_wait3A_679 = arith.constant 13 : i32
    %dma_wait3A_680 = arith.constant 0 : i32
    %dma_wait3A_681 = tpu.memref_slice %arg6[%dma_wait3A_679, %dma_wait3A_680] : memref<16x128xi32, #tpu.memory_space<vmem>> -> memref<1x128xi32, #tpu.memory_space<vmem>>
    %dma_wait3A_682 = tpu.memref_squeeze %dma_wait3A_681 : memref<1x128xi32, #tpu.memory_space<vmem>> -> memref<128xi32, #tpu.memory_space<vmem>>
    %dma_wait3A_683 = arith.constant 0 : i32
    %dma_wait3A_684 = arith.constant 0 : i32
    %dma_wait3A_685 = tpu.memref_slice %arg2[%dma_wait3A_683, %dma_wait3A_684] : memref<65536x256xf32, #tpu.memory_space<hbm>> -> memref<65536x256xf32, #tpu.memory_space<hbm>>
    tpu.wait_indirect_dma semaphore(%arg12 : memref<!tpu.dma_semaphore, #tpu.memory_space<semaphore_mem>>) src(%dma_wait3A_685 : memref<65536x256xf32, #tpu.memory_space<hbm>>) dst(%arg8 : memref<128x256xf32, #tpu.memory_space<vmem>>)
    %dma_wait3A_686 = arith.constant 13 : i32
    %dma_wait3A_687 = arith.constant 0 : i32
    %dma_wait3A_688 = tpu.memref_slice %arg6[%dma_wait3A_686, %dma_wait3A_687] : memref<16x128xi32, #tpu.memory_space<vmem>> -> memref<1x128xi32, #tpu.memory_space<vmem>>
    %dma_wait3A_689 = tpu.memref_squeeze %dma_wait3A_688 : memref<1x128xi32, #tpu.memory_space<vmem>> -> memref<128xi32, #tpu.memory_space<vmem>>
    %dma_wait3A_690 = arith.constant 0 : i32
    %dma_wait3A_691 = arith.constant 0 : i32
    %dma_wait3A_692 = tpu.memref_slice %arg3[%dma_wait3A_690, %dma_wait3A_691] : memref<65536x128xf32, #tpu.memory_space<hbm>> -> memref<65536x128xf32, #tpu.memory_space<hbm>>
    tpu.wait_indirect_dma semaphore(%arg12 : memref<!tpu.dma_semaphore, #tpu.memory_space<semaphore_mem>>) src(%dma_wait3A_692 : memref<65536x128xf32, #tpu.memory_space<hbm>>) dst(%arg10 : memref<128x128xf32, #tpu.memory_space<vmem>>)
    %mul3A_693 = arith.constant 16 : i32
    %mul3A_694 = arith.muli %add3A, %mul3A_693 : i32
    %mul3A_695 = arith.constant 128 : i32
    %mul3A_696 = arith.muli %mul3A_694, %mul3A_695 : i32
    %add3A_697 = arith.constant 1664 : i32
    %add3A_698 = arith.addi %mul3A_696, %add3A_697 : i32
    %dma_start3A_699 = arith.constant 0 : i32
    %dma_start3A_700 = tpu.memref_slice %arg5[%add3A_698, %dma_start3A_699] : memref<65536x384xf32, #tpu.memory_space<hbm>> -> memref<128x256xf32, #tpu.memory_space<hbm>>
    %dma_start3A_701 = arith.constant 0 : i32
    %dma_start3A_702 = tpu.memref_slice %arg5[%add3A_698, %dma_start3A_701] : memref<65536x384xf32, #tpu.memory_space<hbm>> -> memref<128x256xf32, #tpu.memory_space<hbm>>
    tpu.enqueue_dma source(%arg8 : memref<128x256xf32, #tpu.memory_space<vmem>>) target(%dma_start3A_702 : memref<128x256xf32, #tpu.memory_space<hbm>>) target_semaphore(%arg14 : memref<!tpu.dma_semaphore, #tpu.memory_space<semaphore_mem>>)
    %dma_start3A_703 = arith.constant 256 : i32
    %dma_start3A_704 = tpu.memref_slice %arg5[%add3A_698, %dma_start3A_703] : memref<65536x384xf32, #tpu.memory_space<hbm>> -> memref<128x128xf32, #tpu.memory_space<hbm>>
    %dma_start3A_705 = arith.constant 256 : i32
    %dma_start3A_706 = tpu.memref_slice %arg5[%add3A_698, %dma_start3A_705] : memref<65536x384xf32, #tpu.memory_space<hbm>> -> memref<128x128xf32, #tpu.memory_space<hbm>>
    tpu.enqueue_dma source(%arg10 : memref<128x128xf32, #tpu.memory_space<vmem>>) target(%dma_start3A_706 : memref<128x128xf32, #tpu.memory_space<hbm>>) target_semaphore(%arg14 : memref<!tpu.dma_semaphore, #tpu.memory_space<semaphore_mem>>)
    %dma_wait3A_707 = arith.constant 0 : i32
    %dma_wait3A_708 = tpu.memref_slice %arg5[%add3A_698, %dma_wait3A_707] : memref<65536x384xf32, #tpu.memory_space<hbm>> -> memref<128x256xf32, #tpu.memory_space<hbm>>
    %dma_wait3A_709 = arith.constant 0 : i32
    %dma_wait3A_710 = tpu.memref_slice %arg5[%add3A_698, %dma_wait3A_709] : memref<65536x384xf32, #tpu.memory_space<hbm>> -> memref<128x256xf32, #tpu.memory_space<hbm>>
    tpu.wait_dma2 semaphore(%arg14 : memref<!tpu.dma_semaphore, #tpu.memory_space<semaphore_mem>>) src(%arg8 : memref<128x256xf32, #tpu.memory_space<vmem>>) dst(%dma_wait3A_710 : memref<128x256xf32, #tpu.memory_space<hbm>>)
    %dma_wait3A_711 = arith.constant 256 : i32
    %dma_wait3A_712 = tpu.memref_slice %arg5[%add3A_698, %dma_wait3A_711] : memref<65536x384xf32, #tpu.memory_space<hbm>> -> memref<128x128xf32, #tpu.memory_space<hbm>>
    %dma_wait3A_713 = arith.constant 256 : i32
    %dma_wait3A_714 = tpu.memref_slice %arg5[%add3A_698, %dma_wait3A_713] : memref<65536x384xf32, #tpu.memory_space<hbm>> -> memref<128x128xf32, #tpu.memory_space<hbm>>
    tpu.wait_dma2 semaphore(%arg14 : memref<!tpu.dma_semaphore, #tpu.memory_space<semaphore_mem>>) src(%arg10 : memref<128x128xf32, #tpu.memory_space<vmem>>) dst(%dma_wait3A_714 : memref<128x128xf32, #tpu.memory_space<hbm>>)
    %dma_start3A_715 = arith.constant 15 : i32
    %dma_start3A_716 = arith.constant 0 : i32
    %dma_start3A_717 = tpu.memref_slice %arg6[%dma_start3A_715, %dma_start3A_716] : memref<16x128xi32, #tpu.memory_space<vmem>> -> memref<1x128xi32, #tpu.memory_space<vmem>>
    %dma_start3A_718 = tpu.memref_squeeze %dma_start3A_717 : memref<1x128xi32, #tpu.memory_space<vmem>> -> memref<128xi32, #tpu.memory_space<vmem>>
    %dma_start3A_719 = arith.constant 0 : i32
    %dma_start3A_720 = arith.constant 0 : i32
    %dma_start3A_721 = tpu.memref_slice %arg2[%dma_start3A_719, %dma_start3A_720] : memref<65536x256xf32, #tpu.memory_space<hbm>> -> memref<65536x256xf32, #tpu.memory_space<hbm>>
    tpu.enqueue_indirect_dma source(%dma_start3A_721 : memref<65536x256xf32, #tpu.memory_space<hbm>>) target(%arg8 : memref<128x256xf32, #tpu.memory_space<vmem>>) offsets(%dma_start3A_718 : memref<128xi32, #tpu.memory_space<vmem>>) semaphore(%arg12 : memref<!tpu.dma_semaphore, #tpu.memory_space<semaphore_mem>>)
    %dma_start3A_722 = arith.constant 15 : i32
    %dma_start3A_723 = arith.constant 0 : i32
    %dma_start3A_724 = tpu.memref_slice %arg6[%dma_start3A_722, %dma_start3A_723] : memref<16x128xi32, #tpu.memory_space<vmem>> -> memref<1x128xi32, #tpu.memory_space<vmem>>
    %dma_start3A_725 = tpu.memref_squeeze %dma_start3A_724 : memref<1x128xi32, #tpu.memory_space<vmem>> -> memref<128xi32, #tpu.memory_space<vmem>>
    %dma_start3A_726 = arith.constant 0 : i32
    %dma_start3A_727 = arith.constant 0 : i32
    %dma_start3A_728 = tpu.memref_slice %arg3[%dma_start3A_726, %dma_start3A_727] : memref<65536x128xf32, #tpu.memory_space<hbm>> -> memref<65536x128xf32, #tpu.memory_space<hbm>>
    tpu.enqueue_indirect_dma source(%dma_start3A_728 : memref<65536x128xf32, #tpu.memory_space<hbm>>) target(%arg10 : memref<128x128xf32, #tpu.memory_space<vmem>>) offsets(%dma_start3A_725 : memref<128xi32, #tpu.memory_space<vmem>>) semaphore(%arg12 : memref<!tpu.dma_semaphore, #tpu.memory_space<semaphore_mem>>)
    %dma_wait3A_729 = arith.constant 14 : i32
    %dma_wait3A_730 = arith.constant 0 : i32
    %dma_wait3A_731 = tpu.memref_slice %arg6[%dma_wait3A_729, %dma_wait3A_730] : memref<16x128xi32, #tpu.memory_space<vmem>> -> memref<1x128xi32, #tpu.memory_space<vmem>>
    %dma_wait3A_732 = tpu.memref_squeeze %dma_wait3A_731 : memref<1x128xi32, #tpu.memory_space<vmem>> -> memref<128xi32, #tpu.memory_space<vmem>>
    %dma_wait3A_733 = arith.constant 0 : i32
    %dma_wait3A_734 = arith.constant 0 : i32
    %dma_wait3A_735 = tpu.memref_slice %arg2[%dma_wait3A_733, %dma_wait3A_734] : memref<65536x256xf32, #tpu.memory_space<hbm>> -> memref<65536x256xf32, #tpu.memory_space<hbm>>
    tpu.wait_indirect_dma semaphore(%arg11 : memref<!tpu.dma_semaphore, #tpu.memory_space<semaphore_mem>>) src(%dma_wait3A_735 : memref<65536x256xf32, #tpu.memory_space<hbm>>) dst(%arg7 : memref<128x256xf32, #tpu.memory_space<vmem>>)
    %dma_wait3A_736 = arith.constant 14 : i32
    %dma_wait3A_737 = arith.constant 0 : i32
    %dma_wait3A_738 = tpu.memref_slice %arg6[%dma_wait3A_736, %dma_wait3A_737] : memref<16x128xi32, #tpu.memory_space<vmem>> -> memref<1x128xi32, #tpu.memory_space<vmem>>
    %dma_wait3A_739 = tpu.memref_squeeze %dma_wait3A_738 : memref<1x128xi32, #tpu.memory_space<vmem>> -> memref<128xi32, #tpu.memory_space<vmem>>
    %dma_wait3A_740 = arith.constant 0 : i32
    %dma_wait3A_741 = arith.constant 0 : i32
    %dma_wait3A_742 = tpu.memref_slice %arg3[%dma_wait3A_740, %dma_wait3A_741] : memref<65536x128xf32, #tpu.memory_space<hbm>> -> memref<65536x128xf32, #tpu.memory_space<hbm>>
    tpu.wait_indirect_dma semaphore(%arg11 : memref<!tpu.dma_semaphore, #tpu.memory_space<semaphore_mem>>) src(%dma_wait3A_742 : memref<65536x128xf32, #tpu.memory_space<hbm>>) dst(%arg9 : memref<128x128xf32, #tpu.memory_space<vmem>>)
    %mul3A_743 = arith.constant 16 : i32
    %mul3A_744 = arith.muli %add3A, %mul3A_743 : i32
    %mul3A_745 = arith.constant 128 : i32
    %mul3A_746 = arith.muli %mul3A_744, %mul3A_745 : i32
    %add3A_747 = arith.constant 1792 : i32
    %add3A_748 = arith.addi %mul3A_746, %add3A_747 : i32
    %dma_start3A_749 = arith.constant 0 : i32
    %dma_start3A_750 = tpu.memref_slice %arg5[%add3A_748, %dma_start3A_749] : memref<65536x384xf32, #tpu.memory_space<hbm>> -> memref<128x256xf32, #tpu.memory_space<hbm>>
    %dma_start3A_751 = arith.constant 0 : i32
    %dma_start3A_752 = tpu.memref_slice %arg5[%add3A_748, %dma_start3A_751] : memref<65536x384xf32, #tpu.memory_space<hbm>> -> memref<128x256xf32, #tpu.memory_space<hbm>>
    tpu.enqueue_dma source(%arg7 : memref<128x256xf32, #tpu.memory_space<vmem>>) target(%dma_start3A_752 : memref<128x256xf32, #tpu.memory_space<hbm>>) target_semaphore(%arg13 : memref<!tpu.dma_semaphore, #tpu.memory_space<semaphore_mem>>)
    %dma_start3A_753 = arith.constant 256 : i32
    %dma_start3A_754 = tpu.memref_slice %arg5[%add3A_748, %dma_start3A_753] : memref<65536x384xf32, #tpu.memory_space<hbm>> -> memref<128x128xf32, #tpu.memory_space<hbm>>
    %dma_start3A_755 = arith.constant 256 : i32
    %dma_start3A_756 = tpu.memref_slice %arg5[%add3A_748, %dma_start3A_755] : memref<65536x384xf32, #tpu.memory_space<hbm>> -> memref<128x128xf32, #tpu.memory_space<hbm>>
    tpu.enqueue_dma source(%arg9 : memref<128x128xf32, #tpu.memory_space<vmem>>) target(%dma_start3A_756 : memref<128x128xf32, #tpu.memory_space<hbm>>) target_semaphore(%arg13 : memref<!tpu.dma_semaphore, #tpu.memory_space<semaphore_mem>>)
    %dma_wait3A_757 = arith.constant 15 : i32
    %dma_wait3A_758 = arith.constant 0 : i32
    %dma_wait3A_759 = tpu.memref_slice %arg6[%dma_wait3A_757, %dma_wait3A_758] : memref<16x128xi32, #tpu.memory_space<vmem>> -> memref<1x128xi32, #tpu.memory_space<vmem>>
    %dma_wait3A_760 = tpu.memref_squeeze %dma_wait3A_759 : memref<1x128xi32, #tpu.memory_space<vmem>> -> memref<128xi32, #tpu.memory_space<vmem>>
    %dma_wait3A_761 = arith.constant 0 : i32
    %dma_wait3A_762 = arith.constant 0 : i32
    %dma_wait3A_763 = tpu.memref_slice %arg2[%dma_wait3A_761, %dma_wait3A_762] : memref<65536x256xf32, #tpu.memory_space<hbm>> -> memref<65536x256xf32, #tpu.memory_space<hbm>>
    tpu.wait_indirect_dma semaphore(%arg12 : memref<!tpu.dma_semaphore, #tpu.memory_space<semaphore_mem>>) src(%dma_wait3A_763 : memref<65536x256xf32, #tpu.memory_space<hbm>>) dst(%arg8 : memref<128x256xf32, #tpu.memory_space<vmem>>)
    %dma_wait3A_764 = arith.constant 15 : i32
    %dma_wait3A_765 = arith.constant 0 : i32
    %dma_wait3A_766 = tpu.memref_slice %arg6[%dma_wait3A_764, %dma_wait3A_765] : memref<16x128xi32, #tpu.memory_space<vmem>> -> memref<1x128xi32, #tpu.memory_space<vmem>>
    %dma_wait3A_767 = tpu.memref_squeeze %dma_wait3A_766 : memref<1x128xi32, #tpu.memory_space<vmem>> -> memref<128xi32, #tpu.memory_space<vmem>>
    %dma_wait3A_768 = arith.constant 0 : i32
    %dma_wait3A_769 = arith.constant 0 : i32
    %dma_wait3A_770 = tpu.memref_slice %arg3[%dma_wait3A_768, %dma_wait3A_769] : memref<65536x128xf32, #tpu.memory_space<hbm>> -> memref<65536x128xf32, #tpu.memory_space<hbm>>
    tpu.wait_indirect_dma semaphore(%arg12 : memref<!tpu.dma_semaphore, #tpu.memory_space<semaphore_mem>>) src(%dma_wait3A_770 : memref<65536x128xf32, #tpu.memory_space<hbm>>) dst(%arg10 : memref<128x128xf32, #tpu.memory_space<vmem>>)
    %mul3A_771 = arith.constant 16 : i32
    %mul3A_772 = arith.muli %add3A, %mul3A_771 : i32
    %mul3A_773 = arith.constant 128 : i32
    %mul3A_774 = arith.muli %mul3A_772, %mul3A_773 : i32
    %add3A_775 = arith.constant 1920 : i32
    %add3A_776 = arith.addi %mul3A_774, %add3A_775 : i32
    %dma_start3A_777 = arith.constant 0 : i32
    %dma_start3A_778 = tpu.memref_slice %arg5[%add3A_776, %dma_start3A_777] : memref<65536x384xf32, #tpu.memory_space<hbm>> -> memref<128x256xf32, #tpu.memory_space<hbm>>
    %dma_start3A_779 = arith.constant 0 : i32
    %dma_start3A_780 = tpu.memref_slice %arg5[%add3A_776, %dma_start3A_779] : memref<65536x384xf32, #tpu.memory_space<hbm>> -> memref<128x256xf32, #tpu.memory_space<hbm>>
    tpu.enqueue_dma source(%arg8 : memref<128x256xf32, #tpu.memory_space<vmem>>) target(%dma_start3A_780 : memref<128x256xf32, #tpu.memory_space<hbm>>) target_semaphore(%arg14 : memref<!tpu.dma_semaphore, #tpu.memory_space<semaphore_mem>>)
    %dma_start3A_781 = arith.constant 256 : i32
    %dma_start3A_782 = tpu.memref_slice %arg5[%add3A_776, %dma_start3A_781] : memref<65536x384xf32, #tpu.memory_space<hbm>> -> memref<128x128xf32, #tpu.memory_space<hbm>>
    %dma_start3A_783 = arith.constant 256 : i32
    %dma_start3A_784 = tpu.memref_slice %arg5[%add3A_776, %dma_start3A_783] : memref<65536x384xf32, #tpu.memory_space<hbm>> -> memref<128x128xf32, #tpu.memory_space<hbm>>
    tpu.enqueue_dma source(%arg10 : memref<128x128xf32, #tpu.memory_space<vmem>>) target(%dma_start3A_784 : memref<128x128xf32, #tpu.memory_space<hbm>>) target_semaphore(%arg14 : memref<!tpu.dma_semaphore, #tpu.memory_space<semaphore_mem>>)
    %dma_wait3A_785 = arith.constant 0 : i32
    %dma_wait3A_786 = tpu.memref_slice %arg5[%add3A_748, %dma_wait3A_785] : memref<65536x384xf32, #tpu.memory_space<hbm>> -> memref<128x256xf32, #tpu.memory_space<hbm>>
    %dma_wait3A_787 = arith.constant 0 : i32
    %dma_wait3A_788 = tpu.memref_slice %arg5[%add3A_748, %dma_wait3A_787] : memref<65536x384xf32, #tpu.memory_space<hbm>> -> memref<128x256xf32, #tpu.memory_space<hbm>>
    tpu.wait_dma2 semaphore(%arg13 : memref<!tpu.dma_semaphore, #tpu.memory_space<semaphore_mem>>) src(%arg7 : memref<128x256xf32, #tpu.memory_space<vmem>>) dst(%dma_wait3A_788 : memref<128x256xf32, #tpu.memory_space<hbm>>)
    %dma_wait3A_789 = arith.constant 256 : i32
    %dma_wait3A_790 = tpu.memref_slice %arg5[%add3A_748, %dma_wait3A_789] : memref<65536x384xf32, #tpu.memory_space<hbm>> -> memref<128x128xf32, #tpu.memory_space<hbm>>
    %dma_wait3A_791 = arith.constant 256 : i32
    %dma_wait3A_792 = tpu.memref_slice %arg5[%add3A_748, %dma_wait3A_791] : memref<65536x384xf32, #tpu.memory_space<hbm>> -> memref<128x128xf32, #tpu.memory_space<hbm>>
    tpu.wait_dma2 semaphore(%arg13 : memref<!tpu.dma_semaphore, #tpu.memory_space<semaphore_mem>>) src(%arg9 : memref<128x128xf32, #tpu.memory_space<vmem>>) dst(%dma_wait3A_792 : memref<128x128xf32, #tpu.memory_space<hbm>>)
    %dma_wait3A_793 = arith.constant 0 : i32
    %dma_wait3A_794 = tpu.memref_slice %arg5[%add3A_776, %dma_wait3A_793] : memref<65536x384xf32, #tpu.memory_space<hbm>> -> memref<128x256xf32, #tpu.memory_space<hbm>>
    %dma_wait3A_795 = arith.constant 0 : i32
    %dma_wait3A_796 = tpu.memref_slice %arg5[%add3A_776, %dma_wait3A_795] : memref<65536x384xf32, #tpu.memory_space<hbm>> -> memref<128x256xf32, #tpu.memory_space<hbm>>
    tpu.wait_dma2 semaphore(%arg14 : memref<!tpu.dma_semaphore, #tpu.memory_space<semaphore_mem>>) src(%arg8 : memref<128x256xf32, #tpu.memory_space<vmem>>) dst(%dma_wait3A_796 : memref<128x256xf32, #tpu.memory_space<hbm>>)
    %dma_wait3A_797 = arith.constant 256 : i32
    %dma_wait3A_798 = tpu.memref_slice %arg5[%add3A_776, %dma_wait3A_797] : memref<65536x384xf32, #tpu.memory_space<hbm>> -> memref<128x128xf32, #tpu.memory_space<hbm>>
    %dma_wait3A_799 = arith.constant 256 : i32
    %dma_wait3A_800 = tpu.memref_slice %arg5[%add3A_776, %dma_wait3A_799] : memref<65536x384xf32, #tpu.memory_space<hbm>> -> memref<128x128xf32, #tpu.memory_space<hbm>>
    tpu.wait_dma2 semaphore(%arg14 : memref<!tpu.dma_semaphore, #tpu.memory_space<semaphore_mem>>) src(%arg10 : memref<128x128xf32, #tpu.memory_space<vmem>>) dst(%dma_wait3A_800 : memref<128x128xf32, #tpu.memory_space<hbm>>)
    return
  }
}

</mosaic_0001>

<sc_bundles>
// kernel: kernel.3.cloned.1.call-start
scs
__scs_entry_jumppad:
0x0: {  	(pc) =	sbr.rel $0x88, $3  }
0x1: {  	(tag) =	ssettag $0x0;
	lr =	simm.s32 $0x1  }
0x2: {  	[smem:$0x3F9D] =	sst lr;
	_ =	strace $0xD0000000  }
0x3: {  	_ = 	snop  }
0x4: {  	_ = 	snop  }
0x5: {  	_ = 	snop  }
0x6: {  	_ = 	snop  }
0x7: {  	_ = 	snop  }
__scs_overlays_trampoline_lowered:
0x8: {  	[smem:$0x3FAC] =	sst s0  }
0x9: {  	[smem:$0x3FAD] =	sst s1  }
0xa: {  	[smem:$0x3FAE] =	sst s2  }
0xb: {  	[smem:$0x3FAF] =	sst s3  }
0xc: {  	[smem:$0x3FB0] =	sst s4  }
0xd: {  	[smem:$0x3FB1] =	sst s5  }
0xe: {  	[smem:$0x3FB2] =	sst s6  }
0xf: {  	[smem:$0x3FB3] =	sst s7  }
0x10: {  	[smem:$0x3FB4] =	sst s8  }
0x11: {  	[smem:$0x3FB5] =	sst s9;
	s0 =	simm.s32 @!p0 $0x0  }
0x12: {  	s1 =	sld [smem:$0x3F9B];
	s0 =	simm.s32 @p0 $0x1  }
0x13: {  	[smem:$0x3FB6] =	sst s0;
	s0 =	simm.s32 @!p1 $0x0  }
0x14: {  	s2 =	sld [smem:$0x3F9A];
	s0 =	simm.s32 @p1 $0x1  }
0x15: {  	[smem:$0x3FB7] =	sst s0;
	s0 =	simm.s32 @!p2 $0x0  }
0x16: {  	s3 =	sld [smem:$0x3FDB];
	s0 =	simm.s32 @p2 $0x1  }
0x17: {  	s4 =	simm.s32 $0x1BF5;
	[smem:$0x3FB9] =	sst s0  }
0x18: {  	s0 =	sld [smem:$0x3F9C];
	_ =	swait.ge [sflag:s4], $0x0  }
0x19: {  	s7 =	sld [smem:$0x3F9D]  }
0x1a: {  	s8 =	sadd.s32 $0xFFFFE003, lr  }
0x1b: {  	s9 =	sadd.s32 $0xFFFFFEF7, lr;
	s5 =	simm.s32 $0xFFFFFFFF;
	p2 =	slt.u32 s8, $0xFFFFF086  }
0x1c: {  	p1 =	slt.u32 s9, $0xF7A;
	s5 =	simm.s32 @!p2 $0x0  }
0x1d: {  	s5 =	simm.s32 @p1 $0x1;
	p0 =	seq.s32 s7, s2  }
0x1e: {  	s7 =	smul.u32 @!p0 $0xF7A, s2;
	p2 =	seq.s32 @!p0 s5, $0x0  }
0x1f: {  	s9 =	smul.u32 $0xF7A, s1;
	s8 =	simm.s32 @!p0 $0x1BF5;
	p2 =	por !p2, p0  }
0x20: {  	[sflag:s8] =	ssyncset.s32 @!p0 $0xFFFFF086;
	s6 =	sadd.s32 @!p0 s3, s7;
	s7 =	simm.s32 @!p0 $0x108  }
0x21: {  	s3 =	sadd.s32 s3, s9;
	s6 =	sadd.s32 @!p0 $0x88, s6;
	s7 =	simm.s32 @p2 $0x1082  }
0x22: {  	[simem:s7], [sflag:s8] =	dma.local @!p0 [hbm:s6], $0xF7A  }
0x23: {  	s9 =	sor.u32 $0xD0000000, s2;
	s6 =	simm.s32 $0x108;
	_ =	swait.ge @!p0 [sflag:s8], $0x0  }
0x24: {  	s3 =	sadd.s32 $0x88, s3;
	s6 =	simm.s32 @!p1 $0x1082;
	[sflag:s4] =	ssyncset.s32 $0xFFFFF086  }
0x25: {  	[simem:s6], [sflag:s4] =	dma.local [hbm:s3], $0xF7A  }
0x26: {  	[smem:$0x3F9D] =	sst s1;
	(tag) =	ssettag s2;
	_ =	strace s9  }
0x27: {  	s1 =	sld [smem:$0x3FAD]  }
0x28: {  	s2 =	sld [smem:$0x3FAE]  }
0x29: {  	s4 =	sld [smem:$0x3FB0]  }
0x2a: {  	p0 =	seq.s32 s5, $0x0;
	s5 =	sld [smem:$0x3FB1]  }
0x2b: {  	s6 =	sld [smem:$0x3FB2]  }
0x2c: {  	s7 =	sld [smem:$0x3FB3]  }
0x2d: {  	s3 =	simm.s32 $0x108;
	s8 =	sld [smem:$0x3FB4]  }
0x2e: {  	s3 =	simm.s32 @!p0 $0x1082;
	s9 =	sld [smem:$0x3FB5]  }
0x2f: {  	lr =	sadd.s32 s0, s3;
	s0 =	sld [smem:$0x3FAC]  }
0x30: {  	s3 =	sld [smem:$0x3FAF]  }
0x31: {  	[smem:$0x3FB8] =	sst s10  }
0x32: {  	s10 =	sld [smem:$0x3FB6];
	_ =	sdelay $0x3  }
0x33: {  	p0 =	seq.s32 s10, $0x1;
	s10 =	sld [smem:$0x3FB8];
	_ =	sdelay $0x3  }
0x34: {  	[smem:$0x3FB8] =	sst s10  }
0x35: {  	s10 =	sld [smem:$0x3FB7];
	_ =	sdelay $0x3  }
0x36: {  	p1 =	seq.s32 s10, $0x1;
	s10 =	sld [smem:$0x3FB8];
	_ =	sdelay $0x3  }
0x37: {  	[smem:$0x3FB8] =	sst s10  }
0x38: {  	s10 =	sld [smem:$0x3FB9]  }
0x39: {  	_ = 	snop;
	(pc) =	sbr.ind lr, $3  }
0x3a: {  	_ = 	snop  }
0x3b: {  	_ = 	snop  }
0x3c: {  	p2 =	seq.s32 s10, $0x1;
	s10 =	sld [smem:$0x3FB8]  }
0x3d: {  	_ =	shalt  }
0x3e: {  	_ =	shalt  }
0x3f: {  	_ =	shalt  }
0x40: {  	_ =	shalt  }
0x41: {  	_ =	shalt  }
0x42: {  	_ =	shalt  }
0x43: {  	_ =	shalt  }
0x44: {  	_ =	shalt  }
0x45: {  	_ =	shalt  }
0x46: {  	_ =	shalt  }
0x47: {  	_ =	shalt  }
0x48: {  	_ =	shalt  }
0x49: {  	_ =	shalt  }
0x4a: {  	_ =	shalt  }
0x4b: {  	_ =	shalt  }
0x4c: {  	_ =	shalt  }
0x4d: {  	_ =	shalt  }
0x4e: {  	_ =	shalt  }
0x4f: {  	_ =	shalt  }
0x50: {  	_ =	shalt  }
0x51: {  	_ =	shalt  }
0x52: {  	_ =	shalt  }
0x53: {  	_ =	shalt  }
0x54: {  	_ =	shalt  }
0x55: {  	_ =	shalt  }
0x56: {  	_ =	shalt  }
0x57: {  	_ =	shalt  }
0x58: {  	_ =	shalt  }
0x59: {  	_ =	shalt  }
0x5a: {  	_ =	shalt  }
0x5b: {  	_ =	shalt  }
0x5c: {  	_ =	shalt  }
0x5d: {  	_ =	shalt  }
0x5e: {  	_ =	shalt  }
0x5f: {  	_ =	shalt  }
0x60: {  	_ =	shalt  }
0x61: {  	_ =	shalt  }
0x62: {  	_ =	shalt  }
0x63: {  	_ =	shalt  }
0x64: {  	_ =	shalt  }
0x65: {  	_ =	shalt  }
0x66: {  	_ =	shalt  }
0x67: {  	_ =	shalt  }
0x68: {  	_ =	shalt  }
0x69: {  	_ =	shalt  }
0x6a: {  	_ =	shalt  }
0x6b: {  	_ =	shalt  }
0x6c: {  	_ =	shalt  }
0x6d: {  	_ =	shalt  }
0x6e: {  	_ =	shalt  }
0x6f: {  	_ =	shalt  }
0x70: {  	_ =	shalt  }
0x71: {  	_ =	shalt  }
0x72: {  	_ =	shalt  }
0x73: {  	_ =	shalt  }
0x74: {  	_ =	shalt  }
0x75: {  	_ =	shalt  }
0x76: {  	_ =	shalt  }
0x77: {  	_ =	shalt  }
0x78: {  	_ =	shalt  }
0x79: {  	_ =	shalt  }
0x7a: {  	_ =	shalt  }
0x7b: {  	_ =	shalt  }
0x7c: {  	_ =	shalt  }
0x7d: {  	_ =	shalt  }
0x7e: {  	_ =	shalt  }
0x7f: {  	_ =	shalt  }
0x80: {  	_ =	shalt  }
0x81: {  	_ =	shalt  }
0x82: {  	_ =	shalt  }
0x83: {  	_ =	shalt  }
0x84: {  	_ =	shalt  }
0x85: {  	_ =	shalt  }
0x86: {  	_ =	shalt  }
0x87: {  	_ =	shalt  }
.Lfunc_end0:
.L_simem_size_0:
called_computation.1_lowered:
.L_overlay_start_0:
0x88: {  	s2 =	sld [smem:$0x3FD9]  }
0x89: {  	s3 =	sld [smem:$0x3FFE];
	_ =	sdelay $0x1  }
0x8a: {  	s1 =	srdreg.scid  }
0x8b: {  	s0 =	sand.u32 $0x1, s1  }
0x8c: {  	s17 =	sshll.u32 s0, $0xA;
	s2 =	sadd.s32 s3, s2  }
0x8d: {  	s2 =	sadd.s32 s2, s17  }
0x8e: {  	[smem:$0x3FC4] =	sst s2  }
0x8f: {  	_ = 	snop  }
0x90: {  	s2 =	sld [smem:$0x3FC9];
	(tm) =	ssettm $0x1  }
0x91: {  	s18 =	sld [smem:$0x3FFB];
	_ =	sdelay $0x3  }
0x92: {  	_ =	strace s18  }
0x93: {  	s3 =	sld [smem:$0x3FFC];
	_ =	sdelay $0x3  }
0x94: {  	_ =	strace s3  }
0x95: {  	s3 =	sld [smem:$0x3FFD];
	_ =	sdelay $0x3  }
0x96: {  	_ =	strace s3  }
0x97: {  	_ =	strace $0x8FFFFFFF  }
0x98: {  	s19 =	sld [smem:$0x3FDB];
	_ =	sdelay $0x1  }
0x99: {  	s4 =	simm.s32 $_scs_section_size  }
0x9a: {  	s5 =	simm.s32 $_size__tile_overlayer_lowered;
	s6 =	simm.s32 $_tile_overlayer_lowered  }
0x9b: {  	s22 =	simm.s32 $0x1BFF;
	s21 =	sshll.u32 s6, $0x1;
	s3 =	sadd.s32 s4, s19  }
0x9c: {  	s7 =	simm.s32 $0x0;
	s20 =	sshll.u32 s5, $0x1;
	s5 =	sadd.s32 s21, s3  }
0x9d: {  	[timem:s7], [sflag:s22] =	dma.local [hbm:s5], s20  }
0x9e: {  	_ =	swait.ge [sflag:s22], s20  }
0x9f: {  	s4 =	ssub.s32 $0x0, s20;
	[sflag:s22] =	ssyncset.done $0x0  }
0xa0: {  	[sflag:s22] =	ssyncadd.s32 s4;
	_ =	sdelay $0x1  }
0xa1: {  	s23 =	simm.s32 $0x1B8B  }
0xa2: {  	_ =	swait.ge [sflag:s23], $0x1  }
0xa3: {  	[sflag:s23] =	ssyncset.done $0x0  }
0xa4: {  	s25 =	simm.s32 $0x1B8E;
	s24 =	sld [smem:$0x3FFE];
	[sflag:s23] =	ssyncadd.s32 $0xFFFFFFFF  }
0xa5: {  	s26 =	simm.s32 $execute0_lowered;
	[smem:$0x3FD2] =	sst s25  }
0xa6: {  	s5 =	sshll.u32 s26, $0x1;
	_ =	strace $0x80000046;
	[dreg:$0x1] =	wrdreg $0xFFFFFFFF  }
0xa7: {  	s28 =	simm.s32 $_size_execute0_lowered;
	s3 =	sadd.s32 s3, s5;
	[dreg:$0x0] =	wrdreg $0x0  }
0xa8: {  	s5 =	sshll.u32 s28, $0x1;
	[dreg:$0x2] =	wrdreg s3  }
0xa9: {  	[dreg:$0x3] =	wrdreg s5  }
0xaa: {  	[dreg:$0x4] =	wrdreg $0xC0  }
0xab: {  	_ =	task [dreg:s7], $0x5FFFF  }
0xac: {  	[dreg:$0x1] =	wrdreg $0xFFFFFFFF  }
0xad: {  	[dreg:$0x0] =	wrdreg $0x60  }
0xae: {  	[dreg:$0x2] =	wrdreg s2  }
0xaf: {  	[dreg:$0x3] =	wrdreg s24  }
0xb0: {  	[dreg:$0x4] =	wrdreg $0x9  }
0xb1: {  	_ =	task.clear_ibuf [dreg:s7], $0x5FFFF;
	_ =	strace $0x90000046  }
0xb2: {  	s29 =	simm.s32 $0x9;
	_ =	strace $0x80000048  }
0xb3: {  	_ =	swait.ge [sflag:s29], $0x1  }
0xb4: {  	[sflag:s29] =	ssyncadd.s32 $0xFFFFFFFF  }
0xb5: {  	_ =	strace $0x90000048  }
0xb6: {  	_ =	sfence  }
0xb7: {  	s30 =	sld [smem:$0x0];
	_ =	sdelay $0x2  }
0xb8: {  	s31 =	sshll.u32 s1, $0xD;
	s1 =	sshrl.u32 s1, $0x2  }
0xb9: {  	s3 =	sand.u32 $0x4000, s31;
	s1 =	sadd.s32 s1, s30  }
0xba: {  	s0 =	sor.u32 s3, s0;
	s1 =	sshll.u32 s1, $0x11  }
0xbb: {  	s0 =	sor.u32 s1, s0  }
0xbc: {  	s0 =	sadd.s32 $0x8F2B, s0  }
0xbd: {  	[sflag:s0] =	ssyncadd.remote.s32 $0x1  }
0xbe: {  	_ =	sfence.sel $0xFFFF  }
0xbf: {  	[dreg:$0x0] =	wrdreg $0xFFFFFFFF;
	(pc) =	sbr.abs _section_cstart, $3  }
0xc0: {  	[dreg:$0x1] =	wrdreg $0xFFFFFFFF  }
0xc1: {  	_ =	task.clear_ibuf [dreg:s7], $0x2FFFF;
	_ =	strace $0x9FFFFFFF  }
0xc2: {  	(tm) =	ssettm $0x7FFFFFFF  }
0xc3: {  	_ =	shalt  }
tec
execute0_lowered:
.L_overlay_start_1:
0x0: {  	(tag) =	ssettag $0x1  }
0x1: {  	s0 =	srdreg.scid;
	s2 =	stileid.u32  }
0x2: {  	s1 =	sand.u32 $0x1, s0;
	s6 =	sshll.u32 s2, $0x1  }
0x3: {  	s4 =	sor.u32 s1, s6  }
0x4: {  	s5 =	smul.u32 $0xC0000, s4  }
0x5: {  	s3 =	simm.s32 $0x0;
	s0 =	rddreg [dreg:$0x1];
	s4 =	sshll.u32 s4, $0x8  }
0x6: {  	s2 =	rddreg [dreg:$0x0];
	s6 =	sadd.s32 s4, s0;
	s7 =	sshrl.u32 s5, $0x3  }
0x7: {  	[smem:$0x7FF] =	sst s3;
	s8 =	sadd.s32 $0xA00, s6;
	s4 =	sadd.s32 s7, s0  }
0x8: {  	_ =	strace $0x80000047;
	[dreg:$0x3] =	wrdreg s8;
	s9 =	sadd.s32 $0x202A00, s4  }
0x9: {  	s10 =	sadd.s32 $0x202B00, s4;
	[dreg:$0x4] =	wrdreg s9  }
0xa: {  	s11 =	sadd.s32 $0x204200, s4;
	[dreg:$0x5] =	wrdreg s10  }
0xb: {  	s12 =	sadd.s32 $0x204300, s4;
	[dreg:$0x6] =	wrdreg s11  }
0xc: {  	s13 =	sadd.s32 $0x205A00, s4;
	[dreg:$0x7] =	wrdreg s12  }
0xd: {  	s14 =	sadd.s32 $0x205B00, s4;
	[dreg:$0x8] =	wrdreg s13  }
0xe: {  	s15 =	sadd.s32 $0x207200, s4;
	[dreg:$0x9] =	wrdreg s14  }
0xf: {  	s16 =	sadd.s32 $0x207300, s4;
	[dreg:$0xa] =	wrdreg s15  }
0x10: {  	s17 =	sadd.s32 $0x208A00, s4;
	[dreg:$0xb] =	wrdreg s16  }
0x11: {  	s18 =	sadd.s32 $0x208B00, s4;
	[dreg:$0xc] =	wrdreg s17  }
0x12: {  	s19 =	sadd.s32 $0x20A200, s4;
	[dreg:$0xd] =	wrdreg s18  }
0x13: {  	s20 =	sadd.s32 $0x20A300, s4;
	[dreg:$0xe] =	wrdreg s19  }
0x14: {  	s21 =	sadd.s32 $0x20BA00, s4;
	[dreg:$0xf] =	wrdreg s20  }
0x15: {  	s22 =	sadd.s32 $0x20BB00, s4;
	[dreg:$0x10] =	wrdreg s21  }
0x16: {  	s23 =	sadd.s32 $0x20D200, s4;
	[dreg:$0x11] =	wrdreg s22  }
0x17: {  	s24 =	sadd.s32 $0x20D300, s4;
	[dreg:$0x12] =	wrdreg s23  }
0x18: {  	s25 =	sadd.s32 $0x20EA00, s4;
	[dreg:$0x13] =	wrdreg s24  }
0x19: {  	s26 =	sadd.s32 $0x20EB00, s4;
	[dreg:$0x14] =	wrdreg s25  }
0x1a: {  	s28 =	sadd.s32 $0x210200, s4;
	[dreg:$0x15] =	wrdreg s26  }
0x1b: {  	s29 =	sadd.s32 $0x210300, s4;
	[dreg:$0x16] =	wrdreg s28  }
0x1c: {  	s30 =	sadd.s32 $0x211A00, s4;
	[dreg:$0x17] =	wrdreg s29  }
0x1d: {  	s31 =	sadd.s32 $0x211B00, s4;
	[dreg:$0x18] =	wrdreg s30  }
0x1e: {  	s6 =	sadd.s32 $0x213200, s4;
	[dreg:$0x19] =	wrdreg s31  }
0x1f: {  	s7 =	sadd.s32 $0x213300, s4;
	[dreg:$0x1a] =	wrdreg s6  }
0x20: {  	s8 =	sadd.s32 $0x214A00, s4;
	[dreg:$0x1b] =	wrdreg s7  }
0x21: {  	[dreg:$0x1c] =	wrdreg s8;
	s9 =	sadd.s32 $0x214B00, s4  }
0x22: {  	s10 =	sadd.s32 $0x216200, s4;
	[dreg:$0x1d] =	wrdreg s9  }
0x23: {  	s11 =	sadd.s32 $0x216300, s4;
	[dreg:$0x1e] =	wrdreg s10  }
0x24: {  	s12 =	sadd.s32 $0x217A00, s4;
	[dreg:$0x1f] =	wrdreg s11  }
0x25: {  	s13 =	sadd.s32 $0x217B00, s4;
	[smem:$0x7ED] =	sst s12  }
0x26: {  	s14 =	sadd.s32 $0x219200, s4;
	[smem:$0x7EE] =	sst s13  }
0x27: {  	s16 =	sadd.s32 $0x219300, s4;
	[smem:$0x7EF] =	sst s14  }
0x28: {  	s18 =	simm.s32 $0x100;
	[smem:$0x7F0] =	sst s16  }
0x29: {  	s19 =	simm.s32 $0x180;
	[smem:$0x7F1] =	sst s18  }
0x2a: {  	s20 =	simm.s32 $0x200;
	[smem:$0x7F2] =	sst s19  }
0x2b: {  	s21 =	simm.s32 $0x280;
	[smem:$0x7F3] =	sst s20  }
0x2c: {  	s22 =	simm.s32 $0x300;
	[smem:$0x7F4] =	sst s21  }
0x2d: {  	s23 =	simm.s32 $0x380;
	[smem:$0x7F5] =	sst s22  }
0x2e: {  	s24 =	simm.s32 $0x480;
	[smem:$0x7F6] =	sst s23  }
0x2f: {  	s25 =	simm.s32 $0x500;
	[smem:$0x7F7] =	sst s24  }
0x30: {  	s1 =	ssub.s32 $0x2, s1;
	s26 =	simm.s32 $0x580;
	[smem:$0x7F8] =	sst s25  }
0x31: {  	s15 =	sshrl.u32 s1, $0x1;
	s28 =	simm.s32 $0x600;
	[smem:$0x7F9] =	sst s26  }
0x32: {  	s4 =	sadd.s32 $0x102A00, s0;
	s29 =	simm.s32 $0x680;
	[smem:$0x7FA] =	sst s28  }
0x33: {  	s7 =	simm.s32 $0x800;
	s30 =	simm.s32 $0x700;
	[smem:$0x7FB] =	sst s29  }
0x34: {  	s31 =	simm.s32 $0x780;
	s17 =	ssub.s32 s1, s15;
	[smem:$0x7FC] =	sst s30  }
0x35: {  	s13 =	simm.s32 $0x80;
	s24 =	simm.s32 $0x10800;
	[smem:$0x7FD] =	sst s31  }
0x36: {  	v2 =	vlaneseq.u32;
	s25 =	simm.s32 $0x8800;
	s15 =	simm.s32 $0x14800;
	s16 =	simm.s32 $0x1  }
0x37: {  	vm0 =	vmmov $0xffff;
	v1 =	vshrl.u32 v2, $0x3;
	s18 =	simm.s32 $0x400;
	s19 =	simm.s32 $0x3;
	s20 =	simm.s32 $0x2  }
0x38: {  	v0 =	vand.u32 $0x7, v2;
	v2 =	vor.u32 $0x8, v2;
	v1 =	vmul.u32 $0x8, v1;
	s21 =	simm.s32 $0x4;
	s1 =	smax.u32 s17, $0x1;
	s17 =	simm.s32 $0xC00  }
.LBB2_1:
0x39: {  	[smem:$0x7EC] =	sst s1  }
0x3a: {  	s22 =	rddreg [dreg:$0x3];
	s12 =	simm.s32 $0x5  }
0x3b: {  	[tilespmem:s3], [sflag:$0x5] =	stream.linear.gather [hbm4b:s22+s3], $0x800, $0x38;
	[tilespmem:$0x18800] =	vst v63  }
0x3c: {  	_ =	swait.ge [sflag:s12], $0x800  }
0x3d: {  	[sflag:s12] =	ssyncset.done $0x0  }
0x3e: {  	[sflag:s12] =	ssyncadd.s32 $0xFFFFF800  }
0x3f: {  	v3 =	vld [tilespmem:$0x0];
	_ =	sdelay $0x4  }
0x40: {  	v4 =	vshll.u32 v3, $0x1  }
0x41: {  	v3 =	vand.u32 $0x7, v3;
	v4 =	vand.u32 $0xFFFFFFF0, v4  }
0x42: {  	v3 =	vor.u32 v3, v4  }
0x43: {  	v4 =	vperm.xlane v3, v0;
	_ =	sdelay $0x1  }
0x44: {  	v3 =	vperm.xlane v3, v2;
	v4 =	vadd.s32 v1, v4;
	_ =	sdelay $0x1  }
0x45: {  	v3 =	vadd.s32 v1, v3;
	_ =	sdelay $0x2  }
0x46: {  	[tilespmem:s7], [sflag:$0x1] =	stream.indirect_vreg.gather [hbm4b:s2+s3], $0x80, v4, vm0, $0xb8;
	[tilespmem:$0x18800] =	vst v63  }
0x47: {  	s0 =	simm.s32 $0x1000  }
0x48: {  	[tilespmem:s0], [sflag:$0x1] =	stream.indirect_vreg.gather [hbm4b:s2+s3], $0x80, v3, vm0, $0xb8;
	[tilespmem:$0x18800] =	vst v63  }
0x49: {  	v3 =	vld [tilespmem:$0x10];
	_ =	sdelay $0x4  }
0x4a: {  	v49 =	vshll.u32 v3, $0x1  }
0x4b: {  	v3 =	vand.u32 $0x7, v3;
	v4 =	vand.u32 $0xFFFFFFF0, v49  }
0x4c: {  	v3 =	vor.u32 v3, v4  }
0x4d: {  	v4 =	vperm.xlane v3, v0;
	_ =	sdelay $0x1  }
0x4e: {  	v3 =	vperm.xlane v3, v2;
	v4 =	vadd.s32 v1, v4;
	_ =	sdelay $0x1  }
0x4f: {  	v3 =	vadd.s32 v1, v3;
	_ =	sdelay $0x1  }
0x50: {  	s14 =	simm.s32 $0x1800  }
0x51: {  	[tilespmem:s14], [sflag:$0x1] =	stream.indirect_vreg.gather [hbm4b:s2+s3], $0x80, v4, vm0, $0xb8;
	[tilespmem:$0x18800] =	vst v63  }
0x52: {  	s22 =	simm.s32 $0x2000  }
0x53: {  	[tilespmem:s22], [sflag:$0x1] =	stream.indirect_vreg.gather [hbm4b:s2+s3], $0x80, v3, vm0, $0xb8;
	[tilespmem:$0x18800] =	vst v63  }
0x54: {  	v3 =	vld [tilespmem:$0x20];
	_ =	sdelay $0x4  }
0x55: {  	v50 =	vshll.u32 v3, $0x1  }
0x56: {  	v3 =	vand.u32 $0x7, v3;
	v4 =	vand.u32 $0xFFFFFFF0, v50  }
0x57: {  	v3 =	vor.u32 v3, v4  }
0x58: {  	v4 =	vperm.xlane v3, v0;
	_ =	sdelay $0x1  }
0x59: {  	v3 =	vperm.xlane v3, v2;
	v4 =	vadd.s32 v1, v4;
	_ =	sdelay $0x1  }
0x5a: {  	v3 =	vadd.s32 v1, v3;
	_ =	sdelay $0x1  }
0x5b: {  	s23 =	simm.s32 $0x2800  }
0x5c: {  	[tilespmem:s23], [sflag:$0x1] =	stream.indirect_vreg.gather [hbm4b:s2+s3], $0x80, v4, vm0, $0xb8;
	[tilespmem:$0x18800] =	vst v63  }
0x5d: {  	s26 =	simm.s32 $0x3000  }
0x5e: {  	[tilespmem:s26], [sflag:$0x1] =	stream.indirect_vreg.gather [hbm4b:s2+s3], $0x80, v3, vm0, $0xb8;
	[tilespmem:$0x18800] =	vst v63  }
0x5f: {  	v3 =	vld [tilespmem:$0x30];
	_ =	sdelay $0x4  }
0x60: {  	v51 =	vshll.u32 v3, $0x1  }
0x61: {  	v3 =	vand.u32 $0x7, v3;
	v4 =	vand.u32 $0xFFFFFFF0, v51  }
0x62: {  	v3 =	vor.u32 v3, v4  }
0x63: {  	v4 =	vperm.xlane v3, v0;
	_ =	sdelay $0x1  }
0x64: {  	v3 =	vperm.xlane v3, v2;
	v4 =	vadd.s32 v1, v4;
	_ =	sdelay $0x1  }
0x65: {  	v3 =	vadd.s32 v1, v3;
	_ =	sdelay $0x1  }
0x66: {  	s28 =	simm.s32 $0x3800  }
0x67: {  	[tilespmem:s28], [sflag:$0x1] =	stream.indirect_vreg.gather [hbm4b:s2+s3], $0x80, v4, vm0, $0xb8;
	[tilespmem:$0x18800] =	vst v63  }
0x68: {  	s29 =	simm.s32 $0x4000  }
0x69: {  	[tilespmem:s29], [sflag:$0x1] =	stream.indirect_vreg.gather [hbm4b:s2+s3], $0x80, v3, vm0, $0xb8;
	[tilespmem:$0x18800] =	vst v63  }
0x6a: {  	v3 =	vld [tilespmem:$0x40];
	_ =	sdelay $0x4  }
0x6b: {  	v52 =	vshll.u32 v3, $0x1  }
0x6c: {  	v3 =	vand.u32 $0x7, v3;
	v4 =	vand.u32 $0xFFFFFFF0, v52  }
0x6d: {  	v3 =	vor.u32 v3, v4  }
0x6e: {  	v4 =	vperm.xlane v3, v0;
	_ =	sdelay $0x1  }
0x6f: {  	v3 =	vperm.xlane v3, v2;
	v4 =	vadd.s32 v1, v4;
	_ =	sdelay $0x1  }
0x70: {  	v3 =	vadd.s32 v1, v3;
	_ =	sdelay $0x1  }
0x71: {  	s30 =	simm.s32 $0x4800  }
0x72: {  	[tilespmem:s30], [sflag:$0x1] =	stream.indirect_vreg.gather [hbm4b:s2+s3], $0x80, v4, vm0, $0xb8;
	[tilespmem:$0x18800] =	vst v63  }
0x73: {  	s31 =	simm.s32 $0x5000  }
0x74: {  	[tilespmem:s31], [sflag:$0x1] =	stream.indirect_vreg.gather [hbm4b:s2+s3], $0x80, v3, vm0, $0xb8;
	[tilespmem:$0x18800] =	vst v63  }
0x75: {  	v3 =	vld [tilespmem:$0x50];
	_ =	sdelay $0x4  }
0x76: {  	v53 =	vshll.u32 v3, $0x1  }
0x77: {  	v3 =	vand.u32 $0x7, v3;
	v4 =	vand.u32 $0xFFFFFFF0, v53  }
0x78: {  	v3 =	vor.u32 v3, v4  }
0x79: {  	v4 =	vperm.xlane v3, v0;
	_ =	sdelay $0x1  }
0x7a: {  	v3 =	vperm.xlane v3, v2;
	v4 =	vadd.s32 v1, v4;
	_ =	sdelay $0x1  }
0x7b: {  	v3 =	vadd.s32 v1, v3;
	_ =	sdelay $0x1  }
0x7c: {  	s1 =	simm.s32 $0x5800  }
0x7d: {  	[tilespmem:s1], [sflag:$0x1] =	stream.indirect_vreg.gather [hbm4b:s2+s3], $0x80, v4, vm0, $0xb8;
	[tilespmem:$0x18800] =	vst v63  }
0x7e: {  	s11 =	simm.s32 $0x6000  }
0x7f: {  	[tilespmem:s11], [sflag:$0x1] =	stream.indirect_vreg.gather [hbm4b:s2+s3], $0x80, v3, vm0, $0xb8;
	[tilespmem:$0x18800] =	vst v63  }
0x80: {  	v3 =	vld [tilespmem:$0x60];
	_ =	sdelay $0x4  }
0x81: {  	v54 =	vshll.u32 v3, $0x1  }
0x82: {  	v3 =	vand.u32 $0x7, v3;
	v4 =	vand.u32 $0xFFFFFFF0, v54  }
0x83: {  	v3 =	vor.u32 v3, v4  }
0x84: {  	v4 =	vperm.xlane v3, v0;
	_ =	sdelay $0x1  }
0x85: {  	v3 =	vperm.xlane v3, v2;
	v4 =	vadd.s32 v1, v4;
	_ =	sdelay $0x1  }
0x86: {  	v3 =	vadd.s32 v1, v3;
	_ =	sdelay $0x1  }
0x87: {  	s12 =	simm.s32 $0x6800  }
0x88: {  	[tilespmem:s12], [sflag:$0x1] =	stream.indirect_vreg.gather [hbm4b:s2+s3], $0x80, v4, vm0, $0xb8;
	[tilespmem:$0x18800] =	vst v63  }
0x89: {  	s14 =	simm.s32 $0x7000  }
0x8a: {  	[tilespmem:s14], [sflag:$0x1] =	stream.indirect_vreg.gather [hbm4b:s2+s3], $0x80, v3, vm0, $0xb8;
	[tilespmem:$0x18800] =	vst v63  }
0x8b: {  	v3 =	vld [tilespmem:$0x70];
	_ =	sdelay $0x4  }
0x8c: {  	v55 =	vshll.u32 v3, $0x1  }
0x8d: {  	v3 =	vand.u32 $0x7, v3;
	v4 =	vand.u32 $0xFFFFFFF0, v55  }
0x8e: {  	v3 =	vor.u32 v3, v4  }
0x8f: {  	v4 =	vperm.xlane v3, v0;
	_ =	sdelay $0x1  }
0x90: {  	v3 =	vperm.xlane v3, v2;
	v4 =	vadd.s32 v1, v4;
	_ =	sdelay $0x1  }
0x91: {  	v3 =	vadd.s32 v1, v3;
	_ =	sdelay $0x1  }
0x92: {  	s22 =	simm.s32 $0x7800  }
0x93: {  	[tilespmem:s22], [sflag:$0x1] =	stream.indirect_vreg.gather [hbm4b:s2+s3], $0x80, v4, vm0, $0xb8;
	[tilespmem:$0x18800] =	vst v63  }
0x94: {  	s23 =	simm.s32 $0x8000  }
0x95: {  	[tilespmem:s23], [sflag:$0x1] =	stream.indirect_vreg.gather [hbm4b:s2+s3], $0x80, v3, vm0, $0xb8;
	[tilespmem:$0x18800] =	vst v63  }
0x96: {  	_ = 	snop  }
0x97: {  	[tilespmem:s24], [sflag:$0x1] =	stream.indirect.gather [hbm4b:s4+s13], $0x80, s3, s13, $0xb8;
	[tilespmem:$0x18800] =	vst v63  }
0x98: {  	v3 =	vld [tilespmem:$0x80];
	_ =	sdelay $0x4  }
0x99: {  	v56 =	vshll.u32 v3, $0x1  }
0x9a: {  	v3 =	vand.u32 $0x7, v3;
	v4 =	vand.u32 $0xFFFFFFF0, v56  }
0x9b: {  	v3 =	vor.u32 v3, v4  }
0x9c: {  	v4 =	vperm.xlane v3, v0;
	_ =	sdelay $0x1  }
0x9d: {  	v3 =	vperm.xlane v3, v2;
	v4 =	vadd.s32 v1, v4;
	_ =	sdelay $0x1  }
0x9e: {  	v3 =	vadd.s32 v1, v3;
	_ =	sdelay $0x2  }
0x9f: {  	[tilespmem:s25], [sflag:$0x2] =	stream.indirect_vreg.gather [hbm4b:s2+s3], $0x80, v4, vm0, $0xb8;
	[tilespmem:$0x18800] =	vst v63  }
0xa0: {  	s26 =	simm.s32 $0x9000  }
0xa1: {  	[tilespmem:s26], [sflag:$0x2] =	stream.indirect_vreg.gather [hbm4b:s2+s3], $0x80, v3, vm0, $0xb8;
	[tilespmem:$0x18800] =	vst v63  }
0xa2: {  	v3 =	vld [tilespmem:$0x90];
	_ =	sdelay $0x4  }
0xa3: {  	v57 =	vshll.u32 v3, $0x1  }
0xa4: {  	v3 =	vand.u32 $0x7, v3;
	v4 =	vand.u32 $0xFFFFFFF0, v57  }
0xa5: {  	v3 =	vor.u32 v3, v4  }
0xa6: {  	v4 =	vperm.xlane v3, v0;
	_ =	sdelay $0x1  }
0xa7: {  	v3 =	vperm.xlane v3, v2;
	v4 =	vadd.s32 v1, v4;
	_ =	sdelay $0x1  }
0xa8: {  	v3 =	vadd.s32 v1, v3;
	_ =	sdelay $0x1  }
0xa9: {  	s28 =	simm.s32 $0x9800  }
0xaa: {  	[tilespmem:s28], [sflag:$0x2] =	stream.indirect_vreg.gather [hbm4b:s2+s3], $0x80, v4, vm0, $0xb8;
	[tilespmem:$0x18800] =	vst v63  }
0xab: {  	s29 =	simm.s32 $0xA000  }
0xac: {  	[tilespmem:s29], [sflag:$0x2] =	stream.indirect_vreg.gather [hbm4b:s2+s3], $0x80, v3, vm0, $0xb8;
	[tilespmem:$0x18800] =	vst v63  }
0xad: {  	v3 =	vld [tilespmem:$0xA0];
	_ =	sdelay $0x4  }
0xae: {  	v58 =	vshll.u32 v3, $0x1  }
0xaf: {  	v3 =	vand.u32 $0x7, v3;
	v4 =	vand.u32 $0xFFFFFFF0, v58  }
0xb0: {  	v3 =	vor.u32 v3, v4  }
0xb1: {  	v4 =	vperm.xlane v3, v0;
	_ =	sdelay $0x1  }
0xb2: {  	v3 =	vperm.xlane v3, v2;
	v4 =	vadd.s32 v1, v4;
	_ =	sdelay $0x1  }
0xb3: {  	v3 =	vadd.s32 v1, v3;
	_ =	sdelay $0x1  }
0xb4: {  	s30 =	simm.s32 $0xA800  }
0xb5: {  	[tilespmem:s30], [sflag:$0x2] =	stream.indirect_vreg.gather [hbm4b:s2+s3], $0x80, v4, vm0, $0xb8;
	[tilespmem:$0x18800] =	vst v63  }
0xb6: {  	s31 =	simm.s32 $0xB000  }
0xb7: {  	[tilespmem:s31], [sflag:$0x2] =	stream.indirect_vreg.gather [hbm4b:s2+s3], $0x80, v3, vm0, $0xb8;
	[tilespmem:$0x18800] =	vst v63  }
0xb8: {  	v3 =	vld [tilespmem:$0xB0];
	_ =	sdelay $0x4  }
0xb9: {  	v59 =	vshll.u32 v3, $0x1  }
0xba: {  	v3 =	vand.u32 $0x7, v3;
	v4 =	vand.u32 $0xFFFFFFF0, v59  }
0xbb: {  	v3 =	vor.u32 v3, v4  }
0xbc: {  	v4 =	vperm.xlane v3, v0;
	_ =	sdelay $0x1  }
0xbd: {  	v3 =	vperm.xlane v3, v2;
	v4 =	vadd.s32 v1, v4;
	_ =	sdelay $0x1  }
0xbe: {  	v3 =	vadd.s32 v1, v3;
	_ =	sdelay $0x1  }
0xbf: {  	s12 =	simm.s32 $0xB800  }
0xc0: {  	[tilespmem:s12], [sflag:$0x2] =	stream.indirect_vreg.gather [hbm4b:s2+s3], $0x80, v4, vm0, $0xb8;
	[tilespmem:$0x18800] =	vst v63  }
0xc1: {  	s23 =	simm.s32 $0xC000  }
0xc2: {  	[tilespmem:s23], [sflag:$0x2] =	stream.indirect_vreg.gather [hbm4b:s2+s3], $0x80, v3, vm0, $0xb8;
	[tilespmem:$0x18800] =	vst v63  }
0xc3: {  	v3 =	vld [tilespmem:$0xC0];
	_ =	sdelay $0x4  }
0xc4: {  	v60 =	vshll.u32 v3, $0x1  }
0xc5: {  	v3 =	vand.u32 $0x7, v3;
	v4 =	vand.u32 $0xFFFFFFF0, v60  }
0xc6: {  	v3 =	vor.u32 v3, v4  }
0xc7: {  	v4 =	vperm.xlane v3, v0;
	_ =	sdelay $0x1  }
0xc8: {  	v3 =	vperm.xlane v3, v2;
	v4 =	vadd.s32 v1, v4;
	_ =	sdelay $0x1  }
0xc9: {  	v3 =	vadd.s32 v1, v3;
	_ =	sdelay $0x1  }
0xca: {  	s26 =	simm.s32 $0xC800  }
0xcb: {  	[tilespmem:s26], [sflag:$0x2] =	stream.indirect_vreg.gather [hbm4b:s2+s3], $0x80, v4, vm0, $0xb8;
	[tilespmem:$0x18800] =	vst v63  }
0xcc: {  	s29 =	simm.s32 $0xD000  }
0xcd: {  	[tilespmem:s29], [sflag:$0x2] =	stream.indirect_vreg.gather [hbm4b:s2+s3], $0x80, v3, vm0, $0xb8;
	[tilespmem:$0x18800] =	vst v63  }
0xce: {  	v3 =	vld [tilespmem:$0xD0];
	_ =	sdelay $0x4  }
0xcf: {  	v61 =	vshll.u32 v3, $0x1  }
0xd0: {  	v3 =	vand.u32 $0x7, v3;
	v4 =	vand.u32 $0xFFFFFFF0, v61  }
0xd1: {  	v3 =	vor.u32 v3, v4  }
0xd2: {  	v4 =	vperm.xlane v3, v0;
	_ =	sdelay $0x1  }
0xd3: {  	v3 =	vperm.xlane v3, v2;
	v4 =	vadd.s32 v1, v4;
	_ =	sdelay $0x1  }
0xd4: {  	v3 =	vadd.s32 v1, v3;
	_ =	sdelay $0x1  }
0xd5: {  	s30 =	simm.s32 $0xD800  }
0xd6: {  	[tilespmem:s30], [sflag:$0x2] =	stream.indirect_vreg.gather [hbm4b:s2+s3], $0x80, v4, vm0, $0xb8;
	[tilespmem:$0x18800] =	vst v63  }
0xd7: {  	s31 =	simm.s32 $0xE000  }
0xd8: {  	[tilespmem:s31], [sflag:$0x2] =	stream.indirect_vreg.gather [hbm4b:s2+s3], $0x80, v3, vm0, $0xb8;
	[tilespmem:$0x18800] =	vst v63  }
0xd9: {  	v3 =	vld [tilespmem:$0xE0];
	_ =	sdelay $0x4  }
0xda: {  	v62 =	vshll.u32 v3, $0x1  }
0xdb: {  	v3 =	vand.u32 $0x7, v3;
	v4 =	vand.u32 $0xFFFFFFF0, v62  }
0xdc: {  	v3 =	vor.u32 v3, v4  }
0xdd: {  	v4 =	vperm.xlane v3, v0;
	_ =	sdelay $0x1  }
0xde: {  	v3 =	vperm.xlane v3, v2;
	v4 =	vadd.s32 v1, v4;
	_ =	sdelay $0x1  }
0xdf: {  	v3 =	vadd.s32 v1, v3;
	_ =	sdelay $0x1  }
0xe0: {  	s12 =	simm.s32 $0xE800  }
0xe1: {  	[tilespmem:s12], [sflag:$0x2] =	stream.indirect_vreg.gather [hbm4b:s2+s3], $0x80, v4, vm0, $0xb8;
	[tilespmem:$0x18800] =	vst v63  }
0xe2: {  	s23 =	simm.s32 $0xF000  }
0xe3: {  	[tilespmem:s23], [sflag:$0x2] =	stream.indirect_vreg.gather [hbm4b:s2+s3], $0x80, v3, vm0, $0xb8;
	[tilespmem:$0x18800] =	vst v63  }
0xe4: {  	v3 =	vld [tilespmem:$0xF0];
	_ =	sdelay $0x4  }
0xe5: {  	v63 =	vshll.u32 v3, $0x1  }
0xe6: {  	v3 =	vand.u32 $0x7, v3;
	v4 =	vand.u32 $0xFFFFFFF0, v63  }
0xe7: {  	v3 =	vor.u32 v3, v4  }
0xe8: {  	v4 =	vperm.xlane v3, v0;
	_ =	sdelay $0x1  }
0xe9: {  	v3 =	vperm.xlane v3, v2;
	v4 =	vadd.s32 v1, v4;
	_ =	sdelay $0x1  }
0xea: {  	v3 =	vadd.s32 v1, v3;
	_ =	sdelay $0x1  }
0xeb: {  	s26 =	simm.s32 $0xF800  }
0xec: {  	[tilespmem:s26], [sflag:$0x2] =	stream.indirect_vreg.gather [hbm4b:s2+s3], $0x80, v4, vm0, $0xb8;
	[tilespmem:$0x18800] =	vst v63  }
0xed: {  	s12 =	simm.s32 $0x10000  }
0xee: {  	[tilespmem:s12], [sflag:$0x2] =	stream.indirect_vreg.gather [hbm4b:s2+s3], $0x80, v3, vm0, $0xb8;
	[tilespmem:$0x18800] =	vst v63  }
0xef: {  	_ = 	snop  }
0xf0: {  	[tilespmem:s15], [sflag:$0x2] =	stream.indirect.gather [hbm4b:s4+s13], $0x80, s13, s13, $0xb8;
	[tilespmem:$0x18800] =	vst v63  }
0xf1: {  	_ =	swait.ge [sflag:s16], $0x8000  }
0xf2: {  	[sflag:s16] =	ssyncset.done $0x0  }
0xf3: {  	[sflag:s16] =	ssyncadd.s32 $0xFFFF8000  }
0xf4: {  	_ =	swait.ge [sflag:s16], $0x4000  }
0xf5: {  	[sflag:s16] =	ssyncset.done $0x0  }
0xf6: {  	s23 =	rddreg [dreg:$0x4];
	[sflag:s16] =	ssyncadd.s32 $0xFFFFC000  }
0xf7: {  	[hbm4b:s23+s7] =	stream.strided.scatter [tilespmem:s7], [sflag:$0x3], $0x8000, s17, s7, $0x38;
	[tilespmem:$0x18800] =	vst v63  }
0xf8: {  	s26 =	rddreg [dreg:$0x5]  }
0xf9: {  	[hbm4b:s26+s18] =	stream.strided.scatter [tilespmem:s24], [sflag:$0x3], $0x4000, s17, s18, $0x38;
	[tilespmem:$0x18800] =	vst v63  }
0xfa: {  	_ =	swait.ge [sflag:s19], $0x8000  }
0xfb: {  	[sflag:s19] =	ssyncset.done $0x0  }
0xfc: {  	[sflag:s19] =	ssyncadd.s32 $0xFFFF8000  }
0xfd: {  	_ =	swait.ge [sflag:s19], $0x4000  }
0xfe: {  	[sflag:s19] =	ssyncset.done $0x0  }
0xff: {  	[sflag:s19] =	ssyncadd.s32 $0xFFFFC000  }
0x100: {  	v3 =	vld [tilespmem:$0x100];
	_ =	sdelay $0x4  }
0x101: {  	v8 =	vshll.u32 v3, $0x1  }
0x102: {  	v3 =	vand.u32 $0x7, v3;
	v4 =	vand.u32 $0xFFFFFFF0, v8  }
0x103: {  	v3 =	vor.u32 v3, v4  }
0x104: {  	v4 =	vperm.xlane v3, v0;
	_ =	sdelay $0x1  }
0x105: {  	v3 =	vperm.xlane v3, v2;
	v4 =	vadd.s32 v1, v4;
	_ =	sdelay $0x1  }
0x106: {  	v3 =	vadd.s32 v1, v3;
	_ =	sdelay $0x2  }
0x107: {  	[tilespmem:s7], [sflag:$0x1] =	stream.indirect_vreg.gather [hbm4b:s2+s3], $0x80, v4, vm0, $0xb8;
	[tilespmem:$0x18800] =	vst v63  }
0x108: {  	s5 =	simm.s32 $0x1000  }
0x109: {  	[tilespmem:s5], [sflag:$0x1] =	stream.indirect_vreg.gather [hbm4b:s2+s3], $0x80, v3, vm0, $0xb8;
	[tilespmem:$0x18800] =	vst v63  }
0x10a: {  	v3 =	vld [tilespmem:$0x110];
	_ =	sdelay $0x4  }
0x10b: {  	v9 =	vshll.u32 v3, $0x1  }
0x10c: {  	v3 =	vand.u32 $0x7, v3;
	v4 =	vand.u32 $0xFFFFFFF0, v9  }
0x10d: {  	v3 =	vor.u32 v3, v4  }
0x10e: {  	v4 =	vperm.xlane v3, v0;
	_ =	sdelay $0x1  }
0x10f: {  	v3 =	vperm.xlane v3, v2;
	v4 =	vadd.s32 v1, v4;
	_ =	sdelay $0x1  }
0x110: {  	v3 =	vadd.s32 v1, v3;
	_ =	sdelay $0x1  }
0x111: {  	s23 =	simm.s32 $0x1800  }
0x112: {  	[tilespmem:s23], [sflag:$0x1] =	stream.indirect_vreg.gather [hbm4b:s2+s3], $0x80, v4, vm0, $0xb8;
	[tilespmem:$0x18800] =	vst v63  }
0x113: {  	s6 =	simm.s32 $0x2000  }
0x114: {  	[tilespmem:s6], [sflag:$0x1] =	stream.indirect_vreg.gather [hbm4b:s2+s3], $0x80, v3, vm0, $0xb8;
	[tilespmem:$0x18800] =	vst v63  }
0x115: {  	v3 =	vld [tilespmem:$0x120];
	_ =	sdelay $0x4  }
0x116: {  	v10 =	vshll.u32 v3, $0x1  }
0x117: {  	v3 =	vand.u32 $0x7, v3;
	v4 =	vand.u32 $0xFFFFFFF0, v10  }
0x118: {  	v3 =	vor.u32 v3, v4  }
0x119: {  	v4 =	vperm.xlane v3, v0;
	_ =	sdelay $0x1  }
0x11a: {  	v3 =	vperm.xlane v3, v2;
	v4 =	vadd.s32 v1, v4;
	_ =	sdelay $0x1  }
0x11b: {  	v3 =	vadd.s32 v1, v3;
	_ =	sdelay $0x1  }
0x11c: {  	s5 =	simm.s32 $0x2800  }
0x11d: {  	[tilespmem:s5], [sflag:$0x1] =	stream.indirect_vreg.gather [hbm4b:s2+s3], $0x80, v4, vm0, $0xb8;
	[tilespmem:$0x18800] =	vst v63  }
0x11e: {  	s8 =	simm.s32 $0x3000  }
0x11f: {  	[tilespmem:s8], [sflag:$0x1] =	stream.indirect_vreg.gather [hbm4b:s2+s3], $0x80, v3, vm0, $0xb8;
	[tilespmem:$0x18800] =	vst v63  }
0x120: {  	v3 =	vld [tilespmem:$0x130];
	_ =	sdelay $0x4  }
0x121: {  	v11 =	vshll.u32 v3, $0x1  }
0x122: {  	v3 =	vand.u32 $0x7, v3;
	v4 =	vand.u32 $0xFFFFFFF0, v11  }
0x123: {  	v3 =	vor.u32 v3, v4  }
0x124: {  	v4 =	vperm.xlane v3, v0;
	_ =	sdelay $0x1  }
0x125: {  	v3 =	vperm.xlane v3, v2;
	v4 =	vadd.s32 v1, v4;
	_ =	sdelay $0x1  }
0x126: {  	v3 =	vadd.s32 v1, v3;
	_ =	sdelay $0x1  }
0x127: {  	s6 =	simm.s32 $0x3800  }
0x128: {  	[tilespmem:s6], [sflag:$0x1] =	stream.indirect_vreg.gather [hbm4b:s2+s3], $0x80, v4, vm0, $0xb8;
	[tilespmem:$0x18800] =	vst v63  }
0x129: {  	s9 =	simm.s32 $0x4000  }
0x12a: {  	[tilespmem:s9], [sflag:$0x1] =	stream.indirect_vreg.gather [hbm4b:s2+s3], $0x80, v3, vm0, $0xb8;
	[tilespmem:$0x18800] =	vst v63  }
0x12b: {  	v3 =	vld [tilespmem:$0x140];
	_ =	sdelay $0x4  }
0x12c: {  	v12 =	vshll.u32 v3, $0x1  }
0x12d: {  	v3 =	vand.u32 $0x7, v3;
	v4 =	vand.u32 $0xFFFFFFF0, v12  }
0x12e: {  	v3 =	vor.u32 v3, v4  }
0x12f: {  	v4 =	vperm.xlane v3, v0;
	_ =	sdelay $0x1  }
0x130: {  	v3 =	vperm.xlane v3, v2;
	v4 =	vadd.s32 v1, v4;
	_ =	sdelay $0x1  }
0x131: {  	v3 =	vadd.s32 v1, v3;
	_ =	sdelay $0x1  }
0x132: {  	s8 =	simm.s32 $0x4800  }
0x133: {  	[tilespmem:s8], [sflag:$0x1] =	stream.indirect_vreg.gather [hbm4b:s2+s3], $0x80, v4, vm0, $0xb8;
	[tilespmem:$0x18800] =	vst v63  }
0x134: {  	s10 =	simm.s32 $0x5000  }
0x135: {  	[tilespmem:s10], [sflag:$0x1] =	stream.indirect_vreg.gather [hbm4b:s2+s3], $0x80, v3, vm0, $0xb8;
	[tilespmem:$0x18800] =	vst v63  }
0x136: {  	v3 =	vld [tilespmem:$0x150];
	_ =	sdelay $0x4  }
0x137: {  	v13 =	vshll.u32 v3, $0x1  }
0x138: {  	v3 =	vand.u32 $0x7, v3;
	v4 =	vand.u32 $0xFFFFFFF0, v13  }
0x139: {  	v3 =	vor.u32 v3, v4  }
0x13a: {  	v4 =	vperm.xlane v3, v0;
	_ =	sdelay $0x1  }
0x13b: {  	v3 =	vperm.xlane v3, v2;
	v4 =	vadd.s32 v1, v4;
	_ =	sdelay $0x1  }
0x13c: {  	v3 =	vadd.s32 v1, v3;
	_ =	sdelay $0x1  }
0x13d: {  	s9 =	simm.s32 $0x5800  }
0x13e: {  	[tilespmem:s9], [sflag:$0x1] =	stream.indirect_vreg.gather [hbm4b:s2+s3], $0x80, v4, vm0, $0xb8;
	[tilespmem:$0x18800] =	vst v63  }
0x13f: {  	s11 =	simm.s32 $0x6000  }
0x140: {  	[tilespmem:s11], [sflag:$0x1] =	stream.indirect_vreg.gather [hbm4b:s2+s3], $0x80, v3, vm0, $0xb8;
	[tilespmem:$0x18800] =	vst v63  }
0x141: {  	v3 =	vld [tilespmem:$0x160];
	_ =	sdelay $0x4  }
0x142: {  	v14 =	vshll.u32 v3, $0x1  }
0x143: {  	v3 =	vand.u32 $0x7, v3;
	v4 =	vand.u32 $0xFFFFFFF0, v14  }
0x144: {  	v3 =	vor.u32 v3, v4  }
0x145: {  	v4 =	vperm.xlane v3, v0;
	_ =	sdelay $0x1  }
0x146: {  	v3 =	vperm.xlane v3, v2;
	v4 =	vadd.s32 v1, v4;
	_ =	sdelay $0x1  }
0x147: {  	v3 =	vadd.s32 v1, v3;
	_ =	sdelay $0x1  }
0x148: {  	s10 =	simm.s32 $0x6800  }
0x149: {  	[tilespmem:s10], [sflag:$0x1] =	stream.indirect_vreg.gather [hbm4b:s2+s3], $0x80, v4, vm0, $0xb8;
	[tilespmem:$0x18800] =	vst v63  }
0x14a: {  	s12 =	simm.s32 $0x7000  }
0x14b: {  	[tilespmem:s12], [sflag:$0x1] =	stream.indirect_vreg.gather [hbm4b:s2+s3], $0x80, v3, vm0, $0xb8;
	[tilespmem:$0x18800] =	vst v63  }
0x14c: {  	v3 =	vld [tilespmem:$0x170];
	_ =	sdelay $0x4  }
0x14d: {  	v15 =	vshll.u32 v3, $0x1  }
0x14e: {  	v3 =	vand.u32 $0x7, v3;
	v4 =	vand.u32 $0xFFFFFFF0, v15  }
0x14f: {  	v3 =	vor.u32 v3, v4  }
0x150: {  	v4 =	vperm.xlane v3, v0;
	_ =	sdelay $0x1  }
0x151: {  	v3 =	vperm.xlane v3, v2;
	v4 =	vadd.s32 v1, v4;
	_ =	sdelay $0x1  }
0x152: {  	v3 =	vadd.s32 v1, v3;
	_ =	sdelay $0x1  }
0x153: {  	s11 =	simm.s32 $0x7800  }
0x154: {  	[tilespmem:s11], [sflag:$0x1] =	stream.indirect_vreg.gather [hbm4b:s2+s3], $0x80, v4, vm0, $0xb8;
	[tilespmem:$0x18800] =	vst v63  }
0x155: {  	s0 =	simm.s32 $0x8000;
	s26 =	sld [smem:$0x7F1]  }
0x156: {  	[tilespmem:s0], [sflag:$0x1] =	stream.indirect_vreg.gather [hbm4b:s2+s3], $0x80, v3, vm0, $0xb8;
	[tilespmem:$0x18800] =	vst v63  }
0x157: {  	_ = 	snop  }
0x158: {  	[tilespmem:s24], [sflag:$0x1] =	stream.indirect.gather [hbm4b:s4+s13], $0x80, s26, s13, $0xb8;
	[tilespmem:$0x18800] =	vst v63  }
0x159: {  	_ =	swait.ge [sflag:s20], $0x8000  }
0x15a: {  	[sflag:s20] =	ssyncset.done $0x0  }
0x15b: {  	[sflag:s20] =	ssyncadd.s32 $0xFFFF8000  }
0x15c: {  	_ =	swait.ge [sflag:s20], $0x4000  }
0x15d: {  	[sflag:s20] =	ssyncset.done $0x0  }
0x15e: {  	s26 =	rddreg [dreg:$0x6];
	[sflag:s20] =	ssyncadd.s32 $0xFFFFC000  }
0x15f: {  	[hbm4b:s26+s7] =	stream.strided.scatter [tilespmem:s25], [sflag:$0x4], $0x8000, s17, s7, $0x38;
	[tilespmem:$0x18800] =	vst v63  }
0x160: {  	s0 =	rddreg [dreg:$0x7]  }
0x161: {  	[hbm4b:s0+s18] =	stream.strided.scatter [tilespmem:s15], [sflag:$0x4], $0x4000, s17, s18, $0x38;
	[tilespmem:$0x18800] =	vst v63  }
0x162: {  	_ =	swait.ge [sflag:s21], $0x8000  }
0x163: {  	[sflag:s21] =	ssyncset.done $0x0  }
0x164: {  	[sflag:s21] =	ssyncadd.s32 $0xFFFF8000  }
0x165: {  	_ =	swait.ge [sflag:s21], $0x4000  }
0x166: {  	[sflag:s21] =	ssyncset.done $0x0  }
0x167: {  	[sflag:s21] =	ssyncadd.s32 $0xFFFFC000  }
0x168: {  	v3 =	vld [tilespmem:$0x180];
	_ =	sdelay $0x4  }
0x169: {  	v16 =	vshll.u32 v3, $0x1  }
0x16a: {  	v3 =	vand.u32 $0x7, v3;
	v4 =	vand.u32 $0xFFFFFFF0, v16  }
0x16b: {  	v3 =	vor.u32 v3, v4  }
0x16c: {  	v4 =	vperm.xlane v3, v0;
	_ =	sdelay $0x1  }
0x16d: {  	v3 =	vperm.xlane v3, v2;
	v4 =	vadd.s32 v1, v4;
	_ =	sdelay $0x1  }
0x16e: {  	v3 =	vadd.s32 v1, v3;
	_ =	sdelay $0x2  }
0x16f: {  	[tilespmem:s25], [sflag:$0x2] =	stream.indirect_vreg.gather [hbm4b:s2+s3], $0x80, v4, vm0, $0xb8;
	[tilespmem:$0x18800] =	vst v63  }
0x170: {  	s1 =	simm.s32 $0x9000  }
0x171: {  	[tilespmem:s1], [sflag:$0x2] =	stream.indirect_vreg.gather [hbm4b:s2+s3], $0x80, v3, vm0, $0xb8;
	[tilespmem:$0x18800] =	vst v63  }
0x172: {  	v3 =	vld [tilespmem:$0x190];
	_ =	sdelay $0x4  }
0x173: {  	v17 =	vshll.u32 v3, $0x1  }
0x174: {  	v3 =	vand.u32 $0x7, v3;
	v4 =	vand.u32 $0xFFFFFFF0, v17  }
0x175: {  	v3 =	vor.u32 v3, v4  }
0x176: {  	v4 =	vperm.xlane v3, v0;
	_ =	sdelay $0x1  }
0x177: {  	v3 =	vperm.xlane v3, v2;
	v4 =	vadd.s32 v1, v4;
	_ =	sdelay $0x1  }
0x178: {  	v3 =	vadd.s32 v1, v3;
	_ =	sdelay $0x1  }
0x179: {  	s22 =	simm.s32 $0x9800  }
0x17a: {  	[tilespmem:s22], [sflag:$0x2] =	stream.indirect_vreg.gather [hbm4b:s2+s3], $0x80, v4, vm0, $0xb8;
	[tilespmem:$0x18800] =	vst v63  }
0x17b: {  	s26 =	simm.s32 $0xA000  }
0x17c: {  	[tilespmem:s26], [sflag:$0x2] =	stream.indirect_vreg.gather [hbm4b:s2+s3], $0x80, v3, vm0, $0xb8;
	[tilespmem:$0x18800] =	vst v63  }
0x17d: {  	v3 =	vld [tilespmem:$0x1A0];
	_ =	sdelay $0x4  }
0x17e: {  	v18 =	vshll.u32 v3, $0x1  }
0x17f: {  	v3 =	vand.u32 $0x7, v3;
	v4 =	vand.u32 $0xFFFFFFF0, v18  }
0x180: {  	v3 =	vor.u32 v3, v4  }
0x181: {  	v4 =	vperm.xlane v3, v0;
	_ =	sdelay $0x1  }
0x182: {  	v3 =	vperm.xlane v3, v2;
	v4 =	vadd.s32 v1, v4;
	_ =	sdelay $0x1  }
0x183: {  	v3 =	vadd.s32 v1, v3;
	_ =	sdelay $0x1  }
0x184: {  	s22 =	simm.s32 $0xA800  }
0x185: {  	[tilespmem:s22], [sflag:$0x2] =	stream.indirect_vreg.gather [hbm4b:s2+s3], $0x80, v4, vm0, $0xb8;
	[tilespmem:$0x18800] =	vst v63  }
0x186: {  	s14 =	simm.s32 $0xB000  }
0x187: {  	[tilespmem:s14], [sflag:$0x2] =	stream.indirect_vreg.gather [hbm4b:s2+s3], $0x80, v3, vm0, $0xb8;
	[tilespmem:$0x18800] =	vst v63  }
0x188: {  	v3 =	vld [tilespmem:$0x1B0];
	_ =	sdelay $0x4  }
0x189: {  	v19 =	vshll.u32 v3, $0x1  }
0x18a: {  	v3 =	vand.u32 $0x7, v3;
	v4 =	vand.u32 $0xFFFFFFF0, v19  }
0x18b: {  	v3 =	vor.u32 v3, v4  }
0x18c: {  	v4 =	vperm.xlane v3, v0;
	_ =	sdelay $0x1  }
0x18d: {  	v3 =	vperm.xlane v3, v2;
	v4 =	vadd.s32 v1, v4;
	_ =	sdelay $0x1  }
0x18e: {  	v3 =	vadd.s32 v1, v3;
	_ =	sdelay $0x1  }
0x18f: {  	s26 =	simm.s32 $0xB800  }
0x190: {  	[tilespmem:s26], [sflag:$0x2] =	stream.indirect_vreg.gather [hbm4b:s2+s3], $0x80, v4, vm0, $0xb8;
	[tilespmem:$0x18800] =	vst v63  }
0x191: {  	s28 =	simm.s32 $0xC000  }
0x192: {  	[tilespmem:s28], [sflag:$0x2] =	stream.indirect_vreg.gather [hbm4b:s2+s3], $0x80, v3, vm0, $0xb8;
	[tilespmem:$0x18800] =	vst v63  }
0x193: {  	v3 =	vld [tilespmem:$0x1C0];
	_ =	sdelay $0x4  }
0x194: {  	v20 =	vshll.u32 v3, $0x1  }
0x195: {  	v3 =	vand.u32 $0x7, v3;
	v4 =	vand.u32 $0xFFFFFFF0, v20  }
0x196: {  	v3 =	vor.u32 v3, v4  }
0x197: {  	v4 =	vperm.xlane v3, v0;
	_ =	sdelay $0x1  }
0x198: {  	v3 =	vperm.xlane v3, v2;
	v4 =	vadd.s32 v1, v4;
	_ =	sdelay $0x1  }
0x199: {  	v3 =	vadd.s32 v1, v3;
	_ =	sdelay $0x1  }
0x19a: {  	s28 =	simm.s32 $0xC800  }
0x19b: {  	[tilespmem:s28], [sflag:$0x2] =	stream.indirect_vreg.gather [hbm4b:s2+s3], $0x80, v4, vm0, $0xb8;
	[tilespmem:$0x18800] =	vst v63  }
0x19c: {  	s29 =	simm.s32 $0xD000  }
0x19d: {  	[tilespmem:s29], [sflag:$0x2] =	stream.indirect_vreg.gather [hbm4b:s2+s3], $0x80, v3, vm0, $0xb8;
	[tilespmem:$0x18800] =	vst v63  }
0x19e: {  	v3 =	vld [tilespmem:$0x1D0];
	_ =	sdelay $0x4  }
0x19f: {  	v21 =	vshll.u32 v3, $0x1  }
0x1a0: {  	v3 =	vand.u32 $0x7, v3;
	v4 =	vand.u32 $0xFFFFFFF0, v21  }
0x1a1: {  	v3 =	vor.u32 v3, v4  }
0x1a2: {  	v4 =	vperm.xlane v3, v0;
	_ =	sdelay $0x1  }
0x1a3: {  	v3 =	vperm.xlane v3, v2;
	v4 =	vadd.s32 v1, v4;
	_ =	sdelay $0x1  }
0x1a4: {  	v3 =	vadd.s32 v1, v3;
	_ =	sdelay $0x1  }
0x1a5: {  	s29 =	simm.s32 $0xD800  }
0x1a6: {  	[tilespmem:s29], [sflag:$0x2] =	stream.indirect_vreg.gather [hbm4b:s2+s3], $0x80, v4, vm0, $0xb8;
	[tilespmem:$0x18800] =	vst v63  }
0x1a7: {  	s30 =	simm.s32 $0xE000  }
0x1a8: {  	[tilespmem:s30], [sflag:$0x2] =	stream.indirect_vreg.gather [hbm4b:s2+s3], $0x80, v3, vm0, $0xb8;
	[tilespmem:$0x18800] =	vst v63  }
0x1a9: {  	v3 =	vld [tilespmem:$0x1E0];
	_ =	sdelay $0x4  }
0x1aa: {  	v22 =	vshll.u32 v3, $0x1  }
0x1ab: {  	v3 =	vand.u32 $0x7, v3;
	v4 =	vand.u32 $0xFFFFFFF0, v22  }
0x1ac: {  	v3 =	vor.u32 v3, v4  }
0x1ad: {  	v4 =	vperm.xlane v3, v0;
	_ =	sdelay $0x1  }
0x1ae: {  	v3 =	vperm.xlane v3, v2;
	v4 =	vadd.s32 v1, v4;
	_ =	sdelay $0x1  }
0x1af: {  	v3 =	vadd.s32 v1, v3;
	_ =	sdelay $0x1  }
0x1b0: {  	s30 =	simm.s32 $0xE800  }
0x1b1: {  	[tilespmem:s30], [sflag:$0x2] =	stream.indirect_vreg.gather [hbm4b:s2+s3], $0x80, v4, vm0, $0xb8;
	[tilespmem:$0x18800] =	vst v63  }
0x1b2: {  	s31 =	simm.s32 $0xF000  }
0x1b3: {  	[tilespmem:s31], [sflag:$0x2] =	stream.indirect_vreg.gather [hbm4b:s2+s3], $0x80, v3, vm0, $0xb8;
	[tilespmem:$0x18800] =	vst v63  }
0x1b4: {  	v3 =	vld [tilespmem:$0x1F0];
	_ =	sdelay $0x4  }
0x1b5: {  	v23 =	vshll.u32 v3, $0x1  }
0x1b6: {  	v3 =	vand.u32 $0x7, v3;
	v4 =	vand.u32 $0xFFFFFFF0, v23  }
0x1b7: {  	v3 =	vor.u32 v3, v4  }
0x1b8: {  	v4 =	vperm.xlane v3, v0;
	_ =	sdelay $0x1  }
0x1b9: {  	v3 =	vperm.xlane v3, v2;
	v4 =	vadd.s32 v1, v4;
	_ =	sdelay $0x1  }
0x1ba: {  	v3 =	vadd.s32 v1, v3;
	_ =	sdelay $0x1  }
0x1bb: {  	s22 =	simm.s32 $0xF800  }
0x1bc: {  	[tilespmem:s22], [sflag:$0x2] =	stream.indirect_vreg.gather [hbm4b:s2+s3], $0x80, v4, vm0, $0xb8;
	[tilespmem:$0x18800] =	vst v63  }
0x1bd: {  	s26 =	simm.s32 $0x10000;
	s22 =	sld [smem:$0x7F2]  }
0x1be: {  	[tilespmem:s26], [sflag:$0x2] =	stream.indirect_vreg.gather [hbm4b:s2+s3], $0x80, v3, vm0, $0xb8;
	[tilespmem:$0x18800] =	vst v63  }
0x1bf: {  	_ = 	snop  }
0x1c0: {  	[tilespmem:s15], [sflag:$0x2] =	stream.indirect.gather [hbm4b:s4+s13], $0x80, s22, s13, $0xb8;
	[tilespmem:$0x18800] =	vst v63  }
0x1c1: {  	_ =	swait.ge [sflag:s16], $0x8000  }
0x1c2: {  	[sflag:s16] =	ssyncset.done $0x0  }
0x1c3: {  	[sflag:s16] =	ssyncadd.s32 $0xFFFF8000  }
0x1c4: {  	_ =	swait.ge [sflag:s16], $0x4000  }
0x1c5: {  	[sflag:s16] =	ssyncset.done $0x0  }
0x1c6: {  	s22 =	rddreg [dreg:$0x8];
	[sflag:s16] =	ssyncadd.s32 $0xFFFFC000  }
0x1c7: {  	[hbm4b:s22+s7] =	stream.strided.scatter [tilespmem:s7], [sflag:$0x3], $0x8000, s17, s7, $0x38;
	[tilespmem:$0x18800] =	vst v63  }
0x1c8: {  	s26 =	rddreg [dreg:$0x9]  }
0x1c9: {  	[hbm4b:s26+s18] =	stream.strided.scatter [tilespmem:s24], [sflag:$0x3], $0x4000, s17, s18, $0x38;
	[tilespmem:$0x18800] =	vst v63  }
0x1ca: {  	_ =	swait.ge [sflag:s19], $0x8000  }
0x1cb: {  	[sflag:s19] =	ssyncset.done $0x0  }
0x1cc: {  	[sflag:s19] =	ssyncadd.s32 $0xFFFF8000  }
0x1cd: {  	_ =	swait.ge [sflag:s19], $0x4000  }
0x1ce: {  	[sflag:s19] =	ssyncset.done $0x0  }
0x1cf: {  	[sflag:s19] =	ssyncadd.s32 $0xFFFFC000  }
0x1d0: {  	v3 =	vld [tilespmem:$0x200];
	_ =	sdelay $0x4  }
0x1d1: {  	v24 =	vshll.u32 v3, $0x1  }
0x1d2: {  	v3 =	vand.u32 $0x7, v3;
	v4 =	vand.u32 $0xFFFFFFF0, v24  }
0x1d3: {  	v3 =	vor.u32 v3, v4  }
0x1d4: {  	v4 =	vperm.xlane v3, v0;
	_ =	sdelay $0x1  }
0x1d5: {  	v3 =	vperm.xlane v3, v2;
	v4 =	vadd.s32 v1, v4;
	_ =	sdelay $0x1  }
0x1d6: {  	v3 =	vadd.s32 v1, v3;
	_ =	sdelay $0x2  }
0x1d7: {  	[tilespmem:s7], [sflag:$0x1] =	stream.indirect_vreg.gather [hbm4b:s2+s3], $0x80, v4, vm0, $0xb8;
	[tilespmem:$0x18800] =	vst v63  }
0x1d8: {  	s26 =	simm.s32 $0x1000  }
0x1d9: {  	[tilespmem:s26], [sflag:$0x1] =	stream.indirect_vreg.gather [hbm4b:s2+s3], $0x80, v3, vm0, $0xb8;
	[tilespmem:$0x18800] =	vst v63  }
0x1da: {  	v3 =	vld [tilespmem:$0x210];
	_ =	sdelay $0x4  }
0x1db: {  	v25 =	vshll.u32 v3, $0x1  }
0x1dc: {  	v3 =	vand.u32 $0x7, v3;
	v4 =	vand.u32 $0xFFFFFFF0, v25  }
0x1dd: {  	v3 =	vor.u32 v3, v4  }
0x1de: {  	v4 =	vperm.xlane v3, v0;
	_ =	sdelay $0x1  }
0x1df: {  	v3 =	vperm.xlane v3, v2;
	v4 =	vadd.s32 v1, v4;
	_ =	sdelay $0x1  }
0x1e0: {  	v3 =	vadd.s32 v1, v3;
	_ =	sdelay $0x2  }
0x1e1: {  	[tilespmem:s23], [sflag:$0x1] =	stream.indirect_vreg.gather [hbm4b:s2+s3], $0x80, v4, vm0, $0xb8;
	[tilespmem:$0x18800] =	vst v63  }
0x1e2: {  	s26 =	simm.s32 $0x2000  }
0x1e3: {  	[tilespmem:s26], [sflag:$0x1] =	stream.indirect_vreg.gather [hbm4b:s2+s3], $0x80, v3, vm0, $0xb8;
	[tilespmem:$0x18800] =	vst v63  }
0x1e4: {  	v3 =	vld [tilespmem:$0x220];
	_ =	sdelay $0x4  }
0x1e5: {  	v26 =	vshll.u32 v3, $0x1  }
0x1e6: {  	v3 =	vand.u32 $0x7, v3;
	v4 =	vand.u32 $0xFFFFFFF0, v26  }
0x1e7: {  	v3 =	vor.u32 v3, v4  }
0x1e8: {  	v4 =	vperm.xlane v3, v0;
	_ =	sdelay $0x1  }
0x1e9: {  	v3 =	vperm.xlane v3, v2;
	v4 =	vadd.s32 v1, v4;
	_ =	sdelay $0x1  }
0x1ea: {  	v3 =	vadd.s32 v1, v3;
	_ =	sdelay $0x2  }
0x1eb: {  	[tilespmem:s5], [sflag:$0x1] =	stream.indirect_vreg.gather [hbm4b:s2+s3], $0x80, v4, vm0, $0xb8;
	[tilespmem:$0x18800] =	vst v63  }
0x1ec: {  	s26 =	simm.s32 $0x3000  }
0x1ed: {  	[tilespmem:s26], [sflag:$0x1] =	stream.indirect_vreg.gather [hbm4b:s2+s3], $0x80, v3, vm0, $0xb8;
	[tilespmem:$0x18800] =	vst v63  }
0x1ee: {  	v3 =	vld [tilespmem:$0x230];
	_ =	sdelay $0x4  }
0x1ef: {  	v27 =	vshll.u32 v3, $0x1  }
0x1f0: {  	v3 =	vand.u32 $0x7, v3;
	v4 =	vand.u32 $0xFFFFFFF0, v27  }
0x1f1: {  	v3 =	vor.u32 v3, v4  }
0x1f2: {  	v4 =	vperm.xlane v3, v0;
	_ =	sdelay $0x1  }
0x1f3: {  	v3 =	vperm.xlane v3, v2;
	v4 =	vadd.s32 v1, v4;
	_ =	sdelay $0x1  }
0x1f4: {  	v3 =	vadd.s32 v1, v3;
	_ =	sdelay $0x2  }
0x1f5: {  	[tilespmem:s6], [sflag:$0x1] =	stream.indirect_vreg.gather [hbm4b:s2+s3], $0x80, v4, vm0, $0xb8;
	[tilespmem:$0x18800] =	vst v63  }
0x1f6: {  	s26 =	simm.s32 $0x4000  }
0x1f7: {  	[tilespmem:s26], [sflag:$0x1] =	stream.indirect_vreg.gather [hbm4b:s2+s3], $0x80, v3, vm0, $0xb8;
	[tilespmem:$0x18800] =	vst v63  }
0x1f8: {  	v3 =	vld [tilespmem:$0x240];
	_ =	sdelay $0x4  }
0x1f9: {  	v28 =	vshll.u32 v3, $0x1  }
0x1fa: {  	v3 =	vand.u32 $0x7, v3;
	v4 =	vand.u32 $0xFFFFFFF0, v28  }
0x1fb: {  	v3 =	vor.u32 v3, v4  }
0x1fc: {  	v4 =	vperm.xlane v3, v0;
	_ =	sdelay $0x1  }
0x1fd: {  	v3 =	vperm.xlane v3, v2;
	v4 =	vadd.s32 v1, v4;
	_ =	sdelay $0x1  }
0x1fe: {  	v3 =	vadd.s32 v1, v3;
	_ =	sdelay $0x2  }
0x1ff: {  	[tilespmem:s8], [sflag:$0x1] =	stream.indirect_vreg.gather [hbm4b:s2+s3], $0x80, v4, vm0, $0xb8;
	[tilespmem:$0x18800] =	vst v63  }
0x200: {  	s26 =	simm.s32 $0x5000  }
0x201: {  	[tilespmem:s26], [sflag:$0x1] =	stream.indirect_vreg.gather [hbm4b:s2+s3], $0x80, v3, vm0, $0xb8;
	[tilespmem:$0x18800] =	vst v63  }
0x202: {  	v3 =	vld [tilespmem:$0x250];
	_ =	sdelay $0x4  }
0x203: {  	v29 =	vshll.u32 v3, $0x1  }
0x204: {  	v3 =	vand.u32 $0x7, v3;
	v4 =	vand.u32 $0xFFFFFFF0, v29  }
0x205: {  	v3 =	vor.u32 v3, v4  }
0x206: {  	v4 =	vperm.xlane v3, v0;
	_ =	sdelay $0x1  }
0x207: {  	v3 =	vperm.xlane v3, v2;
	v4 =	vadd.s32 v1, v4;
	_ =	sdelay $0x1  }
0x208: {  	v3 =	vadd.s32 v1, v3;
	_ =	sdelay $0x2  }
0x209: {  	[tilespmem:s9], [sflag:$0x1] =	stream.indirect_vreg.gather [hbm4b:s2+s3], $0x80, v4, vm0, $0xb8;
	[tilespmem:$0x18800] =	vst v63  }
0x20a: {  	s26 =	simm.s32 $0x6000  }
0x20b: {  	[tilespmem:s26], [sflag:$0x1] =	stream.indirect_vreg.gather [hbm4b:s2+s3], $0x80, v3, vm0, $0xb8;
	[tilespmem:$0x18800] =	vst v63  }
0x20c: {  	v3 =	vld [tilespmem:$0x260];
	_ =	sdelay $0x4  }
0x20d: {  	v30 =	vshll.u32 v3, $0x1  }
0x20e: {  	v3 =	vand.u32 $0x7, v3;
	v4 =	vand.u32 $0xFFFFFFF0, v30  }
0x20f: {  	v3 =	vor.u32 v3, v4  }
0x210: {  	v4 =	vperm.xlane v3, v0;
	_ =	sdelay $0x1  }
0x211: {  	v3 =	vperm.xlane v3, v2;
	v4 =	vadd.s32 v1, v4;
	_ =	sdelay $0x1  }
0x212: {  	v3 =	vadd.s32 v1, v3;
	_ =	sdelay $0x2  }
0x213: {  	[tilespmem:s10], [sflag:$0x1] =	stream.indirect_vreg.gather [hbm4b:s2+s3], $0x80, v4, vm0, $0xb8;
	[tilespmem:$0x18800] =	vst v63  }
0x214: {  	_ = 	snop  }
0x215: {  	[tilespmem:s12], [sflag:$0x1] =	stream.indirect_vreg.gather [hbm4b:s2+s3], $0x80, v3, vm0, $0xb8;
	[tilespmem:$0x18800] =	vst v63  }
0x216: {  	v3 =	vld [tilespmem:$0x270];
	_ =	sdelay $0x4  }
0x217: {  	v31 =	vshll.u32 v3, $0x1  }
0x218: {  	v3 =	vand.u32 $0x7, v3;
	v4 =	vand.u32 $0xFFFFFFF0, v31  }
0x219: {  	v3 =	vor.u32 v3, v4  }
0x21a: {  	v4 =	vperm.xlane v3, v0;
	_ =	sdelay $0x1  }
0x21b: {  	v3 =	vperm.xlane v3, v2;
	v4 =	vadd.s32 v1, v4;
	_ =	sdelay $0x1  }
0x21c: {  	v3 =	vadd.s32 v1, v3;
	_ =	sdelay $0x2  }
0x21d: {  	[tilespmem:s11], [sflag:$0x1] =	stream.indirect_vreg.gather [hbm4b:s2+s3], $0x80, v4, vm0, $0xb8;
	[tilespmem:$0x18800] =	vst v63  }
0x21e: {  	s22 =	sld [smem:$0x7F3];
	s26 =	simm.s32 $0x8000  }
0x21f: {  	[tilespmem:s26], [sflag:$0x1] =	stream.indirect_vreg.gather [hbm4b:s2+s3], $0x80, v3, vm0, $0xb8;
	[tilespmem:$0x18800] =	vst v63  }
0x220: {  	_ = 	snop  }
0x221: {  	[tilespmem:s24], [sflag:$0x1] =	stream.indirect.gather [hbm4b:s4+s13], $0x80, s22, s13, $0xb8;
	[tilespmem:$0x18800] =	vst v63  }
0x222: {  	_ =	swait.ge [sflag:s20], $0x8000  }
0x223: {  	[sflag:s20] =	ssyncset.done $0x0  }
0x224: {  	[sflag:s20] =	ssyncadd.s32 $0xFFFF8000  }
0x225: {  	_ =	swait.ge [sflag:s20], $0x4000  }
0x226: {  	[sflag:s20] =	ssyncset.done $0x0  }
0x227: {  	s22 =	rddreg [dreg:$0xa];
	[sflag:s20] =	ssyncadd.s32 $0xFFFFC000  }
0x228: {  	[hbm4b:s22+s7] =	stream.strided.scatter [tilespmem:s25], [sflag:$0x4], $0x8000, s17, s7, $0x38;
	[tilespmem:$0x18800] =	vst v63  }
0x229: {  	s26 =	rddreg [dreg:$0xb]  }
0x22a: {  	[hbm4b:s26+s18] =	stream.strided.scatter [tilespmem:s15], [sflag:$0x4], $0x4000, s17, s18, $0x38;
	[tilespmem:$0x18800] =	vst v63  }
0x22b: {  	_ =	swait.ge [sflag:s21], $0x8000  }
0x22c: {  	[sflag:s21] =	ssyncset.done $0x0  }
0x22d: {  	[sflag:s21] =	ssyncadd.s32 $0xFFFF8000  }
0x22e: {  	_ =	swait.ge [sflag:s21], $0x4000  }
0x22f: {  	[sflag:s21] =	ssyncset.done $0x0  }
0x230: {  	[sflag:s21] =	ssyncadd.s32 $0xFFFFC000  }
0x231: {  	v3 =	vld [tilespmem:$0x280];
	_ =	sdelay $0x4  }
0x232: {  	v32 =	vshll.u32 v3, $0x1  }
0x233: {  	v3 =	vand.u32 $0x7, v3;
	v4 =	vand.u32 $0xFFFFFFF0, v32  }
0x234: {  	v3 =	vor.u32 v3, v4  }
0x235: {  	v4 =	vperm.xlane v3, v0;
	_ =	sdelay $0x1  }
0x236: {  	v3 =	vperm.xlane v3, v2;
	v4 =	vadd.s32 v1, v4;
	_ =	sdelay $0x1  }
0x237: {  	v3 =	vadd.s32 v1, v3;
	_ =	sdelay $0x2  }
0x238: {  	[tilespmem:s25], [sflag:$0x2] =	stream.indirect_vreg.gather [hbm4b:s2+s3], $0x80, v4, vm0, $0xb8;
	[tilespmem:$0x18800] =	vst v63  }
0x239: {  	s26 =	simm.s32 $0x9000  }
0x23a: {  	[tilespmem:s26], [sflag:$0x2] =	stream.indirect_vreg.gather [hbm4b:s2+s3], $0x80, v3, vm0, $0xb8;
	[tilespmem:$0x18800] =	vst v63  }
0x23b: {  	v3 =	vld [tilespmem:$0x290];
	_ =	sdelay $0x4  }
0x23c: {  	v33 =	vshll.u32 v3, $0x1  }
0x23d: {  	v3 =	vand.u32 $0x7, v3;
	v4 =	vand.u32 $0xFFFFFFF0, v33  }
0x23e: {  	v3 =	vor.u32 v3, v4  }
0x23f: {  	v4 =	vperm.xlane v3, v0;
	_ =	sdelay $0x1  }
0x240: {  	v3 =	vperm.xlane v3, v2;
	v4 =	vadd.s32 v1, v4;
	_ =	sdelay $0x1  }
0x241: {  	v3 =	vadd.s32 v1, v3;
	_ =	sdelay $0x1  }
0x242: {  	s1 =	simm.s32 $0x9800  }
0x243: {  	[tilespmem:s1], [sflag:$0x2] =	stream.indirect_vreg.gather [hbm4b:s2+s3], $0x80, v4, vm0, $0xb8;
	[tilespmem:$0x18800] =	vst v63  }
0x244: {  	s26 =	simm.s32 $0xA000  }
0x245: {  	[tilespmem:s26], [sflag:$0x2] =	stream.indirect_vreg.gather [hbm4b:s2+s3], $0x80, v3, vm0, $0xb8;
	[tilespmem:$0x18800] =	vst v63  }
0x246: {  	v3 =	vld [tilespmem:$0x2A0];
	_ =	sdelay $0x4  }
0x247: {  	v34 =	vshll.u32 v3, $0x1  }
0x248: {  	v3 =	vand.u32 $0x7, v3;
	v4 =	vand.u32 $0xFFFFFFF0, v34  }
0x249: {  	v3 =	vor.u32 v3, v4  }
0x24a: {  	v4 =	vperm.xlane v3, v0;
	_ =	sdelay $0x1  }
0x24b: {  	v3 =	vperm.xlane v3, v2;
	v4 =	vadd.s32 v1, v4;
	_ =	sdelay $0x1  }
0x24c: {  	v3 =	vadd.s32 v1, v3;
	_ =	sdelay $0x1  }
0x24d: {  	s26 =	simm.s32 $0xA800  }
0x24e: {  	[tilespmem:s26], [sflag:$0x2] =	stream.indirect_vreg.gather [hbm4b:s2+s3], $0x80, v4, vm0, $0xb8;
	[tilespmem:$0x18800] =	vst v63  }
0x24f: {  	s26 =	simm.s32 $0xB000  }
0x250: {  	[tilespmem:s26], [sflag:$0x2] =	stream.indirect_vreg.gather [hbm4b:s2+s3], $0x80, v3, vm0, $0xb8;
	[tilespmem:$0x18800] =	vst v63  }
0x251: {  	v3 =	vld [tilespmem:$0x2B0];
	_ =	sdelay $0x4  }
0x252: {  	v35 =	vshll.u32 v3, $0x1  }
0x253: {  	v3 =	vand.u32 $0x7, v3;
	v4 =	vand.u32 $0xFFFFFFF0, v35  }
0x254: {  	v3 =	vor.u32 v3, v4  }
0x255: {  	v4 =	vperm.xlane v3, v0;
	_ =	sdelay $0x1  }
0x256: {  	v3 =	vperm.xlane v3, v2;
	v4 =	vadd.s32 v1, v4;
	_ =	sdelay $0x1  }
0x257: {  	v3 =	vadd.s32 v1, v3;
	_ =	sdelay $0x1  }
0x258: {  	s14 =	simm.s32 $0xB800  }
0x259: {  	[tilespmem:s14], [sflag:$0x2] =	stream.indirect_vreg.gather [hbm4b:s2+s3], $0x80, v4, vm0, $0xb8;
	[tilespmem:$0x18800] =	vst v63  }
0x25a: {  	s26 =	simm.s32 $0xC000  }
0x25b: {  	[tilespmem:s26], [sflag:$0x2] =	stream.indirect_vreg.gather [hbm4b:s2+s3], $0x80, v3, vm0, $0xb8;
	[tilespmem:$0x18800] =	vst v63  }
0x25c: {  	v3 =	vld [tilespmem:$0x2C0];
	_ =	sdelay $0x4  }
0x25d: {  	v36 =	vshll.u32 v3, $0x1  }
0x25e: {  	v3 =	vand.u32 $0x7, v3;
	v4 =	vand.u32 $0xFFFFFFF0, v36  }
0x25f: {  	v3 =	vor.u32 v3, v4  }
0x260: {  	v4 =	vperm.xlane v3, v0;
	_ =	sdelay $0x1  }
0x261: {  	v3 =	vperm.xlane v3, v2;
	v4 =	vadd.s32 v1, v4;
	_ =	sdelay $0x1  }
0x262: {  	v3 =	vadd.s32 v1, v3;
	_ =	sdelay $0x1  }
0x263: {  	s28 =	simm.s32 $0xC800  }
0x264: {  	[tilespmem:s28], [sflag:$0x2] =	stream.indirect_vreg.gather [hbm4b:s2+s3], $0x80, v4, vm0, $0xb8;
	[tilespmem:$0x18800] =	vst v63  }
0x265: {  	s28 =	simm.s32 $0xD000  }
0x266: {  	[tilespmem:s28], [sflag:$0x2] =	stream.indirect_vreg.gather [hbm4b:s2+s3], $0x80, v3, vm0, $0xb8;
	[tilespmem:$0x18800] =	vst v63  }
0x267: {  	v3 =	vld [tilespmem:$0x2D0];
	_ =	sdelay $0x4  }
0x268: {  	v37 =	vshll.u32 v3, $0x1  }
0x269: {  	v3 =	vand.u32 $0x7, v3;
	v4 =	vand.u32 $0xFFFFFFF0, v37  }
0x26a: {  	v3 =	vor.u32 v3, v4  }
0x26b: {  	v4 =	vperm.xlane v3, v0;
	_ =	sdelay $0x1  }
0x26c: {  	v3 =	vperm.xlane v3, v2;
	v4 =	vadd.s32 v1, v4;
	_ =	sdelay $0x1  }
0x26d: {  	v3 =	vadd.s32 v1, v3;
	_ =	sdelay $0x1  }
0x26e: {  	s29 =	simm.s32 $0xD800  }
0x26f: {  	[tilespmem:s29], [sflag:$0x2] =	stream.indirect_vreg.gather [hbm4b:s2+s3], $0x80, v4, vm0, $0xb8;
	[tilespmem:$0x18800] =	vst v63  }
0x270: {  	s29 =	simm.s32 $0xE000  }
0x271: {  	[tilespmem:s29], [sflag:$0x2] =	stream.indirect_vreg.gather [hbm4b:s2+s3], $0x80, v3, vm0, $0xb8;
	[tilespmem:$0x18800] =	vst v63  }
0x272: {  	v3 =	vld [tilespmem:$0x2E0];
	_ =	sdelay $0x4  }
0x273: {  	v38 =	vshll.u32 v3, $0x1  }
0x274: {  	v3 =	vand.u32 $0x7, v3;
	v4 =	vand.u32 $0xFFFFFFF0, v38  }
0x275: {  	v3 =	vor.u32 v3, v4  }
0x276: {  	v4 =	vperm.xlane v3, v0;
	_ =	sdelay $0x1  }
0x277: {  	v3 =	vperm.xlane v3, v2;
	v4 =	vadd.s32 v1, v4;
	_ =	sdelay $0x1  }
0x278: {  	v3 =	vadd.s32 v1, v3;
	_ =	sdelay $0x1  }
0x279: {  	s30 =	simm.s32 $0xE800  }
0x27a: {  	[tilespmem:s30], [sflag:$0x2] =	stream.indirect_vreg.gather [hbm4b:s2+s3], $0x80, v4, vm0, $0xb8;
	[tilespmem:$0x18800] =	vst v63  }
0x27b: {  	s26 =	simm.s32 $0xF000  }
0x27c: {  	[tilespmem:s26], [sflag:$0x2] =	stream.indirect_vreg.gather [hbm4b:s2+s3], $0x80, v3, vm0, $0xb8;
	[tilespmem:$0x18800] =	vst v63  }
0x27d: {  	v3 =	vld [tilespmem:$0x2F0];
	_ =	sdelay $0x4  }
0x27e: {  	v39 =	vshll.u32 v3, $0x1  }
0x27f: {  	v3 =	vand.u32 $0x7, v3;
	v4 =	vand.u32 $0xFFFFFFF0, v39  }
0x280: {  	v3 =	vor.u32 v3, v4  }
0x281: {  	v4 =	vperm.xlane v3, v0;
	_ =	sdelay $0x1  }
0x282: {  	v3 =	vperm.xlane v3, v2;
	v4 =	vadd.s32 v1, v4;
	_ =	sdelay $0x1  }
0x283: {  	v3 =	vadd.s32 v1, v3;
	_ =	sdelay $0x1  }
0x284: {  	s31 =	simm.s32 $0xF800  }
0x285: {  	[tilespmem:s31], [sflag:$0x2] =	stream.indirect_vreg.gather [hbm4b:s2+s3], $0x80, v4, vm0, $0xb8;
	[tilespmem:$0x18800] =	vst v63  }
0x286: {  	s0 =	simm.s32 $0x10000;
	s28 =	sld [smem:$0x7F4]  }
0x287: {  	[tilespmem:s0], [sflag:$0x2] =	stream.indirect_vreg.gather [hbm4b:s2+s3], $0x80, v3, vm0, $0xb8;
	[tilespmem:$0x18800] =	vst v63  }
0x288: {  	_ = 	snop  }
0x289: {  	[tilespmem:s15], [sflag:$0x2] =	stream.indirect.gather [hbm4b:s4+s13], $0x80, s28, s13, $0xb8;
	[tilespmem:$0x18800] =	vst v63  }
0x28a: {  	_ =	swait.ge [sflag:s16], $0x8000  }
0x28b: {  	[sflag:s16] =	ssyncset.done $0x0  }
0x28c: {  	[sflag:s16] =	ssyncadd.s32 $0xFFFF8000  }
0x28d: {  	_ =	swait.ge [sflag:s16], $0x4000  }
0x28e: {  	[sflag:s16] =	ssyncset.done $0x0  }
0x28f: {  	s29 =	rddreg [dreg:$0xc];
	[sflag:s16] =	ssyncadd.s32 $0xFFFFC000  }
0x290: {  	[hbm4b:s29+s7] =	stream.strided.scatter [tilespmem:s7], [sflag:$0x3], $0x8000, s17, s7, $0x38;
	[tilespmem:$0x18800] =	vst v63  }
0x291: {  	s30 =	rddreg [dreg:$0xd]  }
0x292: {  	[hbm4b:s30+s18] =	stream.strided.scatter [tilespmem:s24], [sflag:$0x3], $0x4000, s17, s18, $0x38;
	[tilespmem:$0x18800] =	vst v63  }
0x293: {  	_ =	swait.ge [sflag:s19], $0x8000  }
0x294: {  	[sflag:s19] =	ssyncset.done $0x0  }
0x295: {  	[sflag:s19] =	ssyncadd.s32 $0xFFFF8000  }
0x296: {  	_ =	swait.ge [sflag:s19], $0x4000  }
0x297: {  	[sflag:s19] =	ssyncset.done $0x0  }
0x298: {  	[sflag:s19] =	ssyncadd.s32 $0xFFFFC000  }
0x299: {  	v3 =	vld [tilespmem:$0x300];
	_ =	sdelay $0x4  }
0x29a: {  	v40 =	vshll.u32 v3, $0x1  }
0x29b: {  	v3 =	vand.u32 $0x7, v3;
	v4 =	vand.u32 $0xFFFFFFF0, v40  }
0x29c: {  	v3 =	vor.u32 v3, v4  }
0x29d: {  	v4 =	vperm.xlane v3, v0;
	_ =	sdelay $0x1  }
0x29e: {  	v3 =	vperm.xlane v3, v2;
	v4 =	vadd.s32 v1, v4;
	_ =	sdelay $0x1  }
0x29f: {  	v3 =	vadd.s32 v1, v3;
	_ =	sdelay $0x2  }
0x2a0: {  	[tilespmem:s7], [sflag:$0x1] =	stream.indirect_vreg.gather [hbm4b:s2+s3], $0x80, v4, vm0, $0xb8;
	[tilespmem:$0x18800] =	vst v63  }
0x2a1: {  	s31 =	simm.s32 $0x1000  }
0x2a2: {  	[tilespmem:s31], [sflag:$0x1] =	stream.indirect_vreg.gather [hbm4b:s2+s3], $0x80, v3, vm0, $0xb8;
	[tilespmem:$0x18800] =	vst v63  }
0x2a3: {  	v3 =	vld [tilespmem:$0x310];
	_ =	sdelay $0x4  }
0x2a4: {  	v41 =	vshll.u32 v3, $0x1  }
0x2a5: {  	v3 =	vand.u32 $0x7, v3;
	v4 =	vand.u32 $0xFFFFFFF0, v41  }
0x2a6: {  	v3 =	vor.u32 v3, v4  }
0x2a7: {  	v4 =	vperm.xlane v3, v0;
	_ =	sdelay $0x1  }
0x2a8: {  	v3 =	vperm.xlane v3, v2;
	v4 =	vadd.s32 v1, v4;
	_ =	sdelay $0x1  }
0x2a9: {  	v3 =	vadd.s32 v1, v3;
	_ =	sdelay $0x1  }
0x2aa: {  	s23 =	simm.s32 $0x1800  }
0x2ab: {  	[tilespmem:s23], [sflag:$0x1] =	stream.indirect_vreg.gather [hbm4b:s2+s3], $0x80, v4, vm0, $0xb8;
	[tilespmem:$0x18800] =	vst v63  }
0x2ac: {  	s22 =	simm.s32 $0x2000  }
0x2ad: {  	[tilespmem:s22], [sflag:$0x1] =	stream.indirect_vreg.gather [hbm4b:s2+s3], $0x80, v3, vm0, $0xb8;
	[tilespmem:$0x18800] =	vst v63  }
0x2ae: {  	v3 =	vld [tilespmem:$0x320];
	_ =	sdelay $0x4  }
0x2af: {  	v42 =	vshll.u32 v3, $0x1  }
0x2b0: {  	v3 =	vand.u32 $0x7, v3;
	v4 =	vand.u32 $0xFFFFFFF0, v42  }
0x2b1: {  	v3 =	vor.u32 v3, v4  }
0x2b2: {  	v4 =	vperm.xlane v3, v0;
	_ =	sdelay $0x1  }
0x2b3: {  	v3 =	vperm.xlane v3, v2;
	v4 =	vadd.s32 v1, v4;
	_ =	sdelay $0x1  }
0x2b4: {  	v3 =	vadd.s32 v1, v3;
	_ =	sdelay $0x1  }
0x2b5: {  	s5 =	simm.s32 $0x2800  }
0x2b6: {  	[tilespmem:s5], [sflag:$0x1] =	stream.indirect_vreg.gather [hbm4b:s2+s3], $0x80, v4, vm0, $0xb8;
	[tilespmem:$0x18800] =	vst v63  }
0x2b7: {  	s23 =	simm.s32 $0x3000  }
0x2b8: {  	[tilespmem:s23], [sflag:$0x1] =	stream.indirect_vreg.gather [hbm4b:s2+s3], $0x80, v3, vm0, $0xb8;
	[tilespmem:$0x18800] =	vst v63  }
0x2b9: {  	v3 =	vld [tilespmem:$0x330];
	_ =	sdelay $0x4  }
0x2ba: {  	v43 =	vshll.u32 v3, $0x1  }
0x2bb: {  	v3 =	vand.u32 $0x7, v3;
	v4 =	vand.u32 $0xFFFFFFF0, v43  }
0x2bc: {  	v3 =	vor.u32 v3, v4  }
0x2bd: {  	v4 =	vperm.xlane v3, v0;
	_ =	sdelay $0x1  }
0x2be: {  	v3 =	vperm.xlane v3, v2;
	v4 =	vadd.s32 v1, v4;
	_ =	sdelay $0x1  }
0x2bf: {  	v3 =	vadd.s32 v1, v3;
	_ =	sdelay $0x1  }
0x2c0: {  	s6 =	simm.s32 $0x3800  }
0x2c1: {  	[tilespmem:s6], [sflag:$0x1] =	stream.indirect_vreg.gather [hbm4b:s2+s3], $0x80, v4, vm0, $0xb8;
	[tilespmem:$0x18800] =	vst v63  }
0x2c2: {  	s26 =	simm.s32 $0x4000  }
0x2c3: {  	[tilespmem:s26], [sflag:$0x1] =	stream.indirect_vreg.gather [hbm4b:s2+s3], $0x80, v3, vm0, $0xb8;
	[tilespmem:$0x18800] =	vst v63  }
0x2c4: {  	v3 =	vld [tilespmem:$0x340];
	_ =	sdelay $0x4  }
0x2c5: {  	v44 =	vshll.u32 v3, $0x1  }
0x2c6: {  	v3 =	vand.u32 $0x7, v3;
	v4 =	vand.u32 $0xFFFFFFF0, v44  }
0x2c7: {  	v3 =	vor.u32 v3, v4  }
0x2c8: {  	v4 =	vperm.xlane v3, v0;
	_ =	sdelay $0x1  }
0x2c9: {  	v3 =	vperm.xlane v3, v2;
	v4 =	vadd.s32 v1, v4;
	_ =	sdelay $0x1  }
0x2ca: {  	v3 =	vadd.s32 v1, v3;
	_ =	sdelay $0x1  }
0x2cb: {  	s8 =	simm.s32 $0x4800  }
0x2cc: {  	[tilespmem:s8], [sflag:$0x1] =	stream.indirect_vreg.gather [hbm4b:s2+s3], $0x80, v4, vm0, $0xb8;
	[tilespmem:$0x18800] =	vst v63  }
0x2cd: {  	s28 =	simm.s32 $0x5000  }
0x2ce: {  	[tilespmem:s28], [sflag:$0x1] =	stream.indirect_vreg.gather [hbm4b:s2+s3], $0x80, v3, vm0, $0xb8;
	[tilespmem:$0x18800] =	vst v63  }
0x2cf: {  	v3 =	vld [tilespmem:$0x350];
	_ =	sdelay $0x4  }
0x2d0: {  	v45 =	vshll.u32 v3, $0x1  }
0x2d1: {  	v3 =	vand.u32 $0x7, v3;
	v4 =	vand.u32 $0xFFFFFFF0, v45  }
0x2d2: {  	v3 =	vor.u32 v3, v4  }
0x2d3: {  	v4 =	vperm.xlane v3, v0;
	_ =	sdelay $0x1  }
0x2d4: {  	v3 =	vperm.xlane v3, v2;
	v4 =	vadd.s32 v1, v4;
	_ =	sdelay $0x1  }
0x2d5: {  	v3 =	vadd.s32 v1, v3;
	_ =	sdelay $0x1  }
0x2d6: {  	s9 =	simm.s32 $0x5800  }
0x2d7: {  	[tilespmem:s9], [sflag:$0x1] =	stream.indirect_vreg.gather [hbm4b:s2+s3], $0x80, v4, vm0, $0xb8;
	[tilespmem:$0x18800] =	vst v63  }
0x2d8: {  	s29 =	simm.s32 $0x6000  }
0x2d9: {  	[tilespmem:s29], [sflag:$0x1] =	stream.indirect_vreg.gather [hbm4b:s2+s3], $0x80, v3, vm0, $0xb8;
	[tilespmem:$0x18800] =	vst v63  }
0x2da: {  	v3 =	vld [tilespmem:$0x360];
	_ =	sdelay $0x4  }
0x2db: {  	v46 =	vshll.u32 v3, $0x1  }
0x2dc: {  	v3 =	vand.u32 $0x7, v3;
	v4 =	vand.u32 $0xFFFFFFF0, v46  }
0x2dd: {  	v3 =	vor.u32 v3, v4  }
0x2de: {  	v4 =	vperm.xlane v3, v0;
	_ =	sdelay $0x1  }
0x2df: {  	v3 =	vperm.xlane v3, v2;
	v4 =	vadd.s32 v1, v4;
	_ =	sdelay $0x1  }
0x2e0: {  	v3 =	vadd.s32 v1, v3;
	_ =	sdelay $0x1  }
0x2e1: {  	s10 =	simm.s32 $0x6800  }
0x2e2: {  	[tilespmem:s10], [sflag:$0x1] =	stream.indirect_vreg.gather [hbm4b:s2+s3], $0x80, v4, vm0, $0xb8;
	[tilespmem:$0x18800] =	vst v63  }
0x2e3: {  	s12 =	simm.s32 $0x7000  }
0x2e4: {  	[tilespmem:s12], [sflag:$0x1] =	stream.indirect_vreg.gather [hbm4b:s2+s3], $0x80, v3, vm0, $0xb8;
	[tilespmem:$0x18800] =	vst v63  }
0x2e5: {  	v3 =	vld [tilespmem:$0x370];
	_ =	sdelay $0x4  }
0x2e6: {  	v47 =	vshll.u32 v3, $0x1  }
0x2e7: {  	v3 =	vand.u32 $0x7, v3;
	v4 =	vand.u32 $0xFFFFFFF0, v47  }
0x2e8: {  	v3 =	vor.u32 v3, v4  }
0x2e9: {  	v4 =	vperm.xlane v3, v0;
	_ =	sdelay $0x1  }
0x2ea: {  	v3 =	vperm.xlane v3, v2;
	v4 =	vadd.s32 v1, v4;
	_ =	sdelay $0x1  }
0x2eb: {  	v3 =	vadd.s32 v1, v3;
	_ =	sdelay $0x1  }
0x2ec: {  	s11 =	simm.s32 $0x7800  }
0x2ed: {  	[tilespmem:s11], [sflag:$0x1] =	stream.indirect_vreg.gather [hbm4b:s2+s3], $0x80, v4, vm0, $0xb8;
	[tilespmem:$0x18800] =	vst v63  }
0x2ee: {  	s30 =	sld [smem:$0x7F5];
	s31 =	simm.s32 $0x8000  }
0x2ef: {  	[tilespmem:s31], [sflag:$0x1] =	stream.indirect_vreg.gather [hbm4b:s2+s3], $0x80, v3, vm0, $0xb8;
	[tilespmem:$0x18800] =	vst v63  }
0x2f0: {  	_ = 	snop  }
0x2f1: {  	[tilespmem:s24], [sflag:$0x1] =	stream.indirect.gather [hbm4b:s4+s13], $0x80, s30, s13, $0xb8;
	[tilespmem:$0x18800] =	vst v63  }
0x2f2: {  	_ =	swait.ge [sflag:s20], $0x8000  }
0x2f3: {  	[sflag:s20] =	ssyncset.done $0x0  }
0x2f4: {  	[sflag:s20] =	ssyncadd.s32 $0xFFFF8000  }
0x2f5: {  	_ =	swait.ge [sflag:s20], $0x4000  }
0x2f6: {  	[sflag:s20] =	ssyncset.done $0x0  }
0x2f7: {  	s0 =	rddreg [dreg:$0xe];
	[sflag:s20] =	ssyncadd.s32 $0xFFFFC000  }
0x2f8: {  	[hbm4b:s0+s7] =	stream.strided.scatter [tilespmem:s25], [sflag:$0x4], $0x8000, s17, s7, $0x38;
	[tilespmem:$0x18800] =	vst v63  }
0x2f9: {  	s5 =	rddreg [dreg:$0xf]  }
0x2fa: {  	[hbm4b:s5+s18] =	stream.strided.scatter [tilespmem:s15], [sflag:$0x4], $0x4000, s17, s18, $0x38;
	[tilespmem:$0x18800] =	vst v63  }
0x2fb: {  	_ =	swait.ge [sflag:s21], $0x8000  }
0x2fc: {  	[sflag:s21] =	ssyncset.done $0x0  }
0x2fd: {  	[sflag:s21] =	ssyncadd.s32 $0xFFFF8000  }
0x2fe: {  	_ =	swait.ge [sflag:s21], $0x4000  }
0x2ff: {  	[sflag:s21] =	ssyncset.done $0x0  }
0x300: {  	[sflag:s21] =	ssyncadd.s32 $0xFFFFC000  }
0x301: {  	v3 =	vld [tilespmem:$0x380];
	_ =	sdelay $0x4  }
0x302: {  	v48 =	vshll.u32 v3, $0x1  }
0x303: {  	v3 =	vand.u32 $0x7, v3;
	v4 =	vand.u32 $0xFFFFFFF0, v48  }
0x304: {  	v3 =	vor.u32 v3, v4  }
0x305: {  	v4 =	vperm.xlane v3, v0;
	_ =	sdelay $0x1  }
0x306: {  	v3 =	vperm.xlane v3, v2;
	v4 =	vadd.s32 v1, v4;
	_ =	sdelay $0x1  }
0x307: {  	v3 =	vadd.s32 v1, v3;
	_ =	sdelay $0x2  }
0x308: {  	[tilespmem:s25], [sflag:$0x2] =	stream.indirect_vreg.gather [hbm4b:s2+s3], $0x80, v4, vm0, $0xb8;
	[tilespmem:$0x18800] =	vst v63  }
0x309: {  	s6 =	simm.s32 $0x9000  }
0x30a: {  	[tilespmem:s6], [sflag:$0x2] =	stream.indirect_vreg.gather [hbm4b:s2+s3], $0x80, v3, vm0, $0xb8;
	[tilespmem:$0x18800] =	vst v63  }
0x30b: {  	v3 =	vld [tilespmem:$0x390];
	_ =	sdelay $0x4  }
0x30c: {  	v49 =	vshll.u32 v3, $0x1  }
0x30d: {  	v3 =	vand.u32 $0x7, v3;
	v4 =	vand.u32 $0xFFFFFFF0, v49  }
0x30e: {  	v3 =	vor.u32 v3, v4  }
0x30f: {  	v4 =	vperm.xlane v3, v0;
	_ =	sdelay $0x1  }
0x310: {  	v3 =	vperm.xlane v3, v2;
	v4 =	vadd.s32 v1, v4;
	_ =	sdelay $0x1  }
0x311: {  	v3 =	vadd.s32 v1, v3;
	_ =	sdelay $0x1  }
0x312: {  	s1 =	simm.s32 $0x9800  }
0x313: {  	[tilespmem:s1], [sflag:$0x2] =	stream.indirect_vreg.gather [hbm4b:s2+s3], $0x80, v4, vm0, $0xb8;
	[tilespmem:$0x18800] =	vst v63  }
0x314: {  	s8 =	simm.s32 $0xA000  }
0x315: {  	[tilespmem:s8], [sflag:$0x2] =	stream.indirect_vreg.gather [hbm4b:s2+s3], $0x80, v3, vm0, $0xb8;
	[tilespmem:$0x18800] =	vst v63  }
0x316: {  	v3 =	vld [tilespmem:$0x3A0];
	_ =	sdelay $0x4  }
0x317: {  	v50 =	vshll.u32 v3, $0x1  }
0x318: {  	v3 =	vand.u32 $0x7, v3;
	v4 =	vand.u32 $0xFFFFFFF0, v50  }
0x319: {  	v3 =	vor.u32 v3, v4  }
0x31a: {  	v4 =	vperm.xlane v3, v0;
	_ =	sdelay $0x1  }
0x31b: {  	v3 =	vperm.xlane v3, v2;
	v4 =	vadd.s32 v1, v4;
	_ =	sdelay $0x1  }
0x31c: {  	v3 =	vadd.s32 v1, v3;
	_ =	sdelay $0x1  }
0x31d: {  	s9 =	simm.s32 $0xA800  }
0x31e: {  	[tilespmem:s9], [sflag:$0x2] =	stream.indirect_vreg.gather [hbm4b:s2+s3], $0x80, v4, vm0, $0xb8;
	[tilespmem:$0x18800] =	vst v63  }
0x31f: {  	s10 =	simm.s32 $0xB000  }
0x320: {  	[tilespmem:s10], [sflag:$0x2] =	stream.indirect_vreg.gather [hbm4b:s2+s3], $0x80, v3, vm0, $0xb8;
	[tilespmem:$0x18800] =	vst v63  }
0x321: {  	v3 =	vld [tilespmem:$0x3B0];
	_ =	sdelay $0x4  }
0x322: {  	v51 =	vshll.u32 v3, $0x1  }
0x323: {  	v3 =	vand.u32 $0x7, v3;
	v4 =	vand.u32 $0xFFFFFFF0, v51  }
0x324: {  	v3 =	vor.u32 v3, v4  }
0x325: {  	v4 =	vperm.xlane v3, v0;
	_ =	sdelay $0x1  }
0x326: {  	v3 =	vperm.xlane v3, v2;
	v4 =	vadd.s32 v1, v4;
	_ =	sdelay $0x1  }
0x327: {  	v3 =	vadd.s32 v1, v3;
	_ =	sdelay $0x1  }
0x328: {  	s14 =	simm.s32 $0xB800  }
0x329: {  	[tilespmem:s14], [sflag:$0x2] =	stream.indirect_vreg.gather [hbm4b:s2+s3], $0x80, v4, vm0, $0xb8;
	[tilespmem:$0x18800] =	vst v63  }
0x32a: {  	s22 =	simm.s32 $0xC000  }
0x32b: {  	[tilespmem:s22], [sflag:$0x2] =	stream.indirect_vreg.gather [hbm4b:s2+s3], $0x80, v3, vm0, $0xb8;
	[tilespmem:$0x18800] =	vst v63  }
0x32c: {  	v3 =	vld [tilespmem:$0x3C0];
	_ =	sdelay $0x4  }
0x32d: {  	v52 =	vshll.u32 v3, $0x1  }
0x32e: {  	v3 =	vand.u32 $0x7, v3;
	v4 =	vand.u32 $0xFFFFFFF0, v52  }
0x32f: {  	v3 =	vor.u32 v3, v4  }
0x330: {  	v4 =	vperm.xlane v3, v0;
	_ =	sdelay $0x1  }
0x331: {  	v3 =	vperm.xlane v3, v2;
	v4 =	vadd.s32 v1, v4;
	_ =	sdelay $0x1  }
0x332: {  	v3 =	vadd.s32 v1, v3;
	_ =	sdelay $0x1  }
0x333: {  	s26 =	simm.s32 $0xC800  }
0x334: {  	[tilespmem:s26], [sflag:$0x2] =	stream.indirect_vreg.gather [hbm4b:s2+s3], $0x80, v4, vm0, $0xb8;
	[tilespmem:$0x18800] =	vst v63  }
0x335: {  	s29 =	simm.s32 $0xD000  }
0x336: {  	[tilespmem:s29], [sflag:$0x2] =	stream.indirect_vreg.gather [hbm4b:s2+s3], $0x80, v3, vm0, $0xb8;
	[tilespmem:$0x18800] =	vst v63  }
0x337: {  	v3 =	vld [tilespmem:$0x3D0];
	_ =	sdelay $0x4  }
0x338: {  	v53 =	vshll.u32 v3, $0x1  }
0x339: {  	v3 =	vand.u32 $0x7, v3;
	v4 =	vand.u32 $0xFFFFFFF0, v53  }
0x33a: {  	v3 =	vor.u32 v3, v4  }
0x33b: {  	v4 =	vperm.xlane v3, v0;
	_ =	sdelay $0x1  }
0x33c: {  	v3 =	vperm.xlane v3, v2;
	v4 =	vadd.s32 v1, v4;
	_ =	sdelay $0x1  }
0x33d: {  	v3 =	vadd.s32 v1, v3;
	_ =	sdelay $0x1  }
0x33e: {  	s30 =	simm.s32 $0xD800  }
0x33f: {  	[tilespmem:s30], [sflag:$0x2] =	stream.indirect_vreg.gather [hbm4b:s2+s3], $0x80, v4, vm0, $0xb8;
	[tilespmem:$0x18800] =	vst v63  }
0x340: {  	s31 =	simm.s32 $0xE000  }
0x341: {  	[tilespmem:s31], [sflag:$0x2] =	stream.indirect_vreg.gather [hbm4b:s2+s3], $0x80, v3, vm0, $0xb8;
	[tilespmem:$0x18800] =	vst v63  }
0x342: {  	v3 =	vld [tilespmem:$0x3E0];
	_ =	sdelay $0x4  }
0x343: {  	v54 =	vshll.u32 v3, $0x1  }
0x344: {  	v3 =	vand.u32 $0x7, v3;
	v4 =	vand.u32 $0xFFFFFFF0, v54  }
0x345: {  	v3 =	vor.u32 v3, v4  }
0x346: {  	v4 =	vperm.xlane v3, v0;
	_ =	sdelay $0x1  }
0x347: {  	v3 =	vperm.xlane v3, v2;
	v4 =	vadd.s32 v1, v4;
	_ =	sdelay $0x1  }
0x348: {  	v3 =	vadd.s32 v1, v3;
	_ =	sdelay $0x1  }
0x349: {  	s9 =	simm.s32 $0xE800  }
0x34a: {  	[tilespmem:s9], [sflag:$0x2] =	stream.indirect_vreg.gather [hbm4b:s2+s3], $0x80, v4, vm0, $0xb8;
	[tilespmem:$0x18800] =	vst v63  }
0x34b: {  	s10 =	simm.s32 $0xF000  }
0x34c: {  	[tilespmem:s10], [sflag:$0x2] =	stream.indirect_vreg.gather [hbm4b:s2+s3], $0x80, v3, vm0, $0xb8;
	[tilespmem:$0x18800] =	vst v63  }
0x34d: {  	v3 =	vld [tilespmem:$0x3F0];
	_ =	sdelay $0x4  }
0x34e: {  	v55 =	vshll.u32 v3, $0x1  }
0x34f: {  	v3 =	vand.u32 $0x7, v3;
	v4 =	vand.u32 $0xFFFFFFF0, v55  }
0x350: {  	v3 =	vor.u32 v3, v4  }
0x351: {  	v4 =	vperm.xlane v3, v0;
	_ =	sdelay $0x1  }
0x352: {  	v3 =	vperm.xlane v3, v2;
	v4 =	vadd.s32 v1, v4;
	_ =	sdelay $0x1  }
0x353: {  	v3 =	vadd.s32 v1, v3;
	_ =	sdelay $0x1  }
0x354: {  	s22 =	simm.s32 $0xF800  }
0x355: {  	[tilespmem:s22], [sflag:$0x2] =	stream.indirect_vreg.gather [hbm4b:s2+s3], $0x80, v4, vm0, $0xb8;
	[tilespmem:$0x18800] =	vst v63  }
0x356: {  	s26 =	simm.s32 $0x10000;
	s22 =	sld [smem:$0x7F6]  }
0x357: {  	[tilespmem:s26], [sflag:$0x2] =	stream.indirect_vreg.gather [hbm4b:s2+s3], $0x80, v3, vm0, $0xb8;
	[tilespmem:$0x18800] =	vst v63  }
0x358: {  	_ = 	snop  }
0x359: {  	[tilespmem:s15], [sflag:$0x2] =	stream.indirect.gather [hbm4b:s4+s13], $0x80, s22, s13, $0xb8;
	[tilespmem:$0x18800] =	vst v63  }
0x35a: {  	_ =	swait.ge [sflag:s16], $0x8000  }
0x35b: {  	[sflag:s16] =	ssyncset.done $0x0  }
0x35c: {  	[sflag:s16] =	ssyncadd.s32 $0xFFFF8000  }
0x35d: {  	_ =	swait.ge [sflag:s16], $0x4000  }
0x35e: {  	[sflag:s16] =	ssyncset.done $0x0  }
0x35f: {  	s22 =	rddreg [dreg:$0x10];
	[sflag:s16] =	ssyncadd.s32 $0xFFFFC000  }
0x360: {  	[hbm4b:s22+s7] =	stream.strided.scatter [tilespmem:s7], [sflag:$0x3], $0x8000, s17, s7, $0x38;
	[tilespmem:$0x18800] =	vst v63  }
0x361: {  	s26 =	rddreg [dreg:$0x11]  }
0x362: {  	[hbm4b:s26+s18] =	stream.strided.scatter [tilespmem:s24], [sflag:$0x3], $0x4000, s17, s18, $0x38;
	[tilespmem:$0x18800] =	vst v63  }
0x363: {  	_ =	swait.ge [sflag:s19], $0x8000  }
0x364: {  	[sflag:s19] =	ssyncset.done $0x0  }
0x365: {  	[sflag:s19] =	ssyncadd.s32 $0xFFFF8000  }
0x366: {  	_ =	swait.ge [sflag:s19], $0x4000  }
0x367: {  	[sflag:s19] =	ssyncset.done $0x0  }
0x368: {  	[sflag:s19] =	ssyncadd.s32 $0xFFFFC000  }
0x369: {  	v3 =	vld [tilespmem:$0x400];
	_ =	sdelay $0x4  }
0x36a: {  	v56 =	vshll.u32 v3, $0x1  }
0x36b: {  	v3 =	vand.u32 $0x7, v3;
	v4 =	vand.u32 $0xFFFFFFF0, v56  }
0x36c: {  	v3 =	vor.u32 v3, v4  }
0x36d: {  	v4 =	vperm.xlane v3, v0;
	_ =	sdelay $0x1  }
0x36e: {  	v3 =	vperm.xlane v3, v2;
	v4 =	vadd.s32 v1, v4;
	_ =	sdelay $0x1  }
0x36f: {  	v3 =	vadd.s32 v1, v3;
	_ =	sdelay $0x2  }
0x370: {  	[tilespmem:s7], [sflag:$0x1] =	stream.indirect_vreg.gather [hbm4b:s2+s3], $0x80, v4, vm0, $0xb8;
	[tilespmem:$0x18800] =	vst v63  }
0x371: {  	s26 =	simm.s32 $0x1000  }
0x372: {  	[tilespmem:s26], [sflag:$0x1] =	stream.indirect_vreg.gather [hbm4b:s2+s3], $0x80, v3, vm0, $0xb8;
	[tilespmem:$0x18800] =	vst v63  }
0x373: {  	v3 =	vld [tilespmem:$0x410];
	_ =	sdelay $0x4  }
0x374: {  	v57 =	vshll.u32 v3, $0x1  }
0x375: {  	v3 =	vand.u32 $0x7, v3;
	v4 =	vand.u32 $0xFFFFFFF0, v57  }
0x376: {  	v3 =	vor.u32 v3, v4  }
0x377: {  	v4 =	vperm.xlane v3, v0;
	_ =	sdelay $0x1  }
0x378: {  	v3 =	vperm.xlane v3, v2;
	v4 =	vadd.s32 v1, v4;
	_ =	sdelay $0x1  }
0x379: {  	v3 =	vadd.s32 v1, v3;
	_ =	sdelay $0x1  }
0x37a: {  	s26 =	simm.s32 $0x1800  }
0x37b: {  	[tilespmem:s26], [sflag:$0x1] =	stream.indirect_vreg.gather [hbm4b:s2+s3], $0x80, v4, vm0, $0xb8;
	[tilespmem:$0x18800] =	vst v63  }
0x37c: {  	s26 =	simm.s32 $0x2000  }
0x37d: {  	[tilespmem:s26], [sflag:$0x1] =	stream.indirect_vreg.gather [hbm4b:s2+s3], $0x80, v3, vm0, $0xb8;
	[tilespmem:$0x18800] =	vst v63  }
0x37e: {  	v3 =	vld [tilespmem:$0x420];
	_ =	sdelay $0x4  }
0x37f: {  	v58 =	vshll.u32 v3, $0x1  }
0x380: {  	v3 =	vand.u32 $0x7, v3;
	v4 =	vand.u32 $0xFFFFFFF0, v58  }
0x381: {  	v3 =	vor.u32 v3, v4  }
0x382: {  	v4 =	vperm.xlane v3, v0;
	_ =	sdelay $0x1  }
0x383: {  	v3 =	vperm.xlane v3, v2;
	v4 =	vadd.s32 v1, v4;
	_ =	sdelay $0x1  }
0x384: {  	v3 =	vadd.s32 v1, v3;
	_ =	sdelay $0x1  }
0x385: {  	s26 =	simm.s32 $0x2800  }
0x386: {  	[tilespmem:s26], [sflag:$0x1] =	stream.indirect_vreg.gather [hbm4b:s2+s3], $0x80, v4, vm0, $0xb8;
	[tilespmem:$0x18800] =	vst v63  }
0x387: {  	s26 =	simm.s32 $0x3000  }
0x388: {  	[tilespmem:s26], [sflag:$0x1] =	stream.indirect_vreg.gather [hbm4b:s2+s3], $0x80, v3, vm0, $0xb8;
	[tilespmem:$0x18800] =	vst v63  }
0x389: {  	v3 =	vld [tilespmem:$0x430];
	_ =	sdelay $0x4  }
0x38a: {  	v59 =	vshll.u32 v3, $0x1  }
0x38b: {  	v3 =	vand.u32 $0x7, v3;
	v4 =	vand.u32 $0xFFFFFFF0, v59  }
0x38c: {  	v3 =	vor.u32 v3, v4  }
0x38d: {  	v4 =	vperm.xlane v3, v0;
	_ =	sdelay $0x1  }
0x38e: {  	v3 =	vperm.xlane v3, v2;
	v4 =	vadd.s32 v1, v4;
	_ =	sdelay $0x1  }
0x38f: {  	v3 =	vadd.s32 v1, v3;
	_ =	sdelay $0x1  }
0x390: {  	s26 =	simm.s32 $0x3800  }
0x391: {  	[tilespmem:s26], [sflag:$0x1] =	stream.indirect_vreg.gather [hbm4b:s2+s3], $0x80, v4, vm0, $0xb8;
	[tilespmem:$0x18800] =	vst v63  }
0x392: {  	s26 =	simm.s32 $0x4000  }
0x393: {  	[tilespmem:s26], [sflag:$0x1] =	stream.indirect_vreg.gather [hbm4b:s2+s3], $0x80, v3, vm0, $0xb8;
	[tilespmem:$0x18800] =	vst v63  }
0x394: {  	v3 =	vld [tilespmem:$0x440];
	_ =	sdelay $0x4  }
0x395: {  	v60 =	vshll.u32 v3, $0x1  }
0x396: {  	v3 =	vand.u32 $0x7, v3;
	v4 =	vand.u32 $0xFFFFFFF0, v60  }
0x397: {  	v3 =	vor.u32 v3, v4  }
0x398: {  	v4 =	vperm.xlane v3, v0;
	_ =	sdelay $0x1  }
0x399: {  	v3 =	vperm.xlane v3, v2;
	v4 =	vadd.s32 v1, v4;
	_ =	sdelay $0x1  }
0x39a: {  	v3 =	vadd.s32 v1, v3;
	_ =	sdelay $0x1  }
0x39b: {  	s26 =	simm.s32 $0x4800  }
0x39c: {  	[tilespmem:s26], [sflag:$0x1] =	stream.indirect_vreg.gather [hbm4b:s2+s3], $0x80, v4, vm0, $0xb8;
	[tilespmem:$0x18800] =	vst v63  }
0x39d: {  	s26 =	simm.s32 $0x5000  }
0x39e: {  	[tilespmem:s26], [sflag:$0x1] =	stream.indirect_vreg.gather [hbm4b:s2+s3], $0x80, v3, vm0, $0xb8;
	[tilespmem:$0x18800] =	vst v63  }
0x39f: {  	v3 =	vld [tilespmem:$0x450];
	_ =	sdelay $0x4  }
0x3a0: {  	v61 =	vshll.u32 v3, $0x1  }
0x3a1: {  	v3 =	vand.u32 $0x7, v3;
	v4 =	vand.u32 $0xFFFFFFF0, v61  }
0x3a2: {  	v3 =	vor.u32 v3, v4  }
0x3a3: {  	v4 =	vperm.xlane v3, v0;
	_ =	sdelay $0x1  }
0x3a4: {  	v3 =	vperm.xlane v3, v2;
	v4 =	vadd.s32 v1, v4;
	_ =	sdelay $0x1  }
0x3a5: {  	v3 =	vadd.s32 v1, v3;
	_ =	sdelay $0x1  }
0x3a6: {  	s26 =	simm.s32 $0x5800  }
0x3a7: {  	[tilespmem:s26], [sflag:$0x1] =	stream.indirect_vreg.gather [hbm4b:s2+s3], $0x80, v4, vm0, $0xb8;
	[tilespmem:$0x18800] =	vst v63  }
0x3a8: {  	s26 =	simm.s32 $0x6000  }
0x3a9: {  	[tilespmem:s26], [sflag:$0x1] =	stream.indirect_vreg.gather [hbm4b:s2+s3], $0x80, v3, vm0, $0xb8;
	[tilespmem:$0x18800] =	vst v63  }
0x3aa: {  	v3 =	vld [tilespmem:$0x460];
	_ =	sdelay $0x4  }
0x3ab: {  	v62 =	vshll.u32 v3, $0x1  }
0x3ac: {  	v3 =	vand.u32 $0x7, v3;
	v4 =	vand.u32 $0xFFFFFFF0, v62  }
0x3ad: {  	v3 =	vor.u32 v3, v4  }
0x3ae: {  	v4 =	vperm.xlane v3, v0;
	_ =	sdelay $0x1  }
0x3af: {  	v3 =	vperm.xlane v3, v2;
	v4 =	vadd.s32 v1, v4;
	_ =	sdelay $0x1  }
0x3b0: {  	v3 =	vadd.s32 v1, v3;
	_ =	sdelay $0x1  }
0x3b1: {  	s26 =	simm.s32 $0x6800  }
0x3b2: {  	[tilespmem:s26], [sflag:$0x1] =	stream.indirect_vreg.gather [hbm4b:s2+s3], $0x80, v4, vm0, $0xb8;
	[tilespmem:$0x18800] =	vst v63  }
0x3b3: {  	s26 =	simm.s32 $0x7000  }
0x3b4: {  	[tilespmem:s26], [sflag:$0x1] =	stream.indirect_vreg.gather [hbm4b:s2+s3], $0x80, v3, vm0, $0xb8;
	[tilespmem:$0x18800] =	vst v63  }
0x3b5: {  	v3 =	vld [tilespmem:$0x470];
	_ =	sdelay $0x4  }
0x3b6: {  	v63 =	vshll.u32 v3, $0x1  }
0x3b7: {  	v3 =	vand.u32 $0x7, v3;
	v4 =	vand.u32 $0xFFFFFFF0, v63  }
0x3b8: {  	v3 =	vor.u32 v3, v4  }
0x3b9: {  	v4 =	vperm.xlane v3, v0;
	_ =	sdelay $0x1  }
0x3ba: {  	v3 =	vperm.xlane v3, v2;
	v4 =	vadd.s32 v1, v4;
	_ =	sdelay $0x1  }
0x3bb: {  	v3 =	vadd.s32 v1, v3;
	_ =	sdelay $0x1  }
0x3bc: {  	s26 =	simm.s32 $0x7800  }
0x3bd: {  	[tilespmem:s26], [sflag:$0x1] =	stream.indirect_vreg.gather [hbm4b:s2+s3], $0x80, v4, vm0, $0xb8;
	[tilespmem:$0x18800] =	vst v63  }
0x3be: {  	s26 =	simm.s32 $0x8000  }
0x3bf: {  	[tilespmem:s26], [sflag:$0x1] =	stream.indirect_vreg.gather [hbm4b:s2+s3], $0x80, v3, vm0, $0xb8;
	[tilespmem:$0x18800] =	vst v63  }
0x3c0: {  	_ = 	snop  }
0x3c1: {  	[tilespmem:s24], [sflag:$0x1] =	stream.indirect.gather [hbm4b:s4+s13], $0x80, s18, s13, $0xb8;
	[tilespmem:$0x18800] =	vst v63  }
0x3c2: {  	_ =	swait.ge [sflag:s20], $0x8000  }
0x3c3: {  	[sflag:s20] =	ssyncset.done $0x0  }
0x3c4: {  	[sflag:s20] =	ssyncadd.s32 $0xFFFF8000  }
0x3c5: {  	_ =	swait.ge [sflag:s20], $0x4000  }
0x3c6: {  	[sflag:s20] =	ssyncset.done $0x0  }
0x3c7: {  	s22 =	rddreg [dreg:$0x12];
	[sflag:s20] =	ssyncadd.s32 $0xFFFFC000  }
0x3c8: {  	[hbm4b:s22+s7] =	stream.strided.scatter [tilespmem:s25], [sflag:$0x4], $0x8000, s17, s7, $0x38;
	[tilespmem:$0x18800] =	vst v63  }
0x3c9: {  	s26 =	rddreg [dreg:$0x13]  }
0x3ca: {  	[hbm4b:s26+s18] =	stream.strided.scatter [tilespmem:s15], [sflag:$0x4], $0x4000, s17, s18, $0x38;
	[tilespmem:$0x18800] =	vst v63  }
0x3cb: {  	_ =	swait.ge [sflag:s21], $0x8000  }
0x3cc: {  	[sflag:s21] =	ssyncset.done $0x0  }
0x3cd: {  	[sflag:s21] =	ssyncadd.s32 $0xFFFF8000  }
0x3ce: {  	_ =	swait.ge [sflag:s21], $0x4000  }
0x3cf: {  	[sflag:s21] =	ssyncset.done $0x0  }
0x3d0: {  	[sflag:s21] =	ssyncadd.s32 $0xFFFFC000  }
0x3d1: {  	v3 =	vld [tilespmem:$0x480];
	_ =	sdelay $0x4  }
0x3d2: {  	v8 =	vshll.u32 v3, $0x1  }
0x3d3: {  	v3 =	vand.u32 $0x7, v3;
	v4 =	vand.u32 $0xFFFFFFF0, v8  }
0x3d4: {  	v3 =	vor.u32 v3, v4  }
0x3d5: {  	v4 =	vperm.xlane v3, v0;
	_ =	sdelay $0x1  }
0x3d6: {  	v3 =	vperm.xlane v3, v2;
	v4 =	vadd.s32 v1, v4;
	_ =	sdelay $0x1  }
0x3d7: {  	v3 =	vadd.s32 v1, v3;
	_ =	sdelay $0x2  }
0x3d8: {  	[tilespmem:s25], [sflag:$0x2] =	stream.indirect_vreg.gather [hbm4b:s2+s3], $0x80, v4, vm0, $0xb8;
	[tilespmem:$0x18800] =	vst v63  }
0x3d9: {  	s11 =	simm.s32 $0x9000  }
0x3da: {  	[tilespmem:s11], [sflag:$0x2] =	stream.indirect_vreg.gather [hbm4b:s2+s3], $0x80, v3, vm0, $0xb8;
	[tilespmem:$0x18800] =	vst v63  }
0x3db: {  	v3 =	vld [tilespmem:$0x490];
	_ =	sdelay $0x4  }
0x3dc: {  	v9 =	vshll.u32 v3, $0x1  }
0x3dd: {  	v3 =	vand.u32 $0x7, v3;
	v4 =	vand.u32 $0xFFFFFFF0, v9  }
0x3de: {  	v3 =	vor.u32 v3, v4  }
0x3df: {  	v4 =	vperm.xlane v3, v0;
	_ =	sdelay $0x1  }
0x3e0: {  	v3 =	vperm.xlane v3, v2;
	v4 =	vadd.s32 v1, v4;
	_ =	sdelay $0x1  }
0x3e1: {  	v3 =	vadd.s32 v1, v3;
	_ =	sdelay $0x1  }
0x3e2: {  	s0 =	simm.s32 $0x9800  }
0x3e3: {  	[tilespmem:s0], [sflag:$0x2] =	stream.indirect_vreg.gather [hbm4b:s2+s3], $0x80, v4, vm0, $0xb8;
	[tilespmem:$0x18800] =	vst v63  }
0x3e4: {  	s12 =	simm.s32 $0xA000  }
0x3e5: {  	[tilespmem:s12], [sflag:$0x2] =	stream.indirect_vreg.gather [hbm4b:s2+s3], $0x80, v3, vm0, $0xb8;
	[tilespmem:$0x18800] =	vst v63  }
0x3e6: {  	v3 =	vld [tilespmem:$0x4A0];
	_ =	sdelay $0x4  }
0x3e7: {  	v10 =	vshll.u32 v3, $0x1  }
0x3e8: {  	v3 =	vand.u32 $0x7, v3;
	v4 =	vand.u32 $0xFFFFFFF0, v10  }
0x3e9: {  	v3 =	vor.u32 v3, v4  }
0x3ea: {  	v4 =	vperm.xlane v3, v0;
	_ =	sdelay $0x1  }
0x3eb: {  	v3 =	vperm.xlane v3, v2;
	v4 =	vadd.s32 v1, v4;
	_ =	sdelay $0x1  }
0x3ec: {  	v3 =	vadd.s32 v1, v3;
	_ =	sdelay $0x1  }
0x3ed: {  	s1 =	simm.s32 $0xA800  }
0x3ee: {  	[tilespmem:s1], [sflag:$0x2] =	stream.indirect_vreg.gather [hbm4b:s2+s3], $0x80, v4, vm0, $0xb8;
	[tilespmem:$0x18800] =	vst v63  }
0x3ef: {  	s23 =	simm.s32 $0xB000  }
0x3f0: {  	[tilespmem:s23], [sflag:$0x2] =	stream.indirect_vreg.gather [hbm4b:s2+s3], $0x80, v3, vm0, $0xb8;
	[tilespmem:$0x18800] =	vst v63  }
0x3f1: {  	v3 =	vld [tilespmem:$0x4B0];
	_ =	sdelay $0x4  }
0x3f2: {  	v11 =	vshll.u32 v3, $0x1  }
0x3f3: {  	v3 =	vand.u32 $0x7, v3;
	v4 =	vand.u32 $0xFFFFFFF0, v11  }
0x3f4: {  	v3 =	vor.u32 v3, v4  }
0x3f5: {  	v4 =	vperm.xlane v3, v0;
	_ =	sdelay $0x1  }
0x3f6: {  	v3 =	vperm.xlane v3, v2;
	v4 =	vadd.s32 v1, v4;
	_ =	sdelay $0x1  }
0x3f7: {  	v3 =	vadd.s32 v1, v3;
	_ =	sdelay $0x1  }
0x3f8: {  	s14 =	simm.s32 $0xB800  }
0x3f9: {  	[tilespmem:s14], [sflag:$0x2] =	stream.indirect_vreg.gather [hbm4b:s2+s3], $0x80, v4, vm0, $0xb8;
	[tilespmem:$0x18800] =	vst v63  }
0x3fa: {  	s28 =	simm.s32 $0xC000  }
0x3fb: {  	[tilespmem:s28], [sflag:$0x2] =	stream.indirect_vreg.gather [hbm4b:s2+s3], $0x80, v3, vm0, $0xb8;
	[tilespmem:$0x18800] =	vst v63  }
0x3fc: {  	v3 =	vld [tilespmem:$0x4C0];
	_ =	sdelay $0x4  }
0x3fd: {  	v12 =	vshll.u32 v3, $0x1  }
0x3fe: {  	v3 =	vand.u32 $0x7, v3;
	v4 =	vand.u32 $0xFFFFFFF0, v12  }
0x3ff: {  	v3 =	vor.u32 v3, v4  }
0x400: {  	v4 =	vperm.xlane v3, v0;
	_ =	sdelay $0x1  }
0x401: {  	v3 =	vperm.xlane v3, v2;
	v4 =	vadd.s32 v1, v4;
	_ =	sdelay $0x1  }
0x402: {  	v3 =	vadd.s32 v1, v3;
	_ =	sdelay $0x1  }
0x403: {  	s5 =	simm.s32 $0xC800  }
0x404: {  	[tilespmem:s5], [sflag:$0x2] =	stream.indirect_vreg.gather [hbm4b:s2+s3], $0x80, v4, vm0, $0xb8;
	[tilespmem:$0x18800] =	vst v63  }
0x405: {  	s29 =	simm.s32 $0xD000  }
0x406: {  	[tilespmem:s29], [sflag:$0x2] =	stream.indirect_vreg.gather [hbm4b:s2+s3], $0x80, v3, vm0, $0xb8;
	[tilespmem:$0x18800] =	vst v63  }
0x407: {  	v3 =	vld [tilespmem:$0x4D0];
	_ =	sdelay $0x4  }
0x408: {  	v13 =	vshll.u32 v3, $0x1  }
0x409: {  	v3 =	vand.u32 $0x7, v3;
	v4 =	vand.u32 $0xFFFFFFF0, v13  }
0x40a: {  	v3 =	vor.u32 v3, v4  }
0x40b: {  	v4 =	vperm.xlane v3, v0;
	_ =	sdelay $0x1  }
0x40c: {  	v3 =	vperm.xlane v3, v2;
	v4 =	vadd.s32 v1, v4;
	_ =	sdelay $0x1  }
0x40d: {  	v3 =	vadd.s32 v1, v3;
	_ =	sdelay $0x1  }
0x40e: {  	s6 =	simm.s32 $0xD800  }
0x40f: {  	[tilespmem:s6], [sflag:$0x2] =	stream.indirect_vreg.gather [hbm4b:s2+s3], $0x80, v4, vm0, $0xb8;
	[tilespmem:$0x18800] =	vst v63  }
0x410: {  	s30 =	simm.s32 $0xE000  }
0x411: {  	[tilespmem:s30], [sflag:$0x2] =	stream.indirect_vreg.gather [hbm4b:s2+s3], $0x80, v3, vm0, $0xb8;
	[tilespmem:$0x18800] =	vst v63  }
0x412: {  	v3 =	vld [tilespmem:$0x4E0];
	_ =	sdelay $0x4  }
0x413: {  	v14 =	vshll.u32 v3, $0x1  }
0x414: {  	v3 =	vand.u32 $0x7, v3;
	v4 =	vand.u32 $0xFFFFFFF0, v14  }
0x415: {  	v3 =	vor.u32 v3, v4  }
0x416: {  	v4 =	vperm.xlane v3, v0;
	_ =	sdelay $0x1  }
0x417: {  	v3 =	vperm.xlane v3, v2;
	v4 =	vadd.s32 v1, v4;
	_ =	sdelay $0x1  }
0x418: {  	v3 =	vadd.s32 v1, v3;
	_ =	sdelay $0x1  }
0x419: {  	s8 =	simm.s32 $0xE800  }
0x41a: {  	[tilespmem:s8], [sflag:$0x2] =	stream.indirect_vreg.gather [hbm4b:s2+s3], $0x80, v4, vm0, $0xb8;
	[tilespmem:$0x18800] =	vst v63  }
0x41b: {  	s31 =	simm.s32 $0xF000  }
0x41c: {  	[tilespmem:s31], [sflag:$0x2] =	stream.indirect_vreg.gather [hbm4b:s2+s3], $0x80, v3, vm0, $0xb8;
	[tilespmem:$0x18800] =	vst v63  }
0x41d: {  	v3 =	vld [tilespmem:$0x4F0];
	_ =	sdelay $0x4  }
0x41e: {  	v15 =	vshll.u32 v3, $0x1  }
0x41f: {  	v3 =	vand.u32 $0x7, v3;
	v4 =	vand.u32 $0xFFFFFFF0, v15  }
0x420: {  	v3 =	vor.u32 v3, v4  }
0x421: {  	v4 =	vperm.xlane v3, v0;
	_ =	sdelay $0x1  }
0x422: {  	v3 =	vperm.xlane v3, v2;
	v4 =	vadd.s32 v1, v4;
	_ =	sdelay $0x1  }
0x423: {  	v3 =	vadd.s32 v1, v3;
	_ =	sdelay $0x1  }
0x424: {  	s9 =	simm.s32 $0xF800  }
0x425: {  	[tilespmem:s9], [sflag:$0x2] =	stream.indirect_vreg.gather [hbm4b:s2+s3], $0x80, v4, vm0, $0xb8;
	[tilespmem:$0x18800] =	vst v63  }
0x426: {  	s10 =	simm.s32 $0x10000;
	s26 =	sld [smem:$0x7F7]  }
0x427: {  	[tilespmem:s10], [sflag:$0x2] =	stream.indirect_vreg.gather [hbm4b:s2+s3], $0x80, v3, vm0, $0xb8;
	[tilespmem:$0x18800] =	vst v63  }
0x428: {  	_ = 	snop  }
0x429: {  	[tilespmem:s15], [sflag:$0x2] =	stream.indirect.gather [hbm4b:s4+s13], $0x80, s26, s13, $0xb8;
	[tilespmem:$0x18800] =	vst v63  }
0x42a: {  	_ =	swait.ge [sflag:s16], $0x8000  }
0x42b: {  	[sflag:s16] =	ssyncset.done $0x0  }
0x42c: {  	[sflag:s16] =	ssyncadd.s32 $0xFFFF8000  }
0x42d: {  	_ =	swait.ge [sflag:s16], $0x4000  }
0x42e: {  	[sflag:s16] =	ssyncset.done $0x0  }
0x42f: {  	s26 =	rddreg [dreg:$0x14];
	[sflag:s16] =	ssyncadd.s32 $0xFFFFC000  }
0x430: {  	[hbm4b:s26+s7] =	stream.strided.scatter [tilespmem:s7], [sflag:$0x3], $0x8000, s17, s7, $0x38;
	[tilespmem:$0x18800] =	vst v63  }
0x431: {  	s10 =	rddreg [dreg:$0x15]  }
0x432: {  	[hbm4b:s10+s18] =	stream.strided.scatter [tilespmem:s24], [sflag:$0x3], $0x4000, s17, s18, $0x38;
	[tilespmem:$0x18800] =	vst v63  }
0x433: {  	_ =	swait.ge [sflag:s19], $0x8000  }
0x434: {  	[sflag:s19] =	ssyncset.done $0x0  }
0x435: {  	[sflag:s19] =	ssyncadd.s32 $0xFFFF8000  }
0x436: {  	_ =	swait.ge [sflag:s19], $0x4000  }
0x437: {  	[sflag:s19] =	ssyncset.done $0x0  }
0x438: {  	[sflag:s19] =	ssyncadd.s32 $0xFFFFC000  }
0x439: {  	v3 =	vld [tilespmem:$0x500];
	_ =	sdelay $0x4  }
0x43a: {  	v16 =	vshll.u32 v3, $0x1  }
0x43b: {  	v3 =	vand.u32 $0x7, v3;
	v4 =	vand.u32 $0xFFFFFFF0, v16  }
0x43c: {  	v3 =	vor.u32 v3, v4  }
0x43d: {  	v4 =	vperm.xlane v3, v0;
	_ =	sdelay $0x1  }
0x43e: {  	v3 =	vperm.xlane v3, v2;
	v4 =	vadd.s32 v1, v4;
	_ =	sdelay $0x1  }
0x43f: {  	v3 =	vadd.s32 v1, v3;
	_ =	sdelay $0x2  }
0x440: {  	[tilespmem:s7], [sflag:$0x1] =	stream.indirect_vreg.gather [hbm4b:s2+s3], $0x80, v4, vm0, $0xb8;
	[tilespmem:$0x18800] =	vst v63  }
0x441: {  	s26 =	simm.s32 $0x1000  }
0x442: {  	[tilespmem:s26], [sflag:$0x1] =	stream.indirect_vreg.gather [hbm4b:s2+s3], $0x80, v3, vm0, $0xb8;
	[tilespmem:$0x18800] =	vst v63  }
0x443: {  	v3 =	vld [tilespmem:$0x510];
	_ =	sdelay $0x4  }
0x444: {  	v17 =	vshll.u32 v3, $0x1  }
0x445: {  	v3 =	vand.u32 $0x7, v3;
	v4 =	vand.u32 $0xFFFFFFF0, v17  }
0x446: {  	v3 =	vor.u32 v3, v4  }
0x447: {  	v4 =	vperm.xlane v3, v0;
	_ =	sdelay $0x1  }
0x448: {  	v3 =	vperm.xlane v3, v2;
	v4 =	vadd.s32 v1, v4;
	_ =	sdelay $0x1  }
0x449: {  	v3 =	vadd.s32 v1, v3;
	_ =	sdelay $0x1  }
0x44a: {  	s22 =	simm.s32 $0x1800  }
0x44b: {  	[tilespmem:s22], [sflag:$0x1] =	stream.indirect_vreg.gather [hbm4b:s2+s3], $0x80, v4, vm0, $0xb8;
	[tilespmem:$0x18800] =	vst v63  }
0x44c: {  	s26 =	simm.s32 $0x2000  }
0x44d: {  	[tilespmem:s26], [sflag:$0x1] =	stream.indirect_vreg.gather [hbm4b:s2+s3], $0x80, v3, vm0, $0xb8;
	[tilespmem:$0x18800] =	vst v63  }
0x44e: {  	v3 =	vld [tilespmem:$0x520];
	_ =	sdelay $0x4  }
0x44f: {  	v18 =	vshll.u32 v3, $0x1  }
0x450: {  	v3 =	vand.u32 $0x7, v3;
	v4 =	vand.u32 $0xFFFFFFF0, v18  }
0x451: {  	v3 =	vor.u32 v3, v4  }
0x452: {  	v4 =	vperm.xlane v3, v0;
	_ =	sdelay $0x1  }
0x453: {  	v3 =	vperm.xlane v3, v2;
	v4 =	vadd.s32 v1, v4;
	_ =	sdelay $0x1  }
0x454: {  	v3 =	vadd.s32 v1, v3;
	_ =	sdelay $0x1  }
0x455: {  	s22 =	simm.s32 $0x2800  }
0x456: {  	[tilespmem:s22], [sflag:$0x1] =	stream.indirect_vreg.gather [hbm4b:s2+s3], $0x80, v4, vm0, $0xb8;
	[tilespmem:$0x18800] =	vst v63  }
0x457: {  	s26 =	simm.s32 $0x3000  }
0x458: {  	[tilespmem:s26], [sflag:$0x1] =	stream.indirect_vreg.gather [hbm4b:s2+s3], $0x80, v3, vm0, $0xb8;
	[tilespmem:$0x18800] =	vst v63  }
0x459: {  	v3 =	vld [tilespmem:$0x530];
	_ =	sdelay $0x4  }
0x45a: {  	v19 =	vshll.u32 v3, $0x1  }
0x45b: {  	v3 =	vand.u32 $0x7, v3;
	v4 =	vand.u32 $0xFFFFFFF0, v19  }
0x45c: {  	v3 =	vor.u32 v3, v4  }
0x45d: {  	v4 =	vperm.xlane v3, v0;
	_ =	sdelay $0x1  }
0x45e: {  	v3 =	vperm.xlane v3, v2;
	v4 =	vadd.s32 v1, v4;
	_ =	sdelay $0x1  }
0x45f: {  	v3 =	vadd.s32 v1, v3;
	_ =	sdelay $0x1  }
0x460: {  	s22 =	simm.s32 $0x3800  }
0x461: {  	[tilespmem:s22], [sflag:$0x1] =	stream.indirect_vreg.gather [hbm4b:s2+s3], $0x80, v4, vm0, $0xb8;
	[tilespmem:$0x18800] =	vst v63  }
0x462: {  	s26 =	simm.s32 $0x4000  }
0x463: {  	[tilespmem:s26], [sflag:$0x1] =	stream.indirect_vreg.gather [hbm4b:s2+s3], $0x80, v3, vm0, $0xb8;
	[tilespmem:$0x18800] =	vst v63  }
0x464: {  	v3 =	vld [tilespmem:$0x540];
	_ =	sdelay $0x4  }
0x465: {  	v20 =	vshll.u32 v3, $0x1  }
0x466: {  	v3 =	vand.u32 $0x7, v3;
	v4 =	vand.u32 $0xFFFFFFF0, v20  }
0x467: {  	v3 =	vor.u32 v3, v4  }
0x468: {  	v4 =	vperm.xlane v3, v0;
	_ =	sdelay $0x1  }
0x469: {  	v3 =	vperm.xlane v3, v2;
	v4 =	vadd.s32 v1, v4;
	_ =	sdelay $0x1  }
0x46a: {  	v3 =	vadd.s32 v1, v3;
	_ =	sdelay $0x1  }
0x46b: {  	s22 =	simm.s32 $0x4800  }
0x46c: {  	[tilespmem:s22], [sflag:$0x1] =	stream.indirect_vreg.gather [hbm4b:s2+s3], $0x80, v4, vm0, $0xb8;
	[tilespmem:$0x18800] =	vst v63  }
0x46d: {  	s26 =	simm.s32 $0x5000  }
0x46e: {  	[tilespmem:s26], [sflag:$0x1] =	stream.indirect_vreg.gather [hbm4b:s2+s3], $0x80, v3, vm0, $0xb8;
	[tilespmem:$0x18800] =	vst v63  }
0x46f: {  	v3 =	vld [tilespmem:$0x550];
	_ =	sdelay $0x4  }
0x470: {  	v21 =	vshll.u32 v3, $0x1  }
0x471: {  	v3 =	vand.u32 $0x7, v3;
	v4 =	vand.u32 $0xFFFFFFF0, v21  }
0x472: {  	v3 =	vor.u32 v3, v4  }
0x473: {  	v4 =	vperm.xlane v3, v0;
	_ =	sdelay $0x1  }
0x474: {  	v3 =	vperm.xlane v3, v2;
	v4 =	vadd.s32 v1, v4;
	_ =	sdelay $0x1  }
0x475: {  	v3 =	vadd.s32 v1, v3;
	_ =	sdelay $0x1  }
0x476: {  	s22 =	simm.s32 $0x5800  }
0x477: {  	[tilespmem:s22], [sflag:$0x1] =	stream.indirect_vreg.gather [hbm4b:s2+s3], $0x80, v4, vm0, $0xb8;
	[tilespmem:$0x18800] =	vst v63  }
0x478: {  	s26 =	simm.s32 $0x6000  }
0x479: {  	[tilespmem:s26], [sflag:$0x1] =	stream.indirect_vreg.gather [hbm4b:s2+s3], $0x80, v3, vm0, $0xb8;
	[tilespmem:$0x18800] =	vst v63  }
0x47a: {  	v3 =	vld [tilespmem:$0x560];
	_ =	sdelay $0x4  }
0x47b: {  	v22 =	vshll.u32 v3, $0x1  }
0x47c: {  	v3 =	vand.u32 $0x7, v3;
	v4 =	vand.u32 $0xFFFFFFF0, v22  }
0x47d: {  	v3 =	vor.u32 v3, v4  }
0x47e: {  	v4 =	vperm.xlane v3, v0;
	_ =	sdelay $0x1  }
0x47f: {  	v3 =	vperm.xlane v3, v2;
	v4 =	vadd.s32 v1, v4;
	_ =	sdelay $0x1  }
0x480: {  	v3 =	vadd.s32 v1, v3;
	_ =	sdelay $0x1  }
0x481: {  	s22 =	simm.s32 $0x6800  }
0x482: {  	[tilespmem:s22], [sflag:$0x1] =	stream.indirect_vreg.gather [hbm4b:s2+s3], $0x80, v4, vm0, $0xb8;
	[tilespmem:$0x18800] =	vst v63  }
0x483: {  	s26 =	simm.s32 $0x7000  }
0x484: {  	[tilespmem:s26], [sflag:$0x1] =	stream.indirect_vreg.gather [hbm4b:s2+s3], $0x80, v3, vm0, $0xb8;
	[tilespmem:$0x18800] =	vst v63  }
0x485: {  	v3 =	vld [tilespmem:$0x570];
	_ =	sdelay $0x4  }
0x486: {  	v23 =	vshll.u32 v3, $0x1  }
0x487: {  	v3 =	vand.u32 $0x7, v3;
	v4 =	vand.u32 $0xFFFFFFF0, v23  }
0x488: {  	v3 =	vor.u32 v3, v4  }
0x489: {  	v4 =	vperm.xlane v3, v0;
	_ =	sdelay $0x1  }
0x48a: {  	v3 =	vperm.xlane v3, v2;
	v4 =	vadd.s32 v1, v4;
	_ =	sdelay $0x1  }
0x48b: {  	v3 =	vadd.s32 v1, v3;
	_ =	sdelay $0x1  }
0x48c: {  	s22 =	simm.s32 $0x7800  }
0x48d: {  	[tilespmem:s22], [sflag:$0x1] =	stream.indirect_vreg.gather [hbm4b:s2+s3], $0x80, v4, vm0, $0xb8;
	[tilespmem:$0x18800] =	vst v63  }
0x48e: {  	s26 =	simm.s32 $0x8000;
	s22 =	sld [smem:$0x7F8]  }
0x48f: {  	[tilespmem:s26], [sflag:$0x1] =	stream.indirect_vreg.gather [hbm4b:s2+s3], $0x80, v3, vm0, $0xb8;
	[tilespmem:$0x18800] =	vst v63  }
0x490: {  	_ = 	snop  }
0x491: {  	[tilespmem:s24], [sflag:$0x1] =	stream.indirect.gather [hbm4b:s4+s13], $0x80, s22, s13, $0xb8;
	[tilespmem:$0x18800] =	vst v63  }
0x492: {  	_ =	swait.ge [sflag:s20], $0x8000  }
0x493: {  	[sflag:s20] =	ssyncset.done $0x0  }
0x494: {  	[sflag:s20] =	ssyncadd.s32 $0xFFFF8000  }
0x495: {  	_ =	swait.ge [sflag:s20], $0x4000  }
0x496: {  	[sflag:s20] =	ssyncset.done $0x0  }
0x497: {  	s26 =	rddreg [dreg:$0x16];
	[sflag:s20] =	ssyncadd.s32 $0xFFFFC000  }
0x498: {  	[hbm4b:s26+s7] =	stream.strided.scatter [tilespmem:s25], [sflag:$0x4], $0x8000, s17, s7, $0x38;
	[tilespmem:$0x18800] =	vst v63  }
0x499: {  	s10 =	rddreg [dreg:$0x17]  }
0x49a: {  	[hbm4b:s10+s18] =	stream.strided.scatter [tilespmem:s15], [sflag:$0x4], $0x4000, s17, s18, $0x38;
	[tilespmem:$0x18800] =	vst v63  }
0x49b: {  	_ =	swait.ge [sflag:s21], $0x8000  }
0x49c: {  	[sflag:s21] =	ssyncset.done $0x0  }
0x49d: {  	[sflag:s21] =	ssyncadd.s32 $0xFFFF8000  }
0x49e: {  	_ =	swait.ge [sflag:s21], $0x4000  }
0x49f: {  	[sflag:s21] =	ssyncset.done $0x0  }
0x4a0: {  	[sflag:s21] =	ssyncadd.s32 $0xFFFFC000  }
0x4a1: {  	v3 =	vld [tilespmem:$0x580];
	_ =	sdelay $0x4  }
0x4a2: {  	v24 =	vshll.u32 v3, $0x1  }
0x4a3: {  	v3 =	vand.u32 $0x7, v3;
	v4 =	vand.u32 $0xFFFFFFF0, v24  }
0x4a4: {  	v3 =	vor.u32 v3, v4  }
0x4a5: {  	v4 =	vperm.xlane v3, v0;
	_ =	sdelay $0x1  }
0x4a6: {  	v3 =	vperm.xlane v3, v2;
	v4 =	vadd.s32 v1, v4;
	_ =	sdelay $0x1  }
0x4a7: {  	v3 =	vadd.s32 v1, v3;
	_ =	sdelay $0x2  }
0x4a8: {  	[tilespmem:s25], [sflag:$0x2] =	stream.indirect_vreg.gather [hbm4b:s2+s3], $0x80, v4, vm0, $0xb8;
	[tilespmem:$0x18800] =	vst v63  }
0x4a9: {  	s26 =	simm.s32 $0x9000  }
0x4aa: {  	[tilespmem:s26], [sflag:$0x2] =	stream.indirect_vreg.gather [hbm4b:s2+s3], $0x80, v3, vm0, $0xb8;
	[tilespmem:$0x18800] =	vst v63  }
0x4ab: {  	v3 =	vld [tilespmem:$0x590];
	_ =	sdelay $0x4  }
0x4ac: {  	v25 =	vshll.u32 v3, $0x1  }
0x4ad: {  	v3 =	vand.u32 $0x7, v3;
	v4 =	vand.u32 $0xFFFFFFF0, v25  }
0x4ae: {  	v3 =	vor.u32 v3, v4  }
0x4af: {  	v4 =	vperm.xlane v3, v0;
	_ =	sdelay $0x1  }
0x4b0: {  	v3 =	vperm.xlane v3, v2;
	v4 =	vadd.s32 v1, v4;
	_ =	sdelay $0x1  }
0x4b1: {  	v3 =	vadd.s32 v1, v3;
	_ =	sdelay $0x1  }
0x4b2: {  	s0 =	simm.s32 $0x9800  }
0x4b3: {  	[tilespmem:s0], [sflag:$0x2] =	stream.indirect_vreg.gather [hbm4b:s2+s3], $0x80, v4, vm0, $0xb8;
	[tilespmem:$0x18800] =	vst v63  }
0x4b4: {  	s12 =	simm.s32 $0xA000  }
0x4b5: {  	[tilespmem:s12], [sflag:$0x2] =	stream.indirect_vreg.gather [hbm4b:s2+s3], $0x80, v3, vm0, $0xb8;
	[tilespmem:$0x18800] =	vst v63  }
0x4b6: {  	v3 =	vld [tilespmem:$0x5A0];
	_ =	sdelay $0x4  }
0x4b7: {  	v26 =	vshll.u32 v3, $0x1  }
0x4b8: {  	v3 =	vand.u32 $0x7, v3;
	v4 =	vand.u32 $0xFFFFFFF0, v26  }
0x4b9: {  	v3 =	vor.u32 v3, v4  }
0x4ba: {  	v4 =	vperm.xlane v3, v0;
	_ =	sdelay $0x1  }
0x4bb: {  	v3 =	vperm.xlane v3, v2;
	v4 =	vadd.s32 v1, v4;
	_ =	sdelay $0x1  }
0x4bc: {  	v3 =	vadd.s32 v1, v3;
	_ =	sdelay $0x1  }
0x4bd: {  	s1 =	simm.s32 $0xA800  }
0x4be: {  	[tilespmem:s1], [sflag:$0x2] =	stream.indirect_vreg.gather [hbm4b:s2+s3], $0x80, v4, vm0, $0xb8;
	[tilespmem:$0x18800] =	vst v63  }
0x4bf: {  	s23 =	simm.s32 $0xB000  }
0x4c0: {  	[tilespmem:s23], [sflag:$0x2] =	stream.indirect_vreg.gather [hbm4b:s2+s3], $0x80, v3, vm0, $0xb8;
	[tilespmem:$0x18800] =	vst v63  }
0x4c1: {  	v3 =	vld [tilespmem:$0x5B0];
	_ =	sdelay $0x4  }
0x4c2: {  	v27 =	vshll.u32 v3, $0x1  }
0x4c3: {  	v3 =	vand.u32 $0x7, v3;
	v4 =	vand.u32 $0xFFFFFFF0, v27  }
0x4c4: {  	v3 =	vor.u32 v3, v4  }
0x4c5: {  	v4 =	vperm.xlane v3, v0;
	_ =	sdelay $0x1  }
0x4c6: {  	v3 =	vperm.xlane v3, v2;
	v4 =	vadd.s32 v1, v4;
	_ =	sdelay $0x1  }
0x4c7: {  	v3 =	vadd.s32 v1, v3;
	_ =	sdelay $0x1  }
0x4c8: {  	s11 =	simm.s32 $0xB800  }
0x4c9: {  	[tilespmem:s11], [sflag:$0x2] =	stream.indirect_vreg.gather [hbm4b:s2+s3], $0x80, v4, vm0, $0xb8;
	[tilespmem:$0x18800] =	vst v63  }
0x4ca: {  	s14 =	simm.s32 $0xC000  }
0x4cb: {  	[tilespmem:s14], [sflag:$0x2] =	stream.indirect_vreg.gather [hbm4b:s2+s3], $0x80, v3, vm0, $0xb8;
	[tilespmem:$0x18800] =	vst v63  }
0x4cc: {  	v3 =	vld [tilespmem:$0x5C0];
	_ =	sdelay $0x4  }
0x4cd: {  	v28 =	vshll.u32 v3, $0x1  }
0x4ce: {  	v3 =	vand.u32 $0x7, v3;
	v4 =	vand.u32 $0xFFFFFFF0, v28  }
0x4cf: {  	v3 =	vor.u32 v3, v4  }
0x4d0: {  	v4 =	vperm.xlane v3, v0;
	_ =	sdelay $0x1  }
0x4d1: {  	v3 =	vperm.xlane v3, v2;
	v4 =	vadd.s32 v1, v4;
	_ =	sdelay $0x1  }
0x4d2: {  	v3 =	vadd.s32 v1, v3;
	_ =	sdelay $0x1  }
0x4d3: {  	s28 =	simm.s32 $0xC800  }
0x4d4: {  	[tilespmem:s28], [sflag:$0x2] =	stream.indirect_vreg.gather [hbm4b:s2+s3], $0x80, v4, vm0, $0xb8;
	[tilespmem:$0x18800] =	vst v63  }
0x4d5: {  	s29 =	simm.s32 $0xD000  }
0x4d6: {  	[tilespmem:s29], [sflag:$0x2] =	stream.indirect_vreg.gather [hbm4b:s2+s3], $0x80, v3, vm0, $0xb8;
	[tilespmem:$0x18800] =	vst v63  }
0x4d7: {  	v3 =	vld [tilespmem:$0x5D0];
	_ =	sdelay $0x4  }
0x4d8: {  	v29 =	vshll.u32 v3, $0x1  }
0x4d9: {  	v3 =	vand.u32 $0x7, v3;
	v4 =	vand.u32 $0xFFFFFFF0, v29  }
0x4da: {  	v3 =	vor.u32 v3, v4  }
0x4db: {  	v4 =	vperm.xlane v3, v0;
	_ =	sdelay $0x1  }
0x4dc: {  	v3 =	vperm.xlane v3, v2;
	v4 =	vadd.s32 v1, v4;
	_ =	sdelay $0x1  }
0x4dd: {  	v3 =	vadd.s32 v1, v3;
	_ =	sdelay $0x1  }
0x4de: {  	s5 =	simm.s32 $0xD800  }
0x4df: {  	[tilespmem:s5], [sflag:$0x2] =	stream.indirect_vreg.gather [hbm4b:s2+s3], $0x80, v4, vm0, $0xb8;
	[tilespmem:$0x18800] =	vst v63  }
0x4e0: {  	s30 =	simm.s32 $0xE000  }
0x4e1: {  	[tilespmem:s30], [sflag:$0x2] =	stream.indirect_vreg.gather [hbm4b:s2+s3], $0x80, v3, vm0, $0xb8;
	[tilespmem:$0x18800] =	vst v63  }
0x4e2: {  	v3 =	vld [tilespmem:$0x5E0];
	_ =	sdelay $0x4  }
0x4e3: {  	v30 =	vshll.u32 v3, $0x1  }
0x4e4: {  	v3 =	vand.u32 $0x7, v3;
	v4 =	vand.u32 $0xFFFFFFF0, v30  }
0x4e5: {  	v3 =	vor.u32 v3, v4  }
0x4e6: {  	v4 =	vperm.xlane v3, v0;
	_ =	sdelay $0x1  }
0x4e7: {  	v3 =	vperm.xlane v3, v2;
	v4 =	vadd.s32 v1, v4;
	_ =	sdelay $0x1  }
0x4e8: {  	v3 =	vadd.s32 v1, v3;
	_ =	sdelay $0x1  }
0x4e9: {  	s6 =	simm.s32 $0xE800  }
0x4ea: {  	[tilespmem:s6], [sflag:$0x2] =	stream.indirect_vreg.gather [hbm4b:s2+s3], $0x80, v4, vm0, $0xb8;
	[tilespmem:$0x18800] =	vst v63  }
0x4eb: {  	s31 =	simm.s32 $0xF000  }
0x4ec: {  	[tilespmem:s31], [sflag:$0x2] =	stream.indirect_vreg.gather [hbm4b:s2+s3], $0x80, v3, vm0, $0xb8;
	[tilespmem:$0x18800] =	vst v63  }
0x4ed: {  	v3 =	vld [tilespmem:$0x5F0];
	_ =	sdelay $0x4  }
0x4ee: {  	v31 =	vshll.u32 v3, $0x1  }
0x4ef: {  	v3 =	vand.u32 $0x7, v3;
	v4 =	vand.u32 $0xFFFFFFF0, v31  }
0x4f0: {  	v3 =	vor.u32 v3, v4  }
0x4f1: {  	v4 =	vperm.xlane v3, v0;
	_ =	sdelay $0x1  }
0x4f2: {  	v3 =	vperm.xlane v3, v2;
	v4 =	vadd.s32 v1, v4;
	_ =	sdelay $0x1  }
0x4f3: {  	v3 =	vadd.s32 v1, v3;
	_ =	sdelay $0x1  }
0x4f4: {  	s8 =	simm.s32 $0xF800  }
0x4f5: {  	[tilespmem:s8], [sflag:$0x2] =	stream.indirect_vreg.gather [hbm4b:s2+s3], $0x80, v4, vm0, $0xb8;
	[tilespmem:$0x18800] =	vst v63  }
0x4f6: {  	s9 =	simm.s32 $0x10000;
	s8 =	sld [smem:$0x7F9]  }
0x4f7: {  	[tilespmem:s9], [sflag:$0x2] =	stream.indirect_vreg.gather [hbm4b:s2+s3], $0x80, v3, vm0, $0xb8;
	[tilespmem:$0x18800] =	vst v63  }
0x4f8: {  	_ = 	snop  }
0x4f9: {  	[tilespmem:s15], [sflag:$0x2] =	stream.indirect.gather [hbm4b:s4+s13], $0x80, s8, s13, $0xb8;
	[tilespmem:$0x18800] =	vst v63  }
0x4fa: {  	_ =	swait.ge [sflag:s16], $0x8000  }
0x4fb: {  	[sflag:s16] =	ssyncset.done $0x0  }
0x4fc: {  	[sflag:s16] =	ssyncadd.s32 $0xFFFF8000  }
0x4fd: {  	_ =	swait.ge [sflag:s16], $0x4000  }
0x4fe: {  	[sflag:s16] =	ssyncset.done $0x0  }
0x4ff: {  	s9 =	rddreg [dreg:$0x18];
	[sflag:s16] =	ssyncadd.s32 $0xFFFFC000  }
0x500: {  	[hbm4b:s9+s7] =	stream.strided.scatter [tilespmem:s7], [sflag:$0x3], $0x8000, s17, s7, $0x38;
	[tilespmem:$0x18800] =	vst v63  }
0x501: {  	s14 =	rddreg [dreg:$0x19]  }
0x502: {  	[hbm4b:s14+s18] =	stream.strided.scatter [tilespmem:s24], [sflag:$0x3], $0x4000, s17, s18, $0x38;
	[tilespmem:$0x18800] =	vst v63  }
0x503: {  	_ =	swait.ge [sflag:s19], $0x8000  }
0x504: {  	[sflag:s19] =	ssyncset.done $0x0  }
0x505: {  	[sflag:s19] =	ssyncadd.s32 $0xFFFF8000  }
0x506: {  	_ =	swait.ge [sflag:s19], $0x4000  }
0x507: {  	[sflag:s19] =	ssyncset.done $0x0  }
0x508: {  	[sflag:s19] =	ssyncadd.s32 $0xFFFFC000  }
0x509: {  	v3 =	vld [tilespmem:$0x600];
	_ =	sdelay $0x4  }
0x50a: {  	v32 =	vshll.u32 v3, $0x1  }
0x50b: {  	v3 =	vand.u32 $0x7, v3;
	v4 =	vand.u32 $0xFFFFFFF0, v32  }
0x50c: {  	v3 =	vor.u32 v3, v4  }
0x50d: {  	v4 =	vperm.xlane v3, v0;
	_ =	sdelay $0x1  }
0x50e: {  	v3 =	vperm.xlane v3, v2;
	v4 =	vadd.s32 v1, v4;
	_ =	sdelay $0x1  }
0x50f: {  	v3 =	vadd.s32 v1, v3;
	_ =	sdelay $0x2  }
0x510: {  	[tilespmem:s7], [sflag:$0x1] =	stream.indirect_vreg.gather [hbm4b:s2+s3], $0x80, v4, vm0, $0xb8;
	[tilespmem:$0x18800] =	vst v63  }
0x511: {  	s28 =	simm.s32 $0x1000  }
0x512: {  	[tilespmem:s28], [sflag:$0x1] =	stream.indirect_vreg.gather [hbm4b:s2+s3], $0x80, v3, vm0, $0xb8;
	[tilespmem:$0x18800] =	vst v63  }
0x513: {  	v3 =	vld [tilespmem:$0x610];
	_ =	sdelay $0x4  }
0x514: {  	v33 =	vshll.u32 v3, $0x1  }
0x515: {  	v3 =	vand.u32 $0x7, v3;
	v4 =	vand.u32 $0xFFFFFFF0, v33  }
0x516: {  	v3 =	vor.u32 v3, v4  }
0x517: {  	v4 =	vperm.xlane v3, v0;
	_ =	sdelay $0x1  }
0x518: {  	v3 =	vperm.xlane v3, v2;
	v4 =	vadd.s32 v1, v4;
	_ =	sdelay $0x1  }
0x519: {  	v3 =	vadd.s32 v1, v3;
	_ =	sdelay $0x1  }
0x51a: {  	s9 =	simm.s32 $0x1800  }
0x51b: {  	[tilespmem:s9], [sflag:$0x1] =	stream.indirect_vreg.gather [hbm4b:s2+s3], $0x80, v4, vm0, $0xb8;
	[tilespmem:$0x18800] =	vst v63  }
0x51c: {  	s14 =	simm.s32 $0x2000  }
0x51d: {  	[tilespmem:s14], [sflag:$0x1] =	stream.indirect_vreg.gather [hbm4b:s2+s3], $0x80, v3, vm0, $0xb8;
	[tilespmem:$0x18800] =	vst v63  }
0x51e: {  	v3 =	vld [tilespmem:$0x620];
	_ =	sdelay $0x4  }
0x51f: {  	v34 =	vshll.u32 v3, $0x1  }
0x520: {  	v3 =	vand.u32 $0x7, v3;
	v4 =	vand.u32 $0xFFFFFFF0, v34  }
0x521: {  	v3 =	vor.u32 v3, v4  }
0x522: {  	v4 =	vperm.xlane v3, v0;
	_ =	sdelay $0x1  }
0x523: {  	v3 =	vperm.xlane v3, v2;
	v4 =	vadd.s32 v1, v4;
	_ =	sdelay $0x1  }
0x524: {  	v3 =	vadd.s32 v1, v3;
	_ =	sdelay $0x1  }
0x525: {  	s22 =	simm.s32 $0x2800  }
0x526: {  	[tilespmem:s22], [sflag:$0x1] =	stream.indirect_vreg.gather [hbm4b:s2+s3], $0x80, v4, vm0, $0xb8;
	[tilespmem:$0x18800] =	vst v63  }
0x527: {  	s26 =	simm.s32 $0x3000  }
0x528: {  	[tilespmem:s26], [sflag:$0x1] =	stream.indirect_vreg.gather [hbm4b:s2+s3], $0x80, v3, vm0, $0xb8;
	[tilespmem:$0x18800] =	vst v63  }
0x529: {  	v3 =	vld [tilespmem:$0x630];
	_ =	sdelay $0x4  }
0x52a: {  	v35 =	vshll.u32 v3, $0x1  }
0x52b: {  	v3 =	vand.u32 $0x7, v3;
	v4 =	vand.u32 $0xFFFFFFF0, v35  }
0x52c: {  	v3 =	vor.u32 v3, v4  }
0x52d: {  	v4 =	vperm.xlane v3, v0;
	_ =	sdelay $0x1  }
0x52e: {  	v3 =	vperm.xlane v3, v2;
	v4 =	vadd.s32 v1, v4;
	_ =	sdelay $0x1  }
0x52f: {  	v3 =	vadd.s32 v1, v3;
	_ =	sdelay $0x1  }
0x530: {  	s28 =	simm.s32 $0x3800  }
0x531: {  	[tilespmem:s28], [sflag:$0x1] =	stream.indirect_vreg.gather [hbm4b:s2+s3], $0x80, v4, vm0, $0xb8;
	[tilespmem:$0x18800] =	vst v63  }
0x532: {  	s9 =	simm.s32 $0x4000  }
0x533: {  	[tilespmem:s9], [sflag:$0x1] =	stream.indirect_vreg.gather [hbm4b:s2+s3], $0x80, v3, vm0, $0xb8;
	[tilespmem:$0x18800] =	vst v63  }
0x534: {  	v3 =	vld [tilespmem:$0x640];
	_ =	sdelay $0x4  }
0x535: {  	v36 =	vshll.u32 v3, $0x1  }
0x536: {  	v3 =	vand.u32 $0x7, v3;
	v4 =	vand.u32 $0xFFFFFFF0, v36  }
0x537: {  	v3 =	vor.u32 v3, v4  }
0x538: {  	v4 =	vperm.xlane v3, v0;
	_ =	sdelay $0x1  }
0x539: {  	v3 =	vperm.xlane v3, v2;
	v4 =	vadd.s32 v1, v4;
	_ =	sdelay $0x1  }
0x53a: {  	v3 =	vadd.s32 v1, v3;
	_ =	sdelay $0x1  }
0x53b: {  	s14 =	simm.s32 $0x4800  }
0x53c: {  	[tilespmem:s14], [sflag:$0x1] =	stream.indirect_vreg.gather [hbm4b:s2+s3], $0x80, v4, vm0, $0xb8;
	[tilespmem:$0x18800] =	vst v63  }
0x53d: {  	s22 =	simm.s32 $0x5000  }
0x53e: {  	[tilespmem:s22], [sflag:$0x1] =	stream.indirect_vreg.gather [hbm4b:s2+s3], $0x80, v3, vm0, $0xb8;
	[tilespmem:$0x18800] =	vst v63  }
0x53f: {  	v3 =	vld [tilespmem:$0x650];
	_ =	sdelay $0x4  }
0x540: {  	v37 =	vshll.u32 v3, $0x1  }
0x541: {  	v3 =	vand.u32 $0x7, v3;
	v4 =	vand.u32 $0xFFFFFFF0, v37  }
0x542: {  	v3 =	vor.u32 v3, v4  }
0x543: {  	v4 =	vperm.xlane v3, v0;
	_ =	sdelay $0x1  }
0x544: {  	v3 =	vperm.xlane v3, v2;
	v4 =	vadd.s32 v1, v4;
	_ =	sdelay $0x1  }
0x545: {  	v3 =	vadd.s32 v1, v3;
	_ =	sdelay $0x1  }
0x546: {  	s26 =	simm.s32 $0x5800  }
0x547: {  	[tilespmem:s26], [sflag:$0x1] =	stream.indirect_vreg.gather [hbm4b:s2+s3], $0x80, v4, vm0, $0xb8;
	[tilespmem:$0x18800] =	vst v63  }
0x548: {  	s28 =	simm.s32 $0x6000  }
0x549: {  	[tilespmem:s28], [sflag:$0x1] =	stream.indirect_vreg.gather [hbm4b:s2+s3], $0x80, v3, vm0, $0xb8;
	[tilespmem:$0x18800] =	vst v63  }
0x54a: {  	v3 =	vld [tilespmem:$0x660];
	_ =	sdelay $0x4  }
0x54b: {  	v38 =	vshll.u32 v3, $0x1  }
0x54c: {  	v3 =	vand.u32 $0x7, v3;
	v4 =	vand.u32 $0xFFFFFFF0, v38  }
0x54d: {  	v3 =	vor.u32 v3, v4  }
0x54e: {  	v4 =	vperm.xlane v3, v0;
	_ =	sdelay $0x1  }
0x54f: {  	v3 =	vperm.xlane v3, v2;
	v4 =	vadd.s32 v1, v4;
	_ =	sdelay $0x1  }
0x550: {  	v3 =	vadd.s32 v1, v3;
	_ =	sdelay $0x1  }
0x551: {  	s9 =	simm.s32 $0x6800  }
0x552: {  	[tilespmem:s9], [sflag:$0x1] =	stream.indirect_vreg.gather [hbm4b:s2+s3], $0x80, v4, vm0, $0xb8;
	[tilespmem:$0x18800] =	vst v63  }
0x553: {  	s14 =	simm.s32 $0x7000  }
0x554: {  	[tilespmem:s14], [sflag:$0x1] =	stream.indirect_vreg.gather [hbm4b:s2+s3], $0x80, v3, vm0, $0xb8;
	[tilespmem:$0x18800] =	vst v63  }
0x555: {  	v3 =	vld [tilespmem:$0x670];
	_ =	sdelay $0x4  }
0x556: {  	v39 =	vshll.u32 v3, $0x1  }
0x557: {  	v3 =	vand.u32 $0x7, v3;
	v4 =	vand.u32 $0xFFFFFFF0, v39  }
0x558: {  	v3 =	vor.u32 v3, v4  }
0x559: {  	v4 =	vperm.xlane v3, v0;
	_ =	sdelay $0x1  }
0x55a: {  	v3 =	vperm.xlane v3, v2;
	v4 =	vadd.s32 v1, v4;
	_ =	sdelay $0x1  }
0x55b: {  	v3 =	vadd.s32 v1, v3;
	_ =	sdelay $0x1  }
0x55c: {  	s22 =	simm.s32 $0x7800  }
0x55d: {  	[tilespmem:s22], [sflag:$0x1] =	stream.indirect_vreg.gather [hbm4b:s2+s3], $0x80, v4, vm0, $0xb8;
	[tilespmem:$0x18800] =	vst v63  }
0x55e: {  	s26 =	sld [smem:$0x7FA];
	s28 =	simm.s32 $0x8000  }
0x55f: {  	[tilespmem:s28], [sflag:$0x1] =	stream.indirect_vreg.gather [hbm4b:s2+s3], $0x80, v3, vm0, $0xb8;
	[tilespmem:$0x18800] =	vst v63  }
0x560: {  	_ = 	snop  }
0x561: {  	[tilespmem:s24], [sflag:$0x1] =	stream.indirect.gather [hbm4b:s4+s13], $0x80, s26, s13, $0xb8;
	[tilespmem:$0x18800] =	vst v63  }
0x562: {  	_ =	swait.ge [sflag:s20], $0x8000  }
0x563: {  	[sflag:s20] =	ssyncset.done $0x0  }
0x564: {  	[sflag:s20] =	ssyncadd.s32 $0xFFFF8000  }
0x565: {  	_ =	swait.ge [sflag:s20], $0x4000  }
0x566: {  	[sflag:s20] =	ssyncset.done $0x0  }
0x567: {  	s8 =	rddreg [dreg:$0x1a];
	[sflag:s20] =	ssyncadd.s32 $0xFFFFC000  }
0x568: {  	[hbm4b:s8+s7] =	stream.strided.scatter [tilespmem:s25], [sflag:$0x4], $0x8000, s17, s7, $0x38;
	[tilespmem:$0x18800] =	vst v63  }
0x569: {  	s9 =	rddreg [dreg:$0x1b]  }
0x56a: {  	[hbm4b:s9+s18] =	stream.strided.scatter [tilespmem:s15], [sflag:$0x4], $0x4000, s17, s18, $0x38;
	[tilespmem:$0x18800] =	vst v63  }
0x56b: {  	_ =	swait.ge [sflag:s21], $0x8000  }
0x56c: {  	[sflag:s21] =	ssyncset.done $0x0  }
0x56d: {  	[sflag:s21] =	ssyncadd.s32 $0xFFFF8000  }
0x56e: {  	_ =	swait.ge [sflag:s21], $0x4000  }
0x56f: {  	[sflag:s21] =	ssyncset.done $0x0  }
0x570: {  	[sflag:s21] =	ssyncadd.s32 $0xFFFFC000  }
0x571: {  	v3 =	vld [tilespmem:$0x680];
	_ =	sdelay $0x4  }
0x572: {  	v40 =	vshll.u32 v3, $0x1  }
0x573: {  	v3 =	vand.u32 $0x7, v3;
	v4 =	vand.u32 $0xFFFFFFF0, v40  }
0x574: {  	v3 =	vor.u32 v3, v4  }
0x575: {  	v4 =	vperm.xlane v3, v0;
	_ =	sdelay $0x1  }
0x576: {  	v3 =	vperm.xlane v3, v2;
	v4 =	vadd.s32 v1, v4;
	_ =	sdelay $0x1  }
0x577: {  	v3 =	vadd.s32 v1, v3;
	_ =	sdelay $0x2  }
0x578: {  	[tilespmem:s25], [sflag:$0x2] =	stream.indirect_vreg.gather [hbm4b:s2+s3], $0x80, v4, vm0, $0xb8;
	[tilespmem:$0x18800] =	vst v63  }
0x579: {  	s10 =	simm.s32 $0x9000  }
0x57a: {  	[tilespmem:s10], [sflag:$0x2] =	stream.indirect_vreg.gather [hbm4b:s2+s3], $0x80, v3, vm0, $0xb8;
	[tilespmem:$0x18800] =	vst v63  }
0x57b: {  	v3 =	vld [tilespmem:$0x690];
	_ =	sdelay $0x4  }
0x57c: {  	v41 =	vshll.u32 v3, $0x1  }
0x57d: {  	v3 =	vand.u32 $0x7, v3;
	v4 =	vand.u32 $0xFFFFFFF0, v41  }
0x57e: {  	v3 =	vor.u32 v3, v4  }
0x57f: {  	v4 =	vperm.xlane v3, v0;
	_ =	sdelay $0x1  }
0x580: {  	v3 =	vperm.xlane v3, v2;
	v4 =	vadd.s32 v1, v4;
	_ =	sdelay $0x1  }
0x581: {  	v3 =	vadd.s32 v1, v3;
	_ =	sdelay $0x1  }
0x582: {  	s0 =	simm.s32 $0x9800  }
0x583: {  	[tilespmem:s0], [sflag:$0x2] =	stream.indirect_vreg.gather [hbm4b:s2+s3], $0x80, v4, vm0, $0xb8;
	[tilespmem:$0x18800] =	vst v63  }
0x584: {  	s14 =	simm.s32 $0xA000  }
0x585: {  	[tilespmem:s14], [sflag:$0x2] =	stream.indirect_vreg.gather [hbm4b:s2+s3], $0x80, v3, vm0, $0xb8;
	[tilespmem:$0x18800] =	vst v63  }
0x586: {  	v3 =	vld [tilespmem:$0x6A0];
	_ =	sdelay $0x4  }
0x587: {  	v42 =	vshll.u32 v3, $0x1  }
0x588: {  	v3 =	vand.u32 $0x7, v3;
	v4 =	vand.u32 $0xFFFFFFF0, v42  }
0x589: {  	v3 =	vor.u32 v3, v4  }
0x58a: {  	v4 =	vperm.xlane v3, v0;
	_ =	sdelay $0x1  }
0x58b: {  	v3 =	vperm.xlane v3, v2;
	v4 =	vadd.s32 v1, v4;
	_ =	sdelay $0x1  }
0x58c: {  	v3 =	vadd.s32 v1, v3;
	_ =	sdelay $0x1  }
0x58d: {  	s1 =	simm.s32 $0xA800  }
0x58e: {  	[tilespmem:s1], [sflag:$0x2] =	stream.indirect_vreg.gather [hbm4b:s2+s3], $0x80, v4, vm0, $0xb8;
	[tilespmem:$0x18800] =	vst v63  }
0x58f: {  	s22 =	simm.s32 $0xB000  }
0x590: {  	[tilespmem:s22], [sflag:$0x2] =	stream.indirect_vreg.gather [hbm4b:s2+s3], $0x80, v3, vm0, $0xb8;
	[tilespmem:$0x18800] =	vst v63  }
0x591: {  	v3 =	vld [tilespmem:$0x6B0];
	_ =	sdelay $0x4  }
0x592: {  	v43 =	vshll.u32 v3, $0x1  }
0x593: {  	v3 =	vand.u32 $0x7, v3;
	v4 =	vand.u32 $0xFFFFFFF0, v43  }
0x594: {  	v3 =	vor.u32 v3, v4  }
0x595: {  	v4 =	vperm.xlane v3, v0;
	_ =	sdelay $0x1  }
0x596: {  	v3 =	vperm.xlane v3, v2;
	v4 =	vadd.s32 v1, v4;
	_ =	sdelay $0x1  }
0x597: {  	v3 =	vadd.s32 v1, v3;
	_ =	sdelay $0x1  }
0x598: {  	s11 =	simm.s32 $0xB800  }
0x599: {  	[tilespmem:s11], [sflag:$0x2] =	stream.indirect_vreg.gather [hbm4b:s2+s3], $0x80, v4, vm0, $0xb8;
	[tilespmem:$0x18800] =	vst v63  }
0x59a: {  	s12 =	simm.s32 $0xC000  }
0x59b: {  	[tilespmem:s12], [sflag:$0x2] =	stream.indirect_vreg.gather [hbm4b:s2+s3], $0x80, v3, vm0, $0xb8;
	[tilespmem:$0x18800] =	vst v63  }
0x59c: {  	v3 =	vld [tilespmem:$0x6C0];
	_ =	sdelay $0x4  }
0x59d: {  	v44 =	vshll.u32 v3, $0x1  }
0x59e: {  	v3 =	vand.u32 $0x7, v3;
	v4 =	vand.u32 $0xFFFFFFF0, v44  }
0x59f: {  	v3 =	vor.u32 v3, v4  }
0x5a0: {  	v4 =	vperm.xlane v3, v0;
	_ =	sdelay $0x1  }
0x5a1: {  	v3 =	vperm.xlane v3, v2;
	v4 =	vadd.s32 v1, v4;
	_ =	sdelay $0x1  }
0x5a2: {  	v3 =	vadd.s32 v1, v3;
	_ =	sdelay $0x1  }
0x5a3: {  	s23 =	simm.s32 $0xC800  }
0x5a4: {  	[tilespmem:s23], [sflag:$0x2] =	stream.indirect_vreg.gather [hbm4b:s2+s3], $0x80, v4, vm0, $0xb8;
	[tilespmem:$0x18800] =	vst v63  }
0x5a5: {  	s26 =	simm.s32 $0xD000  }
0x5a6: {  	[tilespmem:s26], [sflag:$0x2] =	stream.indirect_vreg.gather [hbm4b:s2+s3], $0x80, v3, vm0, $0xb8;
	[tilespmem:$0x18800] =	vst v63  }
0x5a7: {  	v3 =	vld [tilespmem:$0x6D0];
	_ =	sdelay $0x4  }
0x5a8: {  	v45 =	vshll.u32 v3, $0x1  }
0x5a9: {  	v3 =	vand.u32 $0x7, v3;
	v4 =	vand.u32 $0xFFFFFFF0, v45  }
0x5aa: {  	v3 =	vor.u32 v3, v4  }
0x5ab: {  	v4 =	vperm.xlane v3, v0;
	_ =	sdelay $0x1  }
0x5ac: {  	v3 =	vperm.xlane v3, v2;
	v4 =	vadd.s32 v1, v4;
	_ =	sdelay $0x1  }
0x5ad: {  	v3 =	vadd.s32 v1, v3;
	_ =	sdelay $0x1  }
0x5ae: {  	s5 =	simm.s32 $0xD800  }
0x5af: {  	[tilespmem:s5], [sflag:$0x2] =	stream.indirect_vreg.gather [hbm4b:s2+s3], $0x80, v4, vm0, $0xb8;
	[tilespmem:$0x18800] =	vst v63  }
0x5b0: {  	s30 =	simm.s32 $0xE000  }
0x5b1: {  	[tilespmem:s30], [sflag:$0x2] =	stream.indirect_vreg.gather [hbm4b:s2+s3], $0x80, v3, vm0, $0xb8;
	[tilespmem:$0x18800] =	vst v63  }
0x5b2: {  	v3 =	vld [tilespmem:$0x6E0];
	_ =	sdelay $0x4  }
0x5b3: {  	v46 =	vshll.u32 v3, $0x1  }
0x5b4: {  	v3 =	vand.u32 $0x7, v3;
	v4 =	vand.u32 $0xFFFFFFF0, v46  }
0x5b5: {  	v3 =	vor.u32 v3, v4  }
0x5b6: {  	v4 =	vperm.xlane v3, v0;
	_ =	sdelay $0x1  }
0x5b7: {  	v3 =	vperm.xlane v3, v2;
	v4 =	vadd.s32 v1, v4;
	_ =	sdelay $0x1  }
0x5b8: {  	v3 =	vadd.s32 v1, v3;
	_ =	sdelay $0x1  }
0x5b9: {  	s6 =	simm.s32 $0xE800  }
0x5ba: {  	[tilespmem:s6], [sflag:$0x2] =	stream.indirect_vreg.gather [hbm4b:s2+s3], $0x80, v4, vm0, $0xb8;
	[tilespmem:$0x18800] =	vst v63  }
0x5bb: {  	s31 =	simm.s32 $0xF000  }
0x5bc: {  	[tilespmem:s31], [sflag:$0x2] =	stream.indirect_vreg.gather [hbm4b:s2+s3], $0x80, v3, vm0, $0xb8;
	[tilespmem:$0x18800] =	vst v63  }
0x5bd: {  	v3 =	vld [tilespmem:$0x6F0];
	_ =	sdelay $0x4  }
0x5be: {  	v47 =	vshll.u32 v3, $0x1  }
0x5bf: {  	v3 =	vand.u32 $0x7, v3;
	v4 =	vand.u32 $0xFFFFFFF0, v47  }
0x5c0: {  	v3 =	vor.u32 v3, v4  }
0x5c1: {  	v4 =	vperm.xlane v3, v0;
	_ =	sdelay $0x1  }
0x5c2: {  	v3 =	vperm.xlane v3, v2;
	v4 =	vadd.s32 v1, v4;
	_ =	sdelay $0x1  }
0x5c3: {  	v3 =	vadd.s32 v1, v3;
	_ =	sdelay $0x1  }
0x5c4: {  	s22 =	simm.s32 $0xF800  }
0x5c5: {  	[tilespmem:s22], [sflag:$0x2] =	stream.indirect_vreg.gather [hbm4b:s2+s3], $0x80, v4, vm0, $0xb8;
	[tilespmem:$0x18800] =	vst v63  }
0x5c6: {  	s29 =	simm.s32 $0x10000;
	s26 =	sld [smem:$0x7FB]  }
0x5c7: {  	[tilespmem:s29], [sflag:$0x2] =	stream.indirect_vreg.gather [hbm4b:s2+s3], $0x80, v3, vm0, $0xb8;
	[tilespmem:$0x18800] =	vst v63  }
0x5c8: {  	_ = 	snop  }
0x5c9: {  	[tilespmem:s15], [sflag:$0x2] =	stream.indirect.gather [hbm4b:s4+s13], $0x80, s26, s13, $0xb8;
	[tilespmem:$0x18800] =	vst v63  }
0x5ca: {  	_ =	swait.ge [sflag:s16], $0x8000  }
0x5cb: {  	[sflag:s16] =	ssyncset.done $0x0  }
0x5cc: {  	[sflag:s16] =	ssyncadd.s32 $0xFFFF8000  }
0x5cd: {  	_ =	swait.ge [sflag:s16], $0x4000  }
0x5ce: {  	[sflag:s16] =	ssyncset.done $0x0  }
0x5cf: {  	s26 =	rddreg [dreg:$0x1c];
	[sflag:s16] =	ssyncadd.s32 $0xFFFFC000  }
0x5d0: {  	[hbm4b:s26+s7] =	stream.strided.scatter [tilespmem:s7], [sflag:$0x3], $0x8000, s17, s7, $0x38;
	[tilespmem:$0x18800] =	vst v63  }
0x5d1: {  	s29 =	rddreg [dreg:$0x1d]  }
0x5d2: {  	[hbm4b:s29+s18] =	stream.strided.scatter [tilespmem:s24], [sflag:$0x3], $0x4000, s17, s18, $0x38;
	[tilespmem:$0x18800] =	vst v63  }
0x5d3: {  	_ =	swait.ge [sflag:s19], $0x8000  }
0x5d4: {  	[sflag:s19] =	ssyncset.done $0x0  }
0x5d5: {  	[sflag:s19] =	ssyncadd.s32 $0xFFFF8000  }
0x5d6: {  	_ =	swait.ge [sflag:s19], $0x4000  }
0x5d7: {  	[sflag:s19] =	ssyncset.done $0x0  }
0x5d8: {  	[sflag:s19] =	ssyncadd.s32 $0xFFFFC000  }
0x5d9: {  	v3 =	vld [tilespmem:$0x700];
	_ =	sdelay $0x4  }
0x5da: {  	v48 =	vshll.u32 v3, $0x1  }
0x5db: {  	v3 =	vand.u32 $0x7, v3;
	v4 =	vand.u32 $0xFFFFFFF0, v48  }
0x5dc: {  	v3 =	vor.u32 v3, v4  }
0x5dd: {  	v4 =	vperm.xlane v3, v0;
	_ =	sdelay $0x1  }
0x5de: {  	v3 =	vperm.xlane v3, v2;
	v4 =	vadd.s32 v1, v4;
	_ =	sdelay $0x1  }
0x5df: {  	v3 =	vadd.s32 v1, v3;
	_ =	sdelay $0x2  }
0x5e0: {  	[tilespmem:s7], [sflag:$0x1] =	stream.indirect_vreg.gather [hbm4b:s2+s3], $0x80, v4, vm0, $0xb8;
	[tilespmem:$0x18800] =	vst v63  }
0x5e1: {  	s29 =	simm.s32 $0x1000  }
0x5e2: {  	[tilespmem:s29], [sflag:$0x1] =	stream.indirect_vreg.gather [hbm4b:s2+s3], $0x80, v3, vm0, $0xb8;
	[tilespmem:$0x18800] =	vst v63  }
0x5e3: {  	v3 =	vld [tilespmem:$0x710];
	_ =	sdelay $0x4  }
0x5e4: {  	v49 =	vshll.u32 v3, $0x1  }
0x5e5: {  	v3 =	vand.u32 $0x7, v3;
	v4 =	vand.u32 $0xFFFFFFF0, v49  }
0x5e6: {  	v3 =	vor.u32 v3, v4  }
0x5e7: {  	v4 =	vperm.xlane v3, v0;
	_ =	sdelay $0x1  }
0x5e8: {  	v3 =	vperm.xlane v3, v2;
	v4 =	vadd.s32 v1, v4;
	_ =	sdelay $0x1  }
0x5e9: {  	v3 =	vadd.s32 v1, v3;
	_ =	sdelay $0x1  }
0x5ea: {  	s26 =	simm.s32 $0x1800  }
0x5eb: {  	[tilespmem:s26], [sflag:$0x1] =	stream.indirect_vreg.gather [hbm4b:s2+s3], $0x80, v4, vm0, $0xb8;
	[tilespmem:$0x18800] =	vst v63  }
0x5ec: {  	s29 =	simm.s32 $0x2000  }
0x5ed: {  	[tilespmem:s29], [sflag:$0x1] =	stream.indirect_vreg.gather [hbm4b:s2+s3], $0x80, v3, vm0, $0xb8;
	[tilespmem:$0x18800] =	vst v63  }
0x5ee: {  	v3 =	vld [tilespmem:$0x720];
	_ =	sdelay $0x4  }
0x5ef: {  	v50 =	vshll.u32 v3, $0x1  }
0x5f0: {  	v3 =	vand.u32 $0x7, v3;
	v4 =	vand.u32 $0xFFFFFFF0, v50  }
0x5f1: {  	v3 =	vor.u32 v3, v4  }
0x5f2: {  	v4 =	vperm.xlane v3, v0;
	_ =	sdelay $0x1  }
0x5f3: {  	v3 =	vperm.xlane v3, v2;
	v4 =	vadd.s32 v1, v4;
	_ =	sdelay $0x1  }
0x5f4: {  	v3 =	vadd.s32 v1, v3;
	_ =	sdelay $0x1  }
0x5f5: {  	s26 =	simm.s32 $0x2800  }
0x5f6: {  	[tilespmem:s26], [sflag:$0x1] =	stream.indirect_vreg.gather [hbm4b:s2+s3], $0x80, v4, vm0, $0xb8;
	[tilespmem:$0x18800] =	vst v63  }
0x5f7: {  	s29 =	simm.s32 $0x3000  }
0x5f8: {  	[tilespmem:s29], [sflag:$0x1] =	stream.indirect_vreg.gather [hbm4b:s2+s3], $0x80, v3, vm0, $0xb8;
	[tilespmem:$0x18800] =	vst v63  }
0x5f9: {  	v3 =	vld [tilespmem:$0x730];
	_ =	sdelay $0x4  }
0x5fa: {  	v51 =	vshll.u32 v3, $0x1  }
0x5fb: {  	v3 =	vand.u32 $0x7, v3;
	v4 =	vand.u32 $0xFFFFFFF0, v51  }
0x5fc: {  	v3 =	vor.u32 v3, v4  }
0x5fd: {  	v4 =	vperm.xlane v3, v0;
	_ =	sdelay $0x1  }
0x5fe: {  	v3 =	vperm.xlane v3, v2;
	v4 =	vadd.s32 v1, v4;
	_ =	sdelay $0x1  }
0x5ff: {  	v3 =	vadd.s32 v1, v3;
	_ =	sdelay $0x1  }
0x600: {  	s26 =	simm.s32 $0x3800  }
0x601: {  	[tilespmem:s26], [sflag:$0x1] =	stream.indirect_vreg.gather [hbm4b:s2+s3], $0x80, v4, vm0, $0xb8;
	[tilespmem:$0x18800] =	vst v63  }
0x602: {  	s29 =	simm.s32 $0x4000  }
0x603: {  	[tilespmem:s29], [sflag:$0x1] =	stream.indirect_vreg.gather [hbm4b:s2+s3], $0x80, v3, vm0, $0xb8;
	[tilespmem:$0x18800] =	vst v63  }
0x604: {  	v3 =	vld [tilespmem:$0x740];
	_ =	sdelay $0x4  }
0x605: {  	v52 =	vshll.u32 v3, $0x1  }
0x606: {  	v3 =	vand.u32 $0x7, v3;
	v4 =	vand.u32 $0xFFFFFFF0, v52  }
0x607: {  	v3 =	vor.u32 v3, v4  }
0x608: {  	v4 =	vperm.xlane v3, v0;
	_ =	sdelay $0x1  }
0x609: {  	v3 =	vperm.xlane v3, v2;
	v4 =	vadd.s32 v1, v4;
	_ =	sdelay $0x1  }
0x60a: {  	v3 =	vadd.s32 v1, v3;
	_ =	sdelay $0x1  }
0x60b: {  	s26 =	simm.s32 $0x4800  }
0x60c: {  	[tilespmem:s26], [sflag:$0x1] =	stream.indirect_vreg.gather [hbm4b:s2+s3], $0x80, v4, vm0, $0xb8;
	[tilespmem:$0x18800] =	vst v63  }
0x60d: {  	s29 =	simm.s32 $0x5000  }
0x60e: {  	[tilespmem:s29], [sflag:$0x1] =	stream.indirect_vreg.gather [hbm4b:s2+s3], $0x80, v3, vm0, $0xb8;
	[tilespmem:$0x18800] =	vst v63  }
0x60f: {  	v3 =	vld [tilespmem:$0x750];
	_ =	sdelay $0x4  }
0x610: {  	v53 =	vshll.u32 v3, $0x1  }
0x611: {  	v3 =	vand.u32 $0x7, v3;
	v4 =	vand.u32 $0xFFFFFFF0, v53  }
0x612: {  	v3 =	vor.u32 v3, v4  }
0x613: {  	v4 =	vperm.xlane v3, v0;
	_ =	sdelay $0x1  }
0x614: {  	v3 =	vperm.xlane v3, v2;
	v4 =	vadd.s32 v1, v4;
	_ =	sdelay $0x1  }
0x615: {  	v3 =	vadd.s32 v1, v3;
	_ =	sdelay $0x1  }
0x616: {  	s26 =	simm.s32 $0x5800  }
0x617: {  	[tilespmem:s26], [sflag:$0x1] =	stream.indirect_vreg.gather [hbm4b:s2+s3], $0x80, v4, vm0, $0xb8;
	[tilespmem:$0x18800] =	vst v63  }
0x618: {  	s29 =	simm.s32 $0x6000  }
0x619: {  	[tilespmem:s29], [sflag:$0x1] =	stream.indirect_vreg.gather [hbm4b:s2+s3], $0x80, v3, vm0, $0xb8;
	[tilespmem:$0x18800] =	vst v63  }
0x61a: {  	v3 =	vld [tilespmem:$0x760];
	_ =	sdelay $0x4  }
0x61b: {  	v54 =	vshll.u32 v3, $0x1  }
0x61c: {  	v3 =	vand.u32 $0x7, v3;
	v4 =	vand.u32 $0xFFFFFFF0, v54  }
0x61d: {  	v3 =	vor.u32 v3, v4  }
0x61e: {  	v4 =	vperm.xlane v3, v0;
	_ =	sdelay $0x1  }
0x61f: {  	v3 =	vperm.xlane v3, v2;
	v4 =	vadd.s32 v1, v4;
	_ =	sdelay $0x1  }
0x620: {  	v3 =	vadd.s32 v1, v3;
	_ =	sdelay $0x1  }
0x621: {  	s26 =	simm.s32 $0x6800  }
0x622: {  	[tilespmem:s26], [sflag:$0x1] =	stream.indirect_vreg.gather [hbm4b:s2+s3], $0x80, v4, vm0, $0xb8;
	[tilespmem:$0x18800] =	vst v63  }
0x623: {  	s29 =	simm.s32 $0x7000  }
0x624: {  	[tilespmem:s29], [sflag:$0x1] =	stream.indirect_vreg.gather [hbm4b:s2+s3], $0x80, v3, vm0, $0xb8;
	[tilespmem:$0x18800] =	vst v63  }
0x625: {  	v3 =	vld [tilespmem:$0x770];
	_ =	sdelay $0x4  }
0x626: {  	v55 =	vshll.u32 v3, $0x1  }
0x627: {  	v3 =	vand.u32 $0x7, v3;
	v4 =	vand.u32 $0xFFFFFFF0, v55  }
0x628: {  	v3 =	vor.u32 v3, v4  }
0x629: {  	v4 =	vperm.xlane v3, v0;
	_ =	sdelay $0x1  }
0x62a: {  	v3 =	vperm.xlane v3, v2;
	v4 =	vadd.s32 v1, v4;
	_ =	sdelay $0x1  }
0x62b: {  	v3 =	vadd.s32 v1, v3;
	_ =	sdelay $0x1  }
0x62c: {  	s26 =	simm.s32 $0x7800  }
0x62d: {  	[tilespmem:s26], [sflag:$0x1] =	stream.indirect_vreg.gather [hbm4b:s2+s3], $0x80, v4, vm0, $0xb8;
	[tilespmem:$0x18800] =	vst v63  }
0x62e: {  	s22 =	sld [smem:$0x7FC];
	s29 =	simm.s32 $0x8000  }
0x62f: {  	[tilespmem:s29], [sflag:$0x1] =	stream.indirect_vreg.gather [hbm4b:s2+s3], $0x80, v3, vm0, $0xb8;
	[tilespmem:$0x18800] =	vst v63  }
0x630: {  	_ = 	snop  }
0x631: {  	[tilespmem:s24], [sflag:$0x1] =	stream.indirect.gather [hbm4b:s4+s13], $0x80, s22, s13, $0xb8;
	[tilespmem:$0x18800] =	vst v63  }
0x632: {  	_ =	swait.ge [sflag:s20], $0x8000  }
0x633: {  	[sflag:s20] =	ssyncset.done $0x0  }
0x634: {  	[sflag:s20] =	ssyncadd.s32 $0xFFFF8000  }
0x635: {  	_ =	swait.ge [sflag:s20], $0x4000  }
0x636: {  	[sflag:s20] =	ssyncset.done $0x0  }
0x637: {  	s26 =	rddreg [dreg:$0x1e];
	[sflag:s20] =	ssyncadd.s32 $0xFFFFC000  }
0x638: {  	[hbm4b:s26+s7] =	stream.strided.scatter [tilespmem:s25], [sflag:$0x4], $0x8000, s17, s7, $0x38;
	[tilespmem:$0x18800] =	vst v63  }
0x639: {  	s29 =	rddreg [dreg:$0x1f]  }
0x63a: {  	[hbm4b:s29+s18] =	stream.strided.scatter [tilespmem:s15], [sflag:$0x4], $0x4000, s17, s18, $0x38;
	[tilespmem:$0x18800] =	vst v63  }
0x63b: {  	_ =	swait.ge [sflag:s21], $0x8000  }
0x63c: {  	[sflag:s21] =	ssyncset.done $0x0  }
0x63d: {  	[sflag:s21] =	ssyncadd.s32 $0xFFFF8000  }
0x63e: {  	_ =	swait.ge [sflag:s21], $0x4000  }
0x63f: {  	[sflag:s21] =	ssyncset.done $0x0  }
0x640: {  	[sflag:s21] =	ssyncadd.s32 $0xFFFFC000  }
0x641: {  	v3 =	vld [tilespmem:$0x780];
	_ =	sdelay $0x4  }
0x642: {  	v56 =	vshll.u32 v3, $0x1  }
0x643: {  	v3 =	vand.u32 $0x7, v3;
	v4 =	vand.u32 $0xFFFFFFF0, v56  }
0x644: {  	v3 =	vor.u32 v3, v4  }
0x645: {  	v4 =	vperm.xlane v3, v0;
	_ =	sdelay $0x1  }
0x646: {  	v3 =	vperm.xlane v3, v2;
	v4 =	vadd.s32 v1, v4;
	_ =	sdelay $0x1  }
0x647: {  	v3 =	vadd.s32 v1, v3;
	_ =	sdelay $0x2  }
0x648: {  	[tilespmem:s25], [sflag:$0x2] =	stream.indirect_vreg.gather [hbm4b:s2+s3], $0x80, v4, vm0, $0xb8;
	[tilespmem:$0x18800] =	vst v63  }
0x649: {  	s9 =	simm.s32 $0x9000  }
0x64a: {  	[tilespmem:s9], [sflag:$0x2] =	stream.indirect_vreg.gather [hbm4b:s2+s3], $0x80, v3, vm0, $0xb8;
	[tilespmem:$0x18800] =	vst v63  }
0x64b: {  	v3 =	vld [tilespmem:$0x790];
	_ =	sdelay $0x4  }
0x64c: {  	v57 =	vshll.u32 v3, $0x1  }
0x64d: {  	v3 =	vand.u32 $0x7, v3;
	v4 =	vand.u32 $0xFFFFFFF0, v57  }
0x64e: {  	v3 =	vor.u32 v3, v4  }
0x64f: {  	v4 =	vperm.xlane v3, v0;
	_ =	sdelay $0x1  }
0x650: {  	v3 =	vperm.xlane v3, v2;
	v4 =	vadd.s32 v1, v4;
	_ =	sdelay $0x1  }
0x651: {  	v3 =	vadd.s32 v1, v3;
	_ =	sdelay $0x1  }
0x652: {  	s10 =	simm.s32 $0x9800  }
0x653: {  	[tilespmem:s10], [sflag:$0x2] =	stream.indirect_vreg.gather [hbm4b:s2+s3], $0x80, v4, vm0, $0xb8;
	[tilespmem:$0x18800] =	vst v63  }
0x654: {  	s14 =	simm.s32 $0xA000  }
0x655: {  	[tilespmem:s14], [sflag:$0x2] =	stream.indirect_vreg.gather [hbm4b:s2+s3], $0x80, v3, vm0, $0xb8;
	[tilespmem:$0x18800] =	vst v63  }
0x656: {  	v3 =	vld [tilespmem:$0x7A0];
	_ =	sdelay $0x4  }
0x657: {  	v58 =	vshll.u32 v3, $0x1  }
0x658: {  	v3 =	vand.u32 $0x7, v3;
	v4 =	vand.u32 $0xFFFFFFF0, v58  }
0x659: {  	v3 =	vor.u32 v3, v4  }
0x65a: {  	v4 =	vperm.xlane v3, v0;
	_ =	sdelay $0x1  }
0x65b: {  	v3 =	vperm.xlane v3, v2;
	v4 =	vadd.s32 v1, v4;
	_ =	sdelay $0x1  }
0x65c: {  	v3 =	vadd.s32 v1, v3;
	_ =	sdelay $0x1  }
0x65d: {  	s0 =	simm.s32 $0xA800  }
0x65e: {  	[tilespmem:s0], [sflag:$0x2] =	stream.indirect_vreg.gather [hbm4b:s2+s3], $0x80, v4, vm0, $0xb8;
	[tilespmem:$0x18800] =	vst v63  }
0x65f: {  	s28 =	simm.s32 $0xB000  }
0x660: {  	[tilespmem:s28], [sflag:$0x2] =	stream.indirect_vreg.gather [hbm4b:s2+s3], $0x80, v3, vm0, $0xb8;
	[tilespmem:$0x18800] =	vst v63  }
0x661: {  	v3 =	vld [tilespmem:$0x7B0];
	_ =	sdelay $0x4  }
0x662: {  	v59 =	vshll.u32 v3, $0x1  }
0x663: {  	v3 =	vand.u32 $0x7, v3;
	v4 =	vand.u32 $0xFFFFFFF0, v59  }
0x664: {  	v3 =	vor.u32 v3, v4  }
0x665: {  	v4 =	vperm.xlane v3, v0;
	_ =	sdelay $0x1  }
0x666: {  	v3 =	vperm.xlane v3, v2;
	v4 =	vadd.s32 v1, v4;
	_ =	sdelay $0x1  }
0x667: {  	v3 =	vadd.s32 v1, v3;
	_ =	sdelay $0x1  }
0x668: {  	s1 =	simm.s32 $0xB800  }
0x669: {  	[tilespmem:s1], [sflag:$0x2] =	stream.indirect_vreg.gather [hbm4b:s2+s3], $0x80, v4, vm0, $0xb8;
	[tilespmem:$0x18800] =	vst v63  }
0x66a: {  	s8 =	simm.s32 $0xC000  }
0x66b: {  	[tilespmem:s8], [sflag:$0x2] =	stream.indirect_vreg.gather [hbm4b:s2+s3], $0x80, v3, vm0, $0xb8;
	[tilespmem:$0x18800] =	vst v63  }
0x66c: {  	v3 =	vld [tilespmem:$0x7C0];
	_ =	sdelay $0x4  }
0x66d: {  	v60 =	vshll.u32 v3, $0x1  }
0x66e: {  	v3 =	vand.u32 $0x7, v3;
	v4 =	vand.u32 $0xFFFFFFF0, v60  }
0x66f: {  	v3 =	vor.u32 v3, v4  }
0x670: {  	v4 =	vperm.xlane v3, v0;
	_ =	sdelay $0x1  }
0x671: {  	v3 =	vperm.xlane v3, v2;
	v4 =	vadd.s32 v1, v4;
	_ =	sdelay $0x1  }
0x672: {  	v3 =	vadd.s32 v1, v3;
	_ =	sdelay $0x1  }
0x673: {  	s12 =	simm.s32 $0xC800  }
0x674: {  	[tilespmem:s12], [sflag:$0x2] =	stream.indirect_vreg.gather [hbm4b:s2+s3], $0x80, v4, vm0, $0xb8;
	[tilespmem:$0x18800] =	vst v63  }
0x675: {  	s23 =	simm.s32 $0xD000  }
0x676: {  	[tilespmem:s23], [sflag:$0x2] =	stream.indirect_vreg.gather [hbm4b:s2+s3], $0x80, v3, vm0, $0xb8;
	[tilespmem:$0x18800] =	vst v63  }
0x677: {  	v3 =	vld [tilespmem:$0x7D0];
	_ =	sdelay $0x4  }
0x678: {  	v61 =	vshll.u32 v3, $0x1  }
0x679: {  	v3 =	vand.u32 $0x7, v3;
	v4 =	vand.u32 $0xFFFFFFF0, v61  }
0x67a: {  	v3 =	vor.u32 v3, v4  }
0x67b: {  	v4 =	vperm.xlane v3, v0;
	_ =	sdelay $0x1  }
0x67c: {  	v3 =	vperm.xlane v3, v2;
	v4 =	vadd.s32 v1, v4;
	_ =	sdelay $0x1  }
0x67d: {  	v3 =	vadd.s32 v1, v3;
	_ =	sdelay $0x1  }
0x67e: {  	s11 =	simm.s32 $0xD800  }
0x67f: {  	[tilespmem:s11], [sflag:$0x2] =	stream.indirect_vreg.gather [hbm4b:s2+s3], $0x80, v4, vm0, $0xb8;
	[tilespmem:$0x18800] =	vst v63  }
0x680: {  	s30 =	simm.s32 $0xE000  }
0x681: {  	[tilespmem:s30], [sflag:$0x2] =	stream.indirect_vreg.gather [hbm4b:s2+s3], $0x80, v3, vm0, $0xb8;
	[tilespmem:$0x18800] =	vst v63  }
0x682: {  	v3 =	vld [tilespmem:$0x7E0];
	_ =	sdelay $0x4  }
0x683: {  	v62 =	vshll.u32 v3, $0x1  }
0x684: {  	v3 =	vand.u32 $0x7, v3;
	v4 =	vand.u32 $0xFFFFFFF0, v62  }
0x685: {  	v3 =	vor.u32 v3, v4  }
0x686: {  	v4 =	vperm.xlane v3, v0;
	_ =	sdelay $0x1  }
0x687: {  	v3 =	vperm.xlane v3, v2;
	v4 =	vadd.s32 v1, v4;
	_ =	sdelay $0x1  }
0x688: {  	v3 =	vadd.s32 v1, v3;
	_ =	sdelay $0x1  }
0x689: {  	s5 =	simm.s32 $0xE800  }
0x68a: {  	[tilespmem:s5], [sflag:$0x2] =	stream.indirect_vreg.gather [hbm4b:s2+s3], $0x80, v4, vm0, $0xb8;
	[tilespmem:$0x18800] =	vst v63  }
0x68b: {  	s31 =	simm.s32 $0xF000  }
0x68c: {  	[tilespmem:s31], [sflag:$0x2] =	stream.indirect_vreg.gather [hbm4b:s2+s3], $0x80, v3, vm0, $0xb8;
	[tilespmem:$0x18800] =	vst v63  }
0x68d: {  	v3 =	vld [tilespmem:$0x7F0];
	_ =	sdelay $0x4  }
0x68e: {  	v63 =	vshll.u32 v3, $0x1  }
0x68f: {  	v3 =	vand.u32 $0x7, v3;
	v4 =	vand.u32 $0xFFFFFFF0, v63  }
0x690: {  	v3 =	vor.u32 v3, v4  }
0x691: {  	v4 =	vperm.xlane v3, v0;
	_ =	sdelay $0x1  }
0x692: {  	v3 =	vperm.xlane v3, v2;
	v4 =	vadd.s32 v1, v4;
	_ =	sdelay $0x1  }
0x693: {  	v3 =	vadd.s32 v1, v3;
	_ =	sdelay $0x1  }
0x694: {  	s23 =	simm.s32 $0xF800  }
0x695: {  	[tilespmem:s23], [sflag:$0x2] =	stream.indirect_vreg.gather [hbm4b:s2+s3], $0x80, v4, vm0, $0xb8;
	[tilespmem:$0x18800] =	vst v63  }
0x696: {  	s6 =	simm.s32 $0x10000;
	s26 =	sld [smem:$0x7FD]  }
0x697: {  	[tilespmem:s6], [sflag:$0x2] =	stream.indirect_vreg.gather [hbm4b:s2+s3], $0x80, v3, vm0, $0xb8;
	[tilespmem:$0x18800] =	vst v63  }
0x698: {  	_ = 	snop  }
0x699: {  	[tilespmem:s15], [sflag:$0x2] =	stream.indirect.gather [hbm4b:s4+s13], $0x80, s26, s13, $0xb8;
	[tilespmem:$0x18800] =	vst v63  }
0x69a: {  	s14 =	sld [smem:$0x7EC];
	_ =	swait.ge [sflag:s16], $0x8000  }
0x69b: {  	[sflag:s16] =	ssyncset.done $0x0  }
0x69c: {  	[sflag:s16] =	ssyncadd.s32 $0xFFFF8000  }
0x69d: {  	_ =	swait.ge [sflag:s16], $0x4000  }
0x69e: {  	s28 =	sld [smem:$0x7ED]  }
0x69f: {  	[sflag:s16] =	ssyncset.done $0x0  }
0x6a0: {  	s29 =	sld [smem:$0x7EE];
	[sflag:s16] =	ssyncadd.s32 $0xFFFFC000  }
0x6a1: {  	[hbm4b:s28+s7] =	stream.strided.scatter [tilespmem:s7], [sflag:$0x3], $0x8000, s17, s7, $0x38;
	[tilespmem:$0x18800] =	vst v63  }
0x6a2: {  	_ = 	snop  }
0x6a3: {  	[hbm4b:s29+s18] =	stream.strided.scatter [tilespmem:s24], [sflag:$0x3], $0x4000, s17, s18, $0x38;
	[tilespmem:$0x18800] =	vst v63  }
0x6a4: {  	_ =	swait.ge [sflag:s20], $0x8000  }
0x6a5: {  	[sflag:s20] =	ssyncset.done $0x0  }
0x6a6: {  	[sflag:s20] =	ssyncadd.s32 $0xFFFF8000  }
0x6a7: {  	_ =	swait.ge [sflag:s20], $0x4000  }
0x6a8: {  	s30 =	sld [smem:$0x7EF]  }
0x6a9: {  	[sflag:s20] =	ssyncset.done $0x0  }
0x6aa: {  	s31 =	sld [smem:$0x7F0];
	[sflag:s20] =	ssyncadd.s32 $0xFFFFC000  }
0x6ab: {  	[hbm4b:s30+s7] =	stream.strided.scatter [tilespmem:s25], [sflag:$0x4], $0x8000, s17, s7, $0x38;
	[tilespmem:$0x18800] =	vst v63  }
0x6ac: {  	_ = 	snop  }
0x6ad: {  	[hbm4b:s31+s18] =	stream.strided.scatter [tilespmem:s15], [sflag:$0x4], $0x4000, s17, s18, $0x38;
	[tilespmem:$0x18800] =	vst v63  }
0x6ae: {  	_ =	swait.ge [sflag:s19], $0x8000  }
0x6af: {  	[sflag:s19] =	ssyncset.done $0x0  }
0x6b0: {  	[sflag:s19] =	ssyncadd.s32 $0xFFFF8000  }
0x6b1: {  	_ =	swait.ge [sflag:s19], $0x4000  }
0x6b2: {  	[sflag:s19] =	ssyncset.done $0x0  }
0x6b3: {  	[sflag:s19] =	ssyncadd.s32 $0xFFFFC000  }
0x6b4: {  	p0 =	sne.s32 s14, $0x1;
	_ =	swait.ge [sflag:s21], $0x8000  }
.Ltmp0:
0x6b5: {  	[sflag:s21] =	ssyncset.done $0x0;
	(pc) =	sbr.rel @p0 .LBB2_1-.Ltmp0, $4  }
0x6b6: {  	[sflag:s21] =	ssyncadd.s32 $0xFFFF8000  }
0x6b7: {  	_ =	swait.ge [sflag:s21], $0x4000  }
0x6b8: {  	[sflag:s21] =	ssyncset.done $0x0  }
0x6b9: {  	s1 =	sadd.s32 $0xFFFFFFFF, s14;
	[sflag:s21] =	ssyncadd.s32 $0xFFFFC000  }
0x6ba: {  	_ =	sfence.sel $0x180000  }
0x6bb: {  	[bflag:$0x0] =	sbarrier.arrive $0xFFFF  }
0x6bc: {  	_ =	strace $0x90000047  }
0x6bd: {  	s0 =	stileid.u32;
	[bflag:$0x2] =	sbarrier.arrive $0xFFFF  }
0x6be: {  	p0 =	sne.s32 s0, $0x0;
	s0 =	rddreg [dreg:$0x2]  }
0x6bf: {  	s0 =	sadd.s32 @!p0 $0x100000, s0  }
0x6c0: {  	[sflag:s0] =	ssyncadd.tile.s32 @!p0 $0x1;
	_ =	shalt  }
.Lfunc_end2:
_tile_overlayer_lowered:
.L_overlay_start_2:
0x6c1: {  	(tag) =	ssettag $0x2  }
0x6c2: {  	s0 =	rddreg [dreg:$0x0];
	s2 =	stileid.u32  }
0x6c3: {  	s1 =	rddreg [dreg:$0x1];
	p0 =	sne.s32 s2, $0x0  }
0x6c4: {  	s3 =	rddreg [dreg:$0x2];
	[bflag:$0x3] =	sbarrier.arrive $0xFFFF;
	s2 =	simm.s32 @!p0 $0x1C05  }
0x6c5: {  	[timem:s3], [sflag:s2] =	dma.local @!p0 [hbm:s0], s1  }
0x6c6: {  	s0 =	simm.s32 @!p0 $0x5  }
0x6c7: {  	_ =	swait.ge @!p0 [sflag:s0], s1  }
0x6c8: {  	s1 =	ssub.s32 @!p0 $0x0, s1;
	[sflag:s0] =	ssyncset.done @!p0 $0x0  }
0x6c9: {  	[sflag:s0] =	ssyncadd.s32 @!p0 s1  }
0x6ca: {  	[bflag:$0x3] =	sbarrier.arrive $0xFFFF  }
0x6cb: {  	_ =	shalt  }

// kernel: sparse-core-data-format-call.cloned.1.call-start
scs
called_computation_lowered:
.L_overlay_start_0:
0x0: {  	s2 =	sld [smem:$0x3FD9]  }
0x1: {  	s3 =	sld [smem:$0x3FFE];
	_ =	sdelay $0x1  }
0x2: {  	s1 =	srdreg.scid  }
0x3: {  	s0 =	sand.u32 $0x1, s1  }
0x4: {  	s18 =	sshll.u32 s0, $0xA;
	s2 =	sadd.s32 s3, s2  }
0x5: {  	s2 =	sadd.s32 s2, s18  }
0x6: {  	[smem:$0x3FC4] =	sst s2  }
0x7: {  	_ = 	snop  }
0x8: {  	s2 =	sld [smem:$0x3FD0];
	(tm) =	ssettm $0x1  }
0x9: {  	s19 =	sld [smem:$0x3FFB];
	_ =	sdelay $0x3  }
0xa: {  	_ =	strace s19  }
0xb: {  	s3 =	sld [smem:$0x3FFC];
	_ =	sdelay $0x3  }
0xc: {  	_ =	strace s3  }
0xd: {  	s3 =	sld [smem:$0x3FFD];
	_ =	sdelay $0x3  }
0xe: {  	_ =	strace s3  }
0xf: {  	_ =	strace $0x8FFFFFFF  }
0x10: {  	s20 =	sld [smem:$0x3FDB];
	_ =	sdelay $0x1  }
0x11: {  	s4 =	simm.s32 $_scs_section_size  }
0x12: {  	s5 =	simm.s32 $_size__tile_overlayer_lowered;
	s6 =	simm.s32 $_tile_overlayer_lowered  }
0x13: {  	s23 =	simm.s32 $0x1BFF;
	s22 =	sshll.u32 s6, $0x1;
	s3 =	sadd.s32 s4, s20  }
0x14: {  	s7 =	simm.s32 $0x0;
	s21 =	sshll.u32 s5, $0x1;
	s5 =	sadd.s32 s22, s3  }
0x15: {  	[timem:s7], [sflag:s23] =	dma.local [hbm:s5], s21  }
0x16: {  	_ =	swait.ge [sflag:s23], s21  }
0x17: {  	s4 =	ssub.s32 $0x0, s21;
	[sflag:s23] =	ssyncset.done $0x0  }
0x18: {  	[sflag:s23] =	ssyncadd.s32 s4;
	_ =	sdelay $0x1  }
0x19: {  	s24 =	simm.s32 $0x1B8B  }
0x1a: {  	_ =	swait.ge [sflag:s24], $0x1  }
0x1b: {  	[sflag:s24] =	ssyncset.done $0x0  }
0x1c: {  	s26 =	simm.s32 $0x1B8E;
	s25 =	sld [smem:$0x3FFE];
	[sflag:s24] =	ssyncadd.s32 $0xFFFFFFFF  }
0x1d: {  	s27 =	simm.s32 $execute0_lowered;
	[smem:$0x3FD2] =	sst s26  }
0x1e: {  	s5 =	sshll.u32 s27, $0x1;
	_ =	strace $0x80000049;
	[dreg:$0x1] =	wrdreg $0xFFFFFFFF  }
0x1f: {  	s28 =	simm.s32 $_size_execute0_lowered;
	s3 =	sadd.s32 s3, s5;
	[dreg:$0x0] =	wrdreg $0x0  }
0x20: {  	s5 =	sshll.u32 s28, $0x1;
	[dreg:$0x2] =	wrdreg s3  }
0x21: {  	[dreg:$0x3] =	wrdreg s5  }
0x22: {  	[dreg:$0x4] =	wrdreg $0xC0  }
0x23: {  	_ =	task [dreg:s7], $0x5FFFF  }
0x24: {  	[dreg:$0x1] =	wrdreg $0xFFFFFFFF  }
0x25: {  	[dreg:$0x0] =	wrdreg $0x60  }
0x26: {  	[dreg:$0x2] =	wrdreg s25  }
0x27: {  	[dreg:$0x3] =	wrdreg s2  }
0x28: {  	[dreg:$0x4] =	wrdreg $0x9  }
0x29: {  	_ =	task.clear_ibuf [dreg:s7], $0x5FFFF;
	_ =	strace $0x90000049  }
0x2a: {  	s29 =	simm.s32 $0x9;
	_ =	strace $0x8000004B  }
0x2b: {  	_ =	swait.ge [sflag:s29], $0x1  }
0x2c: {  	[sflag:s29] =	ssyncadd.s32 $0xFFFFFFFF  }
0x2d: {  	_ =	strace $0x9000004B  }
0x2e: {  	_ =	sfence  }
0x2f: {  	s30 =	sld [smem:$0x0];
	_ =	sdelay $0x2  }
0x30: {  	s31 =	sshll.u32 s1, $0xD;
	s1 =	sshrl.u32 s1, $0x2  }
0x31: {  	s3 =	sand.u32 $0x4000, s31;
	s1 =	sadd.s32 s1, s30  }
0x32: {  	s0 =	sor.u32 s3, s0;
	s1 =	sshll.u32 s1, $0x11  }
0x33: {  	s0 =	sor.u32 s1, s0  }
0x34: {  	s0 =	sadd.s32 $0x8F2B, s0  }
0x35: {  	[sflag:s0] =	ssyncadd.remote.s32 $0x1  }
0x36: {  	_ =	sfence.sel $0xFFFF  }
0x37: {  	[dreg:$0x0] =	wrdreg $0xFFFFFFFF;
	(pc) =	sbr.abs _section_cstart, $3  }
0x38: {  	[dreg:$0x1] =	wrdreg $0xFFFFFFFF  }
0x39: {  	_ =	task.clear_ibuf [dreg:s7], $0x2FFFF;
	_ =	strace $0x9FFFFFFF  }
0x3a: {  	(tm) =	ssettm $0x7FFFFFFF  }
0x3b: {  	_ =	shalt  }
tec
execute0_lowered:
.L_overlay_start_1:
0x0: {  	(tag) =	ssettag $0x1  }
0x1: {  	s1 =	rddreg [dreg:$0x0]  }
0x2: {  	s2 =	rddreg [dreg:$0x1]  }
0x3: {  	s0 =	rddreg [dreg:$0x2]  }
0x4: {  	s4 =	srdreg.scid;
	_ =	strace $0x8000004A;
	s6 =	simm.s32 $0x2  }
0x5: {  	s15 =	simm.s32 $0x0;
	p0 =	por $0x0, $0x0;
	s14 =	simm.s32 $0x0  }
0x6: {  	s16 =	simm.s32 $0x0;
	s7 =	simm.s32 $0x0;
	s9 =	simm.s32 $0x0  }
.Ltmp0:
0x7: {  	s10 =	simm.s32 $0x0;
	s11 =	simm.s32 $0x0;
	(pc) =	sbr.rel .LBB1_1-.Ltmp0, $4  }
0x8: {  	s12 =	simm.s32 $0x0;
	s3 =	sadd.s32 $0x202A00, s1;
	s4 =	sshll.u32 s4, $0x4  }
0x9: {  	s1 =	stileid.u32;
	s5 =	sand.u32 $0x10, s4;
	s4 =	simm.s32 $0x1  }
0xa: {  	s8 =	simm.s32 $0x0;
	s5 =	sor.u32 s1, s5;
	[sflag:s4] =	ssyncpa.u1 $0x0  }
0xb: {  	[sflag:s6] =	ssyncpa.u1 $0x0;
	s6 =	simm.s32 $0x10000;
	s13 =	smov.u32 s5  }
.LBB1_5:
0xc: {  	p1 =	slt.u32 s8, $0x2;
	s18 =	smov.u32 s16  }
0xd: {  	p2 =	sgt.s32 @!p1 s15, $0x91;
	s17 =	sshra.s32 @!p1 s15, $0x1F;
	p3 =	sgt.s32 @!p1 s16, $0x3F  }
0xe: {  	s19 =	sshra.s32 @!p1 s16, $0x1F;
	p2 =	por !p2, p1;
	s17 =	sand.u32 @!p1 s17, s15  }
0xf: {  	p3 =	por !p3, p1;
	s16 =	sand.u32 @!p1 s19, s16;
	s19 =	sshra.s32 @!p1 s14, $0x1F  }
0x10: {  	s18 =	simm.s32 @p3 $0x3F;
	p3 =	sgt.s32 @!p1 s14, $0x380;
	s15 =	simm.s32 @p2 $0x91  }
0x11: {  	s16 =	ssub.s32 @!p1 s18, s16;
	p3 =	por !p3, p1;
	s18 =	smov.u32 s14  }
0x12: {  	s14 =	sand.u32 @!p1 s19, s14;
	s15 =	ssub.s32 @!p1 s15, s17;
	s18 =	simm.s32 @p3 $0x380  }
0x13: {  	s17 =	sadd.s32 @!p1 $0xFFFFFFC1, s16;
	s16 =	ssub.s32 @!p1 $0x40, s16;
	s14 =	ssub.s32 @!p1 s18, s14  }
0x14: {  	s18 =	sadd.s32 @!p1 $0xFFFFFF6F, s15;
	p2 =	sgt.s32 @!p1 s17, $0x0;
	s17 =	sadd.s32 @!p1 $0xFFFFFC80, s14  }
0x15: {  	s15 =	ssub.s32 @!p1 $0x111, s15;
	p2 =	por !p2, p1;
	p3 =	sgt.s32 @!p1 s17, $0x7F  }
0x16: {  	s14 =	ssub.s32 @!p1 $0x400, s14;
	s16 =	simm.s32 @!p2 $0x0;
	p2 =	por !p3, p1  }
0x17: {  	s17 =	sadd.s32 $0x80, s11;
	p3 =	sgt.s32 @!p1 s18, $0x7F;
	s14 =	simm.s32 @!p2 $0x0  }
0x18: {  	s18 =	smov.u32 s12;
	p2 =	por !p3, p1;
	s14 =	smul.u32 @!p1 s16, s14  }
0x19: {  	s15 =	simm.s32 @!p2 $0x0;
	p2 =	sgt.s32 s17, $0x110;
	s16 =	sadd.s32 $0x80, s12  }
0x1a: {  	s19 =	smov.u32 s13;
	s18 =	smov.u32 @p2 s16  }
0x1b: {  	s14 =	smul.u32 @!p1 s15, s14;
	p3 =	sgt.s32 s18, $0x3FF;
	s15 =	sadd.s32 $0x20, s13  }
0x1c: {  	s8 =	sadd.s32 $0x1, s8;
	p0 =	por !p0, !p0;
	s19 =	smov.u32 @p3 s15  }
0x1d: {  	s20 =	simm.s32 @!p1 $0x2;
	s17 =	simm.s32 @p2 $0x0;
	p2 =	sgt.s32 s19, $0x3F  }
0x1e: {  	s16 =	smov.u32 s10;
	s19 =	smov.u32 @p2 s5;
	p2 =	sne.s32 s8, $0x32  }
.Ltmp1:
0x1f: {  	s10 =	smov.u32 s13;
	s18 =	simm.s32 @p3 $0x0;
	(pc) =	sbr.rel @!p2 .LBB1_6-.Ltmp1, $4  }
0x20: {  	s15 =	smov.u32 s7;
	s7 =	smov.u32 s11;
	s14 =	sand.u32 @!p1 $0x3FFFFFFF, s14  }
0x21: {  	s11 =	smov.u32 s17;
	_ =	swait.ge @!p1 [sflag:s20], s14;
	s21 =	ssub.s32 @!p1 $0x0, s14  }
0x22: {  	s14 =	smov.u32 s9;
	s9 =	smov.u32 s12;
	[sflag:s20] =	ssyncset.done @!p1 $0x0  }
0x23: {  	s12 =	smov.u32 s18;
	s13 =	smov.u32 s19;
	[sflag:s20] =	ssyncadd.s32 @!p1 s21  }
.LBB1_1:
0x24: {  	p1 =	sgt.u32 s8, $0x2F  }
0x25: {  	s17 =	sshrl.u32 @!p1 s12, $0x3  }
0x26: {  	s18 =	sshll.u32 @!p1 s11, $0x3;
	s17 =	smul.u32 @!p1 $0xC00, s17  }
0x27: {  	s19 =	sshll.u32 @!p1 s12, $0x7;
	s18 =	sand.u32 @!p1 $0xFFFFFC00, s18  }
0x28: {  	s17 =	sadd.s32 @!p1 s17, s18;
	s18 =	sand.u32 @!p1 $0x380, s19  }
0x29: {  	s19 =	sand.u32 @!p1 $0x7F, s11;
	s17 =	sor.u32 @!p1 s18, s17  }
0x2a: {  	s18 =	sor.u32 @!p1 s19, s17  }
0x2b: {  	s19 =	smulhi.u32 @!p1 $0xAAAAAAAB, s18  }
0x2c: {  	s17 =	smulhi.u32 @!p1 $0xAAAAAAAB, s17  }
0x2d: {  	s19 =	sshrl.u32 @!p1 s19, $0x8  }
0x2e: {  	s17 =	sshrl.u32 @!p1 s17, $0x8;
	s19 =	smul.u32 @!p1 $0x180, s19  }
0x2f: {  	s20 =	sxor.u32 @!p1 $0xFFFFFFFF, s8;
	s21 =	smul.u32 @!p1 $0xC000, s13;
	s17 =	sand.u32 @!p1 $0x3FF, s17  }
0x30: {  	s20 =	sshll.u32 @!p1 s20, $0xE;
	s17 =	smul.u32 @!p1 $0x30, s17;
	s18 =	ssub.s32 @!p1 s18, s19  }
0x31: {  	s19 =	sand.u32 @!p1 $0x4000, s20;
	s20 =	sadd.s32 @!p1 s3, s21;
	s21 =	sand.u32 @!p1 $0x7, s18  }
0x32: {  	s18 =	sshrl.u32 @!p1 s18, $0x3;
	s17 =	sadd.s32 @!p1 s17, s20;
	s20 =	sshll.u32 @!p1 s21, $0x12  }
0x33: {  	s17 =	sadd.s32 @!p1 s18, s17;
	s18 =	sor.u32 @!p1 $0x400, s20;
	s20 =	simm.s32 @!p1 $0xC00  }
0x34: {  	[tilespmem:s19], [sflag:$0x1] =	stream.strided.gather @!p1 [hbm4b:s17+s18], $0x4000, s20, s18, $0x38;
	[tilespmem:$0x10100] =	vst v63  }
0x35: {  	p1 =	seq.s32 s8, $0x0  }
0x36: {  	p2 =	seq.s32 @!p1 s8, $0x31  }
0x37: {  	p1 =	por p1, p2  }
.Ltmp2:
0x38: {  	_ = 	snop;
	(pc) =	sbr.rel @p1 .LBB1_5-.Ltmp2, $1  }
0x39: {  	_ =	sdelay $0x3  }
0x3a: {  	s17 =	simm.s32 $0x1  }
0x3b: {  	_ =	swait.ge [sflag:s4], $0x4000;
	s17 =	simm.s32 @!p0 $0x0  }
0x3c: {  	[sflag:s4] =	ssyncset.done $0x0;
	s18 =	sshll.u32 s17, $0xE  }
0x3d: {  	[sflag:s4] =	ssyncadd.s32 $0xFFFFC000;
	s18 =	sor.u32 $0x40, s18  }
0x3e: {  	s17 =	smul.u32 $0x10200, s17;
	v0 =	vld [tilespmem:s18+$0x30]  }
0x3f: {  	v1 =	vld [tilespmem:s18+$0xFFFFFFD0]  }
0x40: {  	s17 =	sshrl.u32 s17, $0x2;
	v5 =	vld [tilespmem:s18+$0xFFFFFFE0]  }
0x41: {  	v6 =	vld [tilespmem:s18+$0xFFFFFFF0];
	s20 =	sor.u32 $0x8000, s17  }
0x42: {  	s31 =	sand.u32 $0x1, s8;
	v4 =	vld [tilespmem:s18+$0x0];
	s19 =	sadd.s32 $0x0, s20  }
0x43: {  	v3 =	vld [tilespmem:s18+$0x10];
	s17 =	smul.u32 $0x10200, s31;
	[tilespmem:s19+$0x3870 ss:$0x81] =	vst.msk $0xffff, v0  }
0x44: {  	v2 =	vld [tilespmem:s18+$0x20];
	[tilespmem:s19+$0x810 ss:$0x81] =	vst.msk $0xffff, v1  }
0x45: {  	s17 =	sshrl.u32 s17, $0x2;
	v1 =	vld [tilespmem:s18+$0xFFFFFFC0];
	[tilespmem:s19+$0x1020 ss:$0x81] =	vst.msk $0xffff, v5;
	s18 =	sadd.s32 $0x80, s18  }
0x46: {  	s21 =	simm.s32 $0x4;
	s22 =	simm.s32 $0x8;
	s17 =	sor.u32 $0x8000, s17;
	[tilespmem:s19+$0x1830 ss:$0x81] =	vst.msk $0xffff, v6;
	v0 =	vld [tilespmem:s18+$0x30]  }
.LBB1_3:
0x47: {  	p1 =	sne.s32 s22, $0x1FC;
	v5 =	vld [tilespmem:s18+$0xFFFFFFD0];
	[tilespmem:s19+$0x2040 ss:$0x81] =	vst.msk $0xffff, v4  }
0x48: {  	v6 =	vld [tilespmem:s18+$0xFFFFFFE0];
	[tilespmem:s19+$0x2850 ss:$0x81] =	vst.msk $0xffff, v3  }
0x49: {  	s23 =	sshra.s32 s21, $0x2;
	s21 =	smov.u32 s22;
	v7 =	vld [tilespmem:s18+$0xFFFFFFF0];
	[tilespmem:s19+$0x3060 ss:$0x81] =	vst.msk $0xffff, v2  }
.Ltmp3:
0x4a: {  	v4 =	vld [tilespmem:s18+$0x0];
	[tilespmem:s19+$0x0 ss:$0x81] =	vst.msk $0xffff, v1;
	s19 =	sadd.s32 s23, s20;
	(pc) =	sbr.rel @p1 .LBB1_3-.Ltmp3, $4  }
0x4b: {  	v3 =	vld [tilespmem:s18+$0x10];
	[tilespmem:s19+$0x3870 ss:$0x81] =	vst.msk $0xffff, v0  }
0x4c: {  	[tilespmem:s19+$0x810 ss:$0x81] =	vst.msk $0xffff, v5;
	v2 =	vld [tilespmem:s18+$0x20]  }
0x4d: {  	v1 =	vld [tilespmem:s18+$0xFFFFFFC0];
	[tilespmem:s19+$0x1020 ss:$0x81] =	vst.msk $0xffff, v6;
	s18 =	sadd.s32 $0x80, s18  }
0x4e: {  	s22 =	sadd.s32 $0x4, s22;
	v0 =	vld [tilespmem:s18+$0x30];
	[tilespmem:s19+$0x1830 ss:$0x81] =	vst.msk $0xffff, v7  }
0x4f: {  	s21 =	sshra.s32 s21, $0x2;
	p1 =	sgt.s32 s7, $0x91;
	s22 =	smov.u32 s7  }
0x50: {  	s23 =	smov.u32 s10;
	s24 =	sshra.s32 s10, $0x1F;
	s26 =	sshra.s32 s9, $0x1F  }
0x51: {  	s27 =	sshra.s32 s7, $0x1F;
	s22 =	simm.s32 @!p1 $0x91;
	p1 =	sgt.s32 s10, $0x3F  }
0x52: {  	s28 =	sand.u32 $0x78, s9;
	s25 =	sand.u32 s24, s10;
	s23 =	simm.s32 @!p1 $0x3F  }
0x53: {  	s20 =	sadd.s32 s21, s20;
	s24 =	sand.u32 s26, s9;
	s21 =	ssub.s32 s23, s25  }
0x54: {  	v5 =	vld [tilespmem:s18+$0xFFFFFFD0];
	[tilespmem:s19+$0x2040 ss:$0x81] =	vst.msk $0xffff, v4;
	p1 =	sgt.s32 s9, $0x380;
	s23 =	smov.u32 s9;
	s25 =	sadd.s32 $0xFFFFFFC1, s21  }
0x55: {  	v58 =	vld [tilespmem:s18+$0xFFFFFFE0];
	[tilespmem:s19+$0x2850 ss:$0x81] =	vst.msk $0xffff, v3;
	s23 =	simm.s32 @!p1 $0x380;
	p1 =	sgt.s32 s25, $0x0;
	s25 =	sand.u32 s27, s7  }
0x56: {  	v59 =	vld [tilespmem:s18+$0xFFFFFFF0];
	[tilespmem:s19+$0x3060 ss:$0x81] =	vst.msk $0xffff, v2;
	s21 =	ssub.s32 $0x40, s21;
	s23 =	ssub.s32 s23, s24;
	s29 =	ssub.s32 s22, s25  }
0x57: {  	v60 =	vld [tilespmem:s18+$0x0];
	[tilespmem:s19+$0x0 ss:$0x81] =	vst.msk $0xffff, v1;
	s21 =	simm.s32 @p1 $0x0;
	s30 =	sadd.s32 $0xFFFFFC80, s23;
	s23 =	ssub.s32 $0x400, s23  }
0x58: {  	v61 =	vld [tilespmem:s18+$0x10];
	[tilespmem:s20+$0x3870 ss:$0x81] =	vst.msk $0xffff, v0;
	s25 =	sshll.u32 s10, $0x7;
	p1 =	sgt.s32 s30, $0x7F;
	s31 =	sadd.s32 $0xFFFFFF6F, s29  }
0x59: {  	v62 =	vld [tilespmem:s18+$0x20];
	[tilespmem:s20+$0x810 ss:$0x81] =	vst.msk $0xffff, v5;
	s27 =	sand.u32 $0x380, s25;
	s19 =	ssub.s32 $0x111, s29;
	s22 =	sand.u32 $0x1C00, s25  }
0x5a: {  	v63 =	vld [tilespmem:s18+$0xFFFFFFC0];
	[tilespmem:s20+$0x1020 ss:$0x81] =	vst.msk $0xffff, v58;
	s29 =	sand.u32 $0x7, s9;
	s23 =	simm.s32 @p1 $0x0;
	p1 =	sgt.s32 s31, $0x7F  }
0x5b: {  	[tilespmem:s20+$0x1830 ss:$0x81] =	vst.msk $0xffff, v59;
	s22 =	sadd.s32 s9, s22;
	s26 =	smul.u32 s21, s23;
	s21 =	sor.u32 s28, s27  }
.Ltmp4:
0x5c: {  	[tilespmem:s20+$0x2040 ss:$0x81] =	vst.msk $0xffff, v60;
	s19 =	simm.s32 @p1 $0x0;
	s28 =	sshll.u32 s7, $0xD;
	(pc) =	sbr.rel .LBB1_5-.Ltmp4, $4  }
0x5d: {  	[tilespmem:s20+$0x2850 ss:$0x81] =	vst.msk $0xffff, v61;
	s21 =	sshrl.u32 s21, $0x3;
	s18 =	smul.u32 s19, s26;
	s19 =	sadd.s32 s2, s28  }
0x5e: {  	[tilespmem:s20+$0x3060 ss:$0x81] =	vst.msk $0xffff, v62;
	s30 =	sshll.u32 s29, $0x12;
	s22 =	sand.u32 $0x1F80, s22;
	s19 =	sadd.s32 s21, s19  }
0x5f: {  	[tilespmem:s20+$0x0 ss:$0x81] =	vst.msk $0xffff, v63;
	s31 =	sor.u32 $0x80, s30;
	s18 =	sand.u32 $0x3FFFFFFF, s18;
	s19 =	sadd.s32 s22, s19  }
0x60: {  	[hbm4b:s19+s31] =	stream.strided.scatter [tilespmem:s17], [sflag:$0x2], s18, s6, s31, $0x20;
	[tilespmem:$0x10100] =	vst v63  }
.LBB1_6:
0x61: {  	_ =	sfence.sel $0x180000  }
0x62: {  	s2 =	simm.s32 $0x1;
	[bflag:$0x0] =	sbarrier.arrive $0xFFFF  }
0x63: {  	s31 =	simm.s32 $0x2;
	[sflag:s2] =	ssyncpa.u1 $0x1  }
0x64: {  	[sflag:s31] =	ssyncpa.u1 $0x1  }
0x65: {  	p0 =	sne.s32 s1, $0x0;
	_ =	strace $0x9000004A  }
0x66: {  	s0 =	sadd.s32 @!p0 $0x100000, s0;
	[bflag:$0x2] =	sbarrier.arrive $0xFFFF  }
0x67: {  	[sflag:s0] =	ssyncadd.tile.s32 @!p0 $0x1;
	_ =	shalt  }
.Lfunc_end1:
_tile_overlayer_lowered:
.L_overlay_start_2:
0x68: {  	(tag) =	ssettag $0x2  }
0x69: {  	s0 =	rddreg [dreg:$0x0];
	s2 =	stileid.u32  }
0x6a: {  	s1 =	rddreg [dreg:$0x1];
	p0 =	sne.s32 s2, $0x0  }
0x6b: {  	s3 =	rddreg [dreg:$0x2];
	[bflag:$0x3] =	sbarrier.arrive $0xFFFF;
	s2 =	simm.s32 @!p0 $0x1C01  }
0x6c: {  	[timem:s3], [sflag:s2] =	dma.local @!p0 [hbm:s0], s1  }
0x6d: {  	s0 =	simm.s32 @!p0 $0x1  }
0x6e: {  	_ =	swait.ge @!p0 [sflag:s0], s1  }
0x6f: {  	s1 =	ssub.s32 @!p0 $0x0, s1;
	[sflag:s0] =	ssyncset.done @!p0 $0x0  }
0x70: {  	[sflag:s0] =	ssyncadd.s32 @!p0 s1  }
0x71: {  	[bflag:$0x3] =	sbarrier.arrive $0xFFFF  }
0x72: {  	_ =	shalt  }

</sc_bundles>
